<compile_context>
chip_gen: v7x
topology: tpu7x:2x2x1
jax: 0.10.2.dev20260603
libtpu: 0.0.44.dev20260713+nightly
codegen_flags: <defaults>
</compile_context>

<pallas_src>
import functools

import jax
import jax.numpy as jnp
from jax import lax
from jax.experimental import pallas as pl
from jax.experimental.pallas import tpu as pltpu

_IOU_T = 0.5
_WIN = (0.0, 0.0, 512.0, 512.0)
_L = 128
_SENT = -1.0e6


def _nms_body(sa_ref, sd_ref, boxes_ref, keep_ref,
              y1r, x1r, y2r, x2r, arr,
              sy1, sx1, sy2, sx2, sar, accr, *, nrows, nsrv):
    a0, a1, a2, a3 = sa_ref[0], sa_ref[1], sa_ref[2], sa_ref[3]
    d0, d1, d2, d3 = sd_ref[0], sd_ref[1], sd_ref[2], sd_ref[3]
    height = a2 - a0
    width = a3 - a1
    cy = a0 + 0.5 * height
    cx = a1 + 0.5 * width
    cy = cy + d0 * height
    cx = cx + d1 * width
    height = height * jnp.exp(d2)
    width = width * jnp.exp(d3)
    y1 = cy - 0.5 * height
    x1 = cx - 0.5 * width
    y2 = y1 + height
    x2 = x1 + width
    y1 = jnp.clip(y1, _WIN[0], _WIN[2])
    x1 = jnp.clip(x1, _WIN[1], _WIN[3])
    y2 = jnp.clip(y2, _WIN[0], _WIN[2])
    x2 = jnp.clip(x2, _WIN[1], _WIN[3])
    boxes_ref[0] = y1
    boxes_ref[1] = x1
    boxes_ref[2] = y2
    boxes_ref[3] = x2
    y1r[...] = y1
    x1r[...] = x1
    y2r[...] = y2
    x2r[...] = x2
    arr[...] = (y2 - y1 + 1.0) * (x2 - x1 + 1.0)

    lane = lax.broadcasted_iota(jnp.int32, (1, _L), 1)
    rr_i = lax.broadcasted_iota(jnp.int32, (_L, _L), 0)
    cc_i = lax.broadcasted_iota(jnp.int32, (_L, _L), 1)
    lower = rr_i > cc_i
    lte = (rr_i <= cc_i).astype(jnp.float32)

    sent_row = jnp.full((1, _L), _SENT, jnp.float32)
    one_row = jnp.ones((1, _L), jnp.float32)

    sy1[...] = jnp.full((nsrv, _L), _SENT, jnp.float32)
    sx1[...] = jnp.full((nsrv, _L), _SENT, jnp.float32)
    sy2[...] = jnp.full((nsrv, _L), _SENT, jnp.float32)
    sx2[...] = jnp.full((nsrv, _L), _SENT, jnp.float32)
    sar[...] = jnp.ones((nsrv, _L), jnp.float32)

    def block_step(b, carry):
        nfull, c, gy1, gx1, gy2, gx2, gar = carry

        sy1[pl.ds(nfull, 1), :] = gy1
        sx1[pl.ds(nfull, 1), :] = gx1
        sy2[pl.ds(nfull, 1), :] = gy2
        sx2[pl.ds(nfull, 1), :] = gx2
        sar[pl.ds(nfull, 1), :] = gar

        by1 = y1r[pl.ds(b, 1), :]
        bx1 = x1r[pl.ds(b, 1), :]
        by2 = y2r[pl.ds(b, 1), :]
        bx2 = x2r[pl.ds(b, 1), :]
        bar = arr[pl.ds(b, 1), :]
        by1c = jnp.transpose(by1)
        bx1c = jnp.transpose(bx1)
        by2c = jnp.transpose(by2)
        bx2c = jnp.transpose(bx2)
        barc = jnp.transpose(bar)

        accr[...] = jnp.zeros((_L, _L), jnp.int32)

        def cross(t, _):
            acc = jnp.zeros((_L, _L), jnp.int32)
            gy1t = sy1[pl.ds(8 * t, 8), :]
            gx1t = sx1[pl.ds(8 * t, 8), :]
            gy2t = sy2[pl.ds(8 * t, 8), :]
            gx2t = sx2[pl.ds(8 * t, 8), :]
            gart = sar[pl.ds(8 * t, 8), :]
            for u in range(8):
                ry1 = gy1t[u:u + 1, :]
                rx1 = gx1t[u:u + 1, :]
                ry2 = gy2t[u:u + 1, :]
                rx2 = gx2t[u:u + 1, :]
                rar = gart[u:u + 1, :]
                cy1 = jnp.maximum(by1c, ry1)
                cx1 = jnp.maximum(bx1c, rx1)
                cy2 = jnp.minimum(by2c, ry2)
                cx2 = jnp.minimum(bx2c, rx2)
                ch = jnp.maximum(0.0, cy2 - cy1 + 1.0)
                cw = jnp.maximum(0.0, cx2 - cx1 + 1.0)
                cinter = ch * cw
                ciou = cinter / (barc + rar - cinter)
                acc = acc | jnp.where(ciou >= _IOU_T, 1, 0)
            accr[...] = accr[...] | acc
            return 0

        trips = (nfull >> 3) + 1
        lax.fori_loop(0, trips, cross, 0)
        s0 = jnp.max(accr[...], axis=1, keepdims=True)

        yy1 = jnp.maximum(by1c, by1)
        xx1 = jnp.maximum(bx1c, bx1)
        yy2 = jnp.minimum(by2c, by2)
        xx2 = jnp.minimum(bx2c, bx2)
        hgt = jnp.maximum(0.0, yy2 - yy1 + 1.0)
        wdt = jnp.maximum(0.0, xx2 - xx1 + 1.0)
        inter = hgt * wdt
        iou = inter / (barc + bar - inter)
        mt = jnp.where((iou >= _IOU_T) & lower, 1, 0)

        def fp_cond(cr):
            s, sp, it = cr
            return (it < 1) | (jnp.max(jnp.abs(s - sp)) > 0)

        def fp_body(cr):
            s, sp, it = cr
            kept_row = jnp.where(jnp.transpose(s) == 0, 1, 0)
            s_new = s0 | jnp.max(mt * kept_row, axis=1, keepdims=True)
            return (s_new, s, it + 1)

        s, _, _ = lax.while_loop(fp_cond, fp_body, (s0, s0, 0))

        srow = jnp.transpose(s)
        keep_ref[pl.ds(b, 1), :] = srow == 0

        kf = jnp.where(srow == 0, 1.0, 0.0)
        cs = lax.dot_general(kf, lte, (((1,), (0,)), ((), ())),
                             precision=lax.Precision.HIGHEST,
                             preferred_element_type=jnp.float32)
        k = jnp.sum(kf).astype(jnp.int32)
        csc = jnp.transpose(cs)
        kfc = jnp.transpose(kf)
        pt = jnp.where((csc - 1.0 == lane.astype(jnp.float32)) & (kfc > 0.0),
                       1.0, 0.0)
        stack = jnp.concatenate([by1, bx1, by2, bx2, bar,
                                 sent_row, sent_row, sent_row], axis=0)
        comp = lax.dot_general(stack, pt, (((1,), (0,)), ((), ())),
                               precision=lax.Precision.HIGHEST,
                               preferred_element_type=jnp.float32)
        valid = lane < k
        cmy1 = jnp.where(valid, comp[0:1, :], sent_row)
        cmx1 = jnp.where(valid, comp[1:2, :], sent_row)
        cmy2 = jnp.where(valid, comp[2:3, :], sent_row)
        cmx2 = jnp.where(valid, comp[3:4, :], sent_row)
        cmar = jnp.where(valid, comp[4:5, :], one_row)

        rly1 = pltpu.roll(cmy1, c, 1)
        rlx1 = pltpu.roll(cmx1, c, 1)
        rly2 = pltpu.roll(cmy2, c, 1)
        rlx2 = pltpu.roll(cmx2, c, 1)
        rlar = pltpu.roll(cmar, c, 1)
        in_hi = lane >= c
        mgy1 = jnp.where(in_hi, rly1, gy1)
        mgx1 = jnp.where(in_hi, rlx1, gx1)
        mgy2 = jnp.where(in_hi, rly2, gy2)
        mgx2 = jnp.where(in_hi, rlx2, gx2)
        mgar = jnp.where(in_hi, rlar, gar)

        flush = (c + k) >= _L
        c_new = jnp.where(flush, c + k - _L, c + k)

        @pl.when(flush)
        def _():
            sy1[pl.ds(nfull, 1), :] = mgy1
            sx1[pl.ds(nfull, 1), :] = mgx1
            sy2[pl.ds(nfull, 1), :] = mgy2
            sx2[pl.ds(nfull, 1), :] = mgx2
            sar[pl.ds(nfull, 1), :] = mgar

        nfull_new = nfull + jnp.where(flush, 1, 0)
        in_lo = lane < c_new
        ny1 = jnp.where(flush, jnp.where(in_lo, rly1, sent_row), mgy1)
        nx1 = jnp.where(flush, jnp.where(in_lo, rlx1, sent_row), mgx1)
        ny2 = jnp.where(flush, jnp.where(in_lo, rly2, sent_row), mgy2)
        nx2 = jnp.where(flush, jnp.where(in_lo, rlx2, sent_row), mgx2)
        nar = jnp.where(flush, jnp.where(in_lo, rlar, one_row), mgar)

        return (nfull_new, c_new, ny1, nx1, ny2, nx2, nar)

    init = (jnp.int32(0), jnp.int32(0), sent_row, sent_row, sent_row,
            sent_row, one_row)
    lax.fori_loop(0, nrows, block_step, init)


def kernel(anchors, deltas, scores):
    n = scores.shape[0]
    nrows = (n + _L - 1) // _L
    pad = nrows * _L - n

    order = jnp.argsort(-scores)
    sa = jnp.pad(anchors[order], ((0, pad), (0, 0)))
    sd = jnp.pad(deltas[order], ((0, pad), (0, 0)))
    ss = scores[order]

    sa4 = sa.T.reshape(4, nrows, _L)
    sd4 = sd.T.reshape(4, nrows, _L)

    nsrv = ((nrows + 8) // 8) * 8
    boxes4, keep = pl.pallas_call(
        functools.partial(_nms_body, nrows=nrows, nsrv=nsrv),
        out_shape=[
            jax.ShapeDtypeStruct((4, nrows, _L), jnp.float32),
            jax.ShapeDtypeStruct((nrows, _L), jnp.bool_),
        ],
        scratch_shapes=(
            [pltpu.VMEM((nrows, _L), jnp.float32)] * 5
            + [pltpu.VMEM((nsrv, _L), jnp.float32)] * 5
            + [pltpu.VMEM((_L, _L), jnp.int32)]
        ),
    )(sa4, sd4)

    boxes_s = boxes4.reshape(4, nrows * _L)[:, :n].T
    keep_s = keep.reshape(nrows * _L)[:n]
    dets_sorted = jnp.concatenate([boxes_s, ss[:, None]], axis=1)
    dets_sorted = dets_sorted * keep_s[:, None].astype(jnp.float32)
    return jnp.zeros((n, 5), jnp.float32).at[order].add(dets_sorted)

# --- scband reference (transcript-rebuilt; emitter-appended) ---
"""Pipeline reference for scband-retina-unet-core-14920716387180 (READ-ONLY COPY).

The authoritative reference and input builder live on the scoring server;
editing this copy changes nothing except your own understanding.
"""

import jax, jax.numpy as jnp
import numpy as np
from jax import lax

N = 20000
IOU_THRESH = 0.5
WINDOW = (0.0, 0.0, 512.0, 512.0)  # y1, x1, y2, x2


def setup_inputs(seed: int = 0) -> dict:
    key = jax.random.key(seed)
    k1, k2, k3, k4, k5, k6 = jax.random.split(key, 6)
    # realistic anchor boxes: centers uniform in the 512x512 window, sizes in [16, 64]
    cy = jax.random.uniform(k1, (N,), minval=0.0, maxval=512.0)
    cx = jax.random.uniform(k2, (N,), minval=0.0, maxval=512.0)
    h = jax.random.uniform(k3, (N,), minval=16.0, maxval=64.0)
    w = jax.random.uniform(k4, (N,), minval=16.0, maxval=64.0)
    anchors = jnp.stack([cy - 0.5 * h, cx - 0.5 * w, cy + 0.5 * h, cx + 0.5 * w], axis=1).astype(jnp.float32)
    # small regression deltas as a detection head would emit
    deltas = (jax.random.normal(k5, (N, 4)) * 0.1).astype(jnp.float32)
    scores = jax.random.uniform(k6, (N,), minval=0.0, maxval=1.0).astype(jnp.float32)
    return {"anchors": anchors, "deltas": deltas, "scores": scores}


def apply_box_deltas_2d(boxes, deltas):
    # faithful port of apply_box_deltas_2D (y1, x1, y2, x2 convention)
    height = boxes[:, 2] - boxes[:, 0]
    width = boxes[:, 3] - boxes[:, 1]
    center_y = boxes[:, 0] + 0.5 * height
    center_x = boxes[:, 1] + 0.5 * width
    center_y = center_y + deltas[:, 0] * height
    center_x = center_x + deltas[:, 1] * width
    height = height * jnp.exp(deltas[:, 2])
    width = width * jnp.exp(deltas[:, 3])
    y1 = center_y - 0.5 * height
    x1 = center_x - 0.5 * width
    y2 = y1 + height
    x2 = x1 + width
    return jnp.stack([y1, x1, y2, x2], axis=1)


def clip_to_window(boxes, window):
    y1 = jnp.clip(boxes[:, 0], window[0], window[2])
    x1 = jnp.clip(boxes[:, 1], window[1], window[3])
    y2 = jnp.clip(boxes[:, 2], window[0], window[2])
    x2 = jnp.clip(boxes[:, 3], window[1], window[3])
    return jnp.stack([y1, x1, y2, x2], axis=1)


def nms_keep_mask(boxes, scores, thresh):
    # greedy NMS over score-descending order, identical to the gpu_nms fallback
    n = boxes.shape[0]
    order = jnp.argsort(-scores)  # sort(0, descending=True)[1]
    b = boxes[order]
    y1, x1, y2, x2 = b[:, 0], b[:, 1], b[:, 2], b[:, 3]
    areas = (y2 - y1 + 1.0) * (x2 - x1 + 1.0)
    idx = jnp.arange(n)

    def body(i, suppressed):
        yy1 = jnp.maximum(y1[i], y1)
        xx1 = jnp.maximum(x1[i], x1)
        yy2 = jnp.minimum(y2[i], y2)
        xx2 = jnp.minimum(x2[i], x2)
        hgt = jnp.maximum(0.0, yy2 - yy1 + 1.0)
        wdt = jnp.maximum(0.0, xx2 - xx1 + 1.0)
        inter = hgt * wdt
        iou = inter / (areas[i] + areas - inter)
        new_sup = suppressed | ((~suppressed[i]) & (idx > i) & (iou >= thresh))
        return new_sup

    suppressed = lax.fori_loop(0, n, body, jnp.zeros((n,), dtype=bool))
    keep_sorted = ~suppressed
    # map keep decisions (in sorted order) back to original box order
    mask = jnp.zeros((n,), dtype=bool).at[order].set(keep_sorted)
    return mask


def reference(anchors, deltas, scores):
    boxes = apply_box_deltas_2d(anchors, deltas)
    boxes = clip_to_window(boxes, WINDOW)
    keep = lax.stop_gradient(nms_keep_mask(boxes, scores, IOU_THRESH))
    dets = jnp.concatenate([boxes, scores[:, None]], axis=1)
    return dets * keep[:, None].astype(dets.dtype)

if __name__ == "__main__":
    import jax
    _d = setup_inputs()
    print(jax.jit(kernel)(*tuple(_d.values())))

</pallas_src>

<mosaic_0001>
module attributes {stable_mosaic.version = 14 : i64} {
  func.func @_nms_body(%arg0: memref<4x157x128xf32, #tpu.memory_space<vmem>>, %arg1: memref<4x157x128xf32, #tpu.memory_space<vmem>>, %arg2: memref<4x157x128xf32, #tpu.memory_space<vmem>>, %arg3: memref<157x128xi32, #tpu.memory_space<vmem>>, %arg4: memref<157x128xf32, #tpu.memory_space<vmem>>, %arg5: memref<157x128xf32, #tpu.memory_space<vmem>>, %arg6: memref<157x128xf32, #tpu.memory_space<vmem>>, %arg7: memref<157x128xf32, #tpu.memory_space<vmem>>, %arg8: memref<157x128xf32, #tpu.memory_space<vmem>>, %arg9: memref<160x128xf32, #tpu.memory_space<vmem>>, %arg10: memref<160x128xf32, #tpu.memory_space<vmem>>, %arg11: memref<160x128xf32, #tpu.memory_space<vmem>>, %arg12: memref<160x128xf32, #tpu.memory_space<vmem>>, %arg13: memref<160x128xf32, #tpu.memory_space<vmem>>, %arg14: memref<128x128xi32, #tpu.memory_space<vmem>>) attributes {dimension_semantics = [], scalar_prefetch = 0 : i64, scratch_operands = 11 : i64, tpu.core_type = #tpu.core_type<tc>} {
    %get3A = arith.constant 0 : index
    %get3A_0 = arith.constant 0 : index
    %get3A_1 = arith.constant 0 : index
    %get3A_2 = vector.load %arg0[%get3A, %get3A_0, %get3A_1] : memref<4x157x128xf32, #tpu.memory_space<vmem>>, vector<1x157x128xf32>
    %get3A_3 = vector.shape_cast %get3A_2 : vector<1x157x128xf32> to vector<157x128xf32>
    %get3A_4 = arith.constant 1 : index
    %get3A_5 = arith.constant 0 : index
    %get3A_6 = arith.constant 0 : index
    %get3A_7 = vector.load %arg0[%get3A_4, %get3A_5, %get3A_6] : memref<4x157x128xf32, #tpu.memory_space<vmem>>, vector<1x157x128xf32>
    %get3A_8 = vector.shape_cast %get3A_7 : vector<1x157x128xf32> to vector<157x128xf32>
    %get3A_9 = arith.constant 2 : index
    %get3A_10 = arith.constant 0 : index
    %get3A_11 = arith.constant 0 : index
    %get3A_12 = vector.load %arg0[%get3A_9, %get3A_10, %get3A_11] : memref<4x157x128xf32, #tpu.memory_space<vmem>>, vector<1x157x128xf32>
    %get3A_13 = vector.shape_cast %get3A_12 : vector<1x157x128xf32> to vector<157x128xf32>
    %get3A_14 = arith.constant 3 : index
    %get3A_15 = arith.constant 0 : index
    %get3A_16 = arith.constant 0 : index
    %get3A_17 = vector.load %arg0[%get3A_14, %get3A_15, %get3A_16] : memref<4x157x128xf32, #tpu.memory_space<vmem>>, vector<1x157x128xf32>
    %get3A_18 = vector.shape_cast %get3A_17 : vector<1x157x128xf32> to vector<157x128xf32>
    %get3A_19 = arith.constant 0 : index
    %get3A_20 = arith.constant 0 : index
    %get3A_21 = arith.constant 0 : index
    %get3A_22 = vector.load %arg1[%get3A_19, %get3A_20, %get3A_21] : memref<4x157x128xf32, #tpu.memory_space<vmem>>, vector<1x157x128xf32>
    %get3A_23 = vector.shape_cast %get3A_22 : vector<1x157x128xf32> to vector<157x128xf32>
    %get3A_24 = arith.constant 1 : index
    %get3A_25 = arith.constant 0 : index
    %get3A_26 = arith.constant 0 : index
    %get3A_27 = vector.load %arg1[%get3A_24, %get3A_25, %get3A_26] : memref<4x157x128xf32, #tpu.memory_space<vmem>>, vector<1x157x128xf32>
    %get3A_28 = vector.shape_cast %get3A_27 : vector<1x157x128xf32> to vector<157x128xf32>
    %get3A_29 = arith.constant 2 : index
    %get3A_30 = arith.constant 0 : index
    %get3A_31 = arith.constant 0 : index
    %get3A_32 = vector.load %arg1[%get3A_29, %get3A_30, %get3A_31] : memref<4x157x128xf32, #tpu.memory_space<vmem>>, vector<1x157x128xf32>
    %get3A_33 = vector.shape_cast %get3A_32 : vector<1x157x128xf32> to vector<157x128xf32>
    %get3A_34 = arith.constant 3 : index
    %get3A_35 = arith.constant 0 : index
    %get3A_36 = arith.constant 0 : index
    %get3A_37 = vector.load %arg1[%get3A_34, %get3A_35, %get3A_36] : memref<4x157x128xf32, #tpu.memory_space<vmem>>, vector<1x157x128xf32>
    %get3A_38 = vector.shape_cast %get3A_37 : vector<1x157x128xf32> to vector<157x128xf32>
    %sub3A = arith.subf %get3A_13, %get3A_3 : vector<157x128xf32>
    %sub3A_39 = arith.subf %get3A_18, %get3A_8 : vector<157x128xf32>
    %mul3A = arith.constant 5.000000e-01 : f32
    %mul3A_40 = vector.broadcast %mul3A : f32 to vector<157x128xf32>
    %mul3A_41 = arith.mulf %mul3A_40, %sub3A : vector<157x128xf32>
    %add3A = arith.addf %get3A_3, %mul3A_41 : vector<157x128xf32>
    %mul3A_42 = arith.constant 5.000000e-01 : f32
    %mul3A_43 = vector.broadcast %mul3A_42 : f32 to vector<157x128xf32>
    %mul3A_44 = arith.mulf %mul3A_43, %sub3A_39 : vector<157x128xf32>
    %add3A_45 = arith.addf %get3A_8, %mul3A_44 : vector<157x128xf32>
    %mul3A_46 = arith.mulf %get3A_23, %sub3A : vector<157x128xf32>
    %add3A_47 = arith.addf %add3A, %mul3A_46 : vector<157x128xf32>
    %mul3A_48 = arith.mulf %get3A_28, %sub3A_39 : vector<157x128xf32>
    %add3A_49 = arith.addf %add3A_45, %mul3A_48 : vector<157x128xf32>
    %exp3A = math.exp %get3A_33 : vector<157x128xf32>
    %mul3A_50 = arith.mulf %sub3A, %exp3A : vector<157x128xf32>
    %exp3A_51 = math.exp %get3A_38 : vector<157x128xf32>
    %mul3A_52 = arith.mulf %sub3A_39, %exp3A_51 : vector<157x128xf32>
    %mul3A_53 = arith.constant 5.000000e-01 : f32
    %mul3A_54 = vector.broadcast %mul3A_53 : f32 to vector<157x128xf32>
    %mul3A_55 = arith.mulf %mul3A_54, %mul3A_50 : vector<157x128xf32>
    %sub3A_56 = arith.subf %add3A_47, %mul3A_55 : vector<157x128xf32>
    %mul3A_57 = arith.constant 5.000000e-01 : f32
    %mul3A_58 = vector.broadcast %mul3A_57 : f32 to vector<157x128xf32>
    %mul3A_59 = arith.mulf %mul3A_58, %mul3A_52 : vector<157x128xf32>
    %sub3A_60 = arith.subf %add3A_49, %mul3A_59 : vector<157x128xf32>
    %add3A_61 = arith.addf %sub3A_56, %mul3A_50 : vector<157x128xf32>
    %add3A_62 = arith.addf %sub3A_60, %mul3A_52 : vector<157x128xf32>
    %jit3A = arith.constant 0.000000e+00 : f32
    %jit3A_63 = arith.constant 5.120000e+02 : f32
    %max3A = vector.broadcast %jit3A : f32 to vector<157x128xf32>
    %max3A_64 = arith.maximumf %max3A, %sub3A_56 : vector<157x128xf32>
    %min3A = vector.broadcast %jit3A_63 : f32 to vector<157x128xf32>
    %min3A_65 = arith.minimumf %min3A, %max3A_64 : vector<157x128xf32>
    %jit3A_66 = arith.constant 0.000000e+00 : f32
    %jit3A_67 = arith.constant 5.120000e+02 : f32
    %max3A_68 = vector.broadcast %jit3A_66 : f32 to vector<157x128xf32>
    %max3A_69 = arith.maximumf %max3A_68, %sub3A_60 : vector<157x128xf32>
    %min3A_70 = vector.broadcast %jit3A_67 : f32 to vector<157x128xf32>
    %min3A_71 = arith.minimumf %min3A_70, %max3A_69 : vector<157x128xf32>
    %jit3A_72 = arith.constant 0.000000e+00 : f32
    %jit3A_73 = arith.constant 5.120000e+02 : f32
    %max3A_74 = vector.broadcast %jit3A_72 : f32 to vector<157x128xf32>
    %max3A_75 = arith.maximumf %max3A_74, %add3A_61 : vector<157x128xf32>
    %min3A_76 = vector.broadcast %jit3A_73 : f32 to vector<157x128xf32>
    %min3A_77 = arith.minimumf %min3A_76, %max3A_75 : vector<157x128xf32>
    %jit3A_78 = arith.constant 0.000000e+00 : f32
    %jit3A_79 = arith.constant 5.120000e+02 : f32
    %max3A_80 = vector.broadcast %jit3A_78 : f32 to vector<157x128xf32>
    %max3A_81 = arith.maximumf %max3A_80, %add3A_62 : vector<157x128xf32>
    %min3A_82 = vector.broadcast %jit3A_79 : f32 to vector<157x128xf32>
    %min3A_83 = arith.minimumf %min3A_82, %max3A_81 : vector<157x128xf32>
    %swap3A = arith.constant 0 : index
    %swap3A_84 = arith.constant 0 : index
    %swap3A_85 = arith.constant 0 : index
    %swap3A_86 = vector.load %arg2[%swap3A, %swap3A_84, %swap3A_85] : memref<4x157x128xf32, #tpu.memory_space<vmem>>, vector<1x157x128xf32>
    %swap3A_87 = vector.shape_cast %swap3A_86 : vector<1x157x128xf32> to vector<157x128xf32>
    %swap3A_88 = vector.shape_cast %min3A_65 : vector<157x128xf32> to vector<1x157x128xf32>
    tpu.vector_store %arg2[%swap3A, %swap3A_84, %swap3A_85], %swap3A_88 {strides = array<i32>} : memref<4x157x128xf32, #tpu.memory_space<vmem>>, vector<1x157x128xf32>,
    %swap3A_89 = arith.constant 1 : index
    %swap3A_90 = arith.constant 0 : index
    %swap3A_91 = arith.constant 0 : index
    %swap3A_92 = vector.load %arg2[%swap3A_89, %swap3A_90, %swap3A_91] : memref<4x157x128xf32, #tpu.memory_space<vmem>>, vector<1x157x128xf32>
    %swap3A_93 = vector.shape_cast %swap3A_92 : vector<1x157x128xf32> to vector<157x128xf32>
    %swap3A_94 = vector.shape_cast %min3A_71 : vector<157x128xf32> to vector<1x157x128xf32>
    tpu.vector_store %arg2[%swap3A_89, %swap3A_90, %swap3A_91], %swap3A_94 {strides = array<i32>} : memref<4x157x128xf32, #tpu.memory_space<vmem>>, vector<1x157x128xf32>,
    %swap3A_95 = arith.constant 2 : index
    %swap3A_96 = arith.constant 0 : index
    %swap3A_97 = arith.constant 0 : index
    %swap3A_98 = vector.load %arg2[%swap3A_95, %swap3A_96, %swap3A_97] : memref<4x157x128xf32, #tpu.memory_space<vmem>>, vector<1x157x128xf32>
    %swap3A_99 = vector.shape_cast %swap3A_98 : vector<1x157x128xf32> to vector<157x128xf32>
    %swap3A_100 = vector.shape_cast %min3A_77 : vector<157x128xf32> to vector<1x157x128xf32>
    tpu.vector_store %arg2[%swap3A_95, %swap3A_96, %swap3A_97], %swap3A_100 {strides = array<i32>} : memref<4x157x128xf32, #tpu.memory_space<vmem>>, vector<1x157x128xf32>,
    %swap3A_101 = arith.constant 3 : index
    %swap3A_102 = arith.constant 0 : index
    %swap3A_103 = arith.constant 0 : index
    %swap3A_104 = vector.load %arg2[%swap3A_101, %swap3A_102, %swap3A_103] : memref<4x157x128xf32, #tpu.memory_space<vmem>>, vector<1x157x128xf32>
    %swap3A_105 = vector.shape_cast %swap3A_104 : vector<1x157x128xf32> to vector<157x128xf32>
    %swap3A_106 = vector.shape_cast %min3A_83 : vector<157x128xf32> to vector<1x157x128xf32>
    tpu.vector_store %arg2[%swap3A_101, %swap3A_102, %swap3A_103], %swap3A_106 {strides = array<i32>} : memref<4x157x128xf32, #tpu.memory_space<vmem>>, vector<1x157x128xf32>,
    %swap3A_107 = arith.constant 0 : index
    %swap3A_108 = arith.constant 0 : index
    %swap3A_109 = vector.load %arg4[%swap3A_107, %swap3A_108] : memref<157x128xf32, #tpu.memory_space<vmem>>, vector<157x128xf32>
    tpu.vector_store %arg4[%swap3A_107, %swap3A_108], %min3A_65 {strides = array<i32>} : memref<157x128xf32, #tpu.memory_space<vmem>>, vector<157x128xf32>,
    %swap3A_110 = arith.constant 0 : index
    %swap3A_111 = arith.constant 0 : index
    %swap3A_112 = vector.load %arg5[%swap3A_110, %swap3A_111] : memref<157x128xf32, #tpu.memory_space<vmem>>, vector<157x128xf32>
    tpu.vector_store %arg5[%swap3A_110, %swap3A_111], %min3A_71 {strides = array<i32>} : memref<157x128xf32, #tpu.memory_space<vmem>>, vector<157x128xf32>,
    %swap3A_113 = arith.constant 0 : index
    %swap3A_114 = arith.constant 0 : index
    %swap3A_115 = vector.load %arg6[%swap3A_113, %swap3A_114] : memref<157x128xf32, #tpu.memory_space<vmem>>, vector<157x128xf32>
    tpu.vector_store %arg6[%swap3A_113, %swap3A_114], %min3A_77 {strides = array<i32>} : memref<157x128xf32, #tpu.memory_space<vmem>>, vector<157x128xf32>,
    %swap3A_116 = arith.constant 0 : index
    %swap3A_117 = arith.constant 0 : index
    %swap3A_118 = vector.load %arg7[%swap3A_116, %swap3A_117] : memref<157x128xf32, #tpu.memory_space<vmem>>, vector<157x128xf32>
    tpu.vector_store %arg7[%swap3A_116, %swap3A_117], %min3A_83 {strides = array<i32>} : memref<157x128xf32, #tpu.memory_space<vmem>>, vector<157x128xf32>,
    %sub3A_119 = arith.subf %min3A_77, %min3A_65 : vector<157x128xf32>
    %add3A_120 = arith.constant 1.000000e+00 : f32
    %add3A_121 = vector.broadcast %add3A_120 : f32 to vector<157x128xf32>
    %add3A_122 = arith.addf %sub3A_119, %add3A_121 : vector<157x128xf32>
    %sub3A_123 = arith.subf %min3A_83, %min3A_71 : vector<157x128xf32>
    %add3A_124 = arith.constant 1.000000e+00 : f32
    %add3A_125 = vector.broadcast %add3A_124 : f32 to vector<157x128xf32>
    %add3A_126 = arith.addf %sub3A_123, %add3A_125 : vector<157x128xf32>
    %mul3A_127 = arith.mulf %add3A_122, %add3A_126 : vector<157x128xf32>
    %swap3A_128 = arith.constant 0 : index
    %swap3A_129 = arith.constant 0 : index
    %swap3A_130 = vector.load %arg8[%swap3A_128, %swap3A_129] : memref<157x128xf32, #tpu.memory_space<vmem>>, vector<157x128xf32>
    tpu.vector_store %arg8[%swap3A_128, %swap3A_129], %mul3A_127 {strides = array<i32>} : memref<157x128xf32, #tpu.memory_space<vmem>>, vector<157x128xf32>,
    %iota3A = tpu.iota {dimensions = array<i32: 1>} : vector<1x128xi32>
    %iota3A_131 = tpu.iota {dimensions = array<i32: 0>} : vector<128x128xi32>
    %iota3A_132 = tpu.iota {dimensions = array<i32: 1>} : vector<128x128xi32>
    %gt3A = arith.cmpi sgt, %iota3A_131, %iota3A_132 : vector<128x128xi32>
    %le3A = arith.cmpi sle, %iota3A_131, %iota3A_132 : vector<128x128xi32>
    %convert_element_type3A = arith.extui %le3A : vector<128x128xi1> to vector<128x128xi32>
    %convert_element_type3A_133 = arith.sitofp %convert_element_type3A : vector<128x128xi32> to vector<128x128xf32>
    %broadcast_in_dim3A = arith.constant -1.000000e+06 : f32
    %broadcast_in_dim3A_134 = vector.broadcast %broadcast_in_dim3A : f32 to vector<1x128xf32>
    %broadcast_in_dim3A_135 = arith.constant 1.000000e+00 : f32
    %broadcast_in_dim3A_136 = vector.broadcast %broadcast_in_dim3A_135 : f32 to vector<1x128xf32>
    %broadcast_in_dim3A_137 = arith.constant -1.000000e+06 : f32
    %broadcast_in_dim3A_138 = vector.broadcast %broadcast_in_dim3A_137 : f32 to vector<160x128xf32>
    %swap3A_139 = arith.constant 0 : index
    %swap3A_140 = arith.constant 0 : index
    %swap3A_141 = vector.load %arg9[%swap3A_139, %swap3A_140] : memref<160x128xf32, #tpu.memory_space<vmem>>, vector<160x128xf32>
    tpu.vector_store %arg9[%swap3A_139, %swap3A_140], %broadcast_in_dim3A_138 {strides = array<i32>} : memref<160x128xf32, #tpu.memory_space<vmem>>, vector<160x128xf32>,
    %broadcast_in_dim3A_142 = arith.constant -1.000000e+06 : f32
    %broadcast_in_dim3A_143 = vector.broadcast %broadcast_in_dim3A_142 : f32 to vector<160x128xf32>
    %swap3A_144 = arith.constant 0 : index
    %swap3A_145 = arith.constant 0 : index
    %swap3A_146 = vector.load %arg10[%swap3A_144, %swap3A_145] : memref<160x128xf32, #tpu.memory_space<vmem>>, vector<160x128xf32>
    tpu.vector_store %arg10[%swap3A_144, %swap3A_145], %broadcast_in_dim3A_143 {strides = array<i32>} : memref<160x128xf32, #tpu.memory_space<vmem>>, vector<160x128xf32>,
    %broadcast_in_dim3A_147 = arith.constant -1.000000e+06 : f32
    %broadcast_in_dim3A_148 = vector.broadcast %broadcast_in_dim3A_147 : f32 to vector<160x128xf32>
    %swap3A_149 = arith.constant 0 : index
    %swap3A_150 = arith.constant 0 : index
    %swap3A_151 = vector.load %arg11[%swap3A_149, %swap3A_150] : memref<160x128xf32, #tpu.memory_space<vmem>>, vector<160x128xf32>
    tpu.vector_store %arg11[%swap3A_149, %swap3A_150], %broadcast_in_dim3A_148 {strides = array<i32>} : memref<160x128xf32, #tpu.memory_space<vmem>>, vector<160x128xf32>,
    %broadcast_in_dim3A_152 = arith.constant -1.000000e+06 : f32
    %broadcast_in_dim3A_153 = vector.broadcast %broadcast_in_dim3A_152 : f32 to vector<160x128xf32>
    %swap3A_154 = arith.constant 0 : index
    %swap3A_155 = arith.constant 0 : index
    %swap3A_156 = vector.load %arg12[%swap3A_154, %swap3A_155] : memref<160x128xf32, #tpu.memory_space<vmem>>, vector<160x128xf32>
    tpu.vector_store %arg12[%swap3A_154, %swap3A_155], %broadcast_in_dim3A_153 {strides = array<i32>} : memref<160x128xf32, #tpu.memory_space<vmem>>, vector<160x128xf32>,
    %broadcast_in_dim3A_157 = arith.constant 1.000000e+00 : f32
    %broadcast_in_dim3A_158 = vector.broadcast %broadcast_in_dim3A_157 : f32 to vector<160x128xf32>
    %swap3A_159 = arith.constant 0 : index
    %swap3A_160 = arith.constant 0 : index
    %swap3A_161 = vector.load %arg13[%swap3A_159, %swap3A_160] : memref<160x128xf32, #tpu.memory_space<vmem>>, vector<160x128xf32>
    tpu.vector_store %arg13[%swap3A_159, %swap3A_160], %broadcast_in_dim3A_158 {strides = array<i32>} : memref<160x128xf32, #tpu.memory_space<vmem>>, vector<160x128xf32>,
    %scan3A = arith.constant 0 : i32
    %scan3A_162 = arith.constant 0 : i32
    %scan3A_163 = arith.constant 0 : i32
    %scan3A_164 = arith.constant 157 : i32
    %scan3A_165 = arith.addi %scan3A_163, %scan3A_164 : i32
    %scan3A_166 = arith.constant 1 : i32
    %scan3A_167:7 = scf.for %scan3A_169 = %scan3A_163 to %scan3A_165 step %scan3A_166 iter_args(%scan3A_170 = %scan3A, %scan3A_171 = %scan3A_162, %scan3A_172 = %broadcast_in_dim3A_134, %scan3A_173 = %broadcast_in_dim3A_134, %scan3A_174 = %broadcast_in_dim3A_134, %scan3A_175 = %broadcast_in_dim3A_134, %scan3A_176 = %broadcast_in_dim3A_136) -> (i32, i32, vector<1x128xf32>, vector<1x128xf32>, vector<1x128xf32>, vector<1x128xf32>, vector<1x128xf32>)  : i32 {
      %swap3A_177 = arith.index_cast %scan3A_170 : i32 to index
      %swap3A_178 = arith.constant 0 : index
      %swap3A_179 = vector.load %arg9[%swap3A_177, %swap3A_178] : memref<160x128xf32, #tpu.memory_space<vmem>>, vector<1x128xf32>
      tpu.vector_store %arg9[%swap3A_177, %swap3A_178], %scan3A_172 {strides = array<i32>} : memref<160x128xf32, #tpu.memory_space<vmem>>, vector<1x128xf32>,
      %swap3A_180 = arith.index_cast %scan3A_170 : i32 to index
      %swap3A_181 = arith.constant 0 : index
      %swap3A_182 = vector.load %arg10[%swap3A_180, %swap3A_181] : memref<160x128xf32, #tpu.memory_space<vmem>>, vector<1x128xf32>
      tpu.vector_store %arg10[%swap3A_180, %swap3A_181], %scan3A_173 {strides = array<i32>} : memref<160x128xf32, #tpu.memory_space<vmem>>, vector<1x128xf32>,
      %swap3A_183 = arith.index_cast %scan3A_170 : i32 to index
      %swap3A_184 = arith.constant 0 : index
      %swap3A_185 = vector.load %arg11[%swap3A_183, %swap3A_184] : memref<160x128xf32, #tpu.memory_space<vmem>>, vector<1x128xf32>
      tpu.vector_store %arg11[%swap3A_183, %swap3A_184], %scan3A_174 {strides = array<i32>} : memref<160x128xf32, #tpu.memory_space<vmem>>, vector<1x128xf32>,
      %swap3A_186 = arith.index_cast %scan3A_170 : i32 to index
      %swap3A_187 = arith.constant 0 : index
      %swap3A_188 = vector.load %arg12[%swap3A_186, %swap3A_187] : memref<160x128xf32, #tpu.memory_space<vmem>>, vector<1x128xf32>
      tpu.vector_store %arg12[%swap3A_186, %swap3A_187], %scan3A_175 {strides = array<i32>} : memref<160x128xf32, #tpu.memory_space<vmem>>, vector<1x128xf32>,
      %swap3A_189 = arith.index_cast %scan3A_170 : i32 to index
      %swap3A_190 = arith.constant 0 : index
      %swap3A_191 = vector.load %arg13[%swap3A_189, %swap3A_190] : memref<160x128xf32, #tpu.memory_space<vmem>>, vector<1x128xf32>
      tpu.vector_store %arg13[%swap3A_189, %swap3A_190], %scan3A_176 {strides = array<i32>} : memref<160x128xf32, #tpu.memory_space<vmem>>, vector<1x128xf32>,
      %get3A_192 = arith.index_cast %scan3A_169 : i32 to index
      %get3A_193 = arith.constant 0 : index
      %get3A_194 = vector.load %arg4[%get3A_192, %get3A_193] : memref<157x128xf32, #tpu.memory_space<vmem>>, vector<1x128xf32>
      %get3A_195 = arith.index_cast %scan3A_169 : i32 to index
      %get3A_196 = arith.constant 0 : index
      %get3A_197 = vector.load %arg5[%get3A_195, %get3A_196] : memref<157x128xf32, #tpu.memory_space<vmem>>, vector<1x128xf32>
      %get3A_198 = arith.index_cast %scan3A_169 : i32 to index
      %get3A_199 = arith.constant 0 : index
      %get3A_200 = vector.load %arg6[%get3A_198, %get3A_199] : memref<157x128xf32, #tpu.memory_space<vmem>>, vector<1x128xf32>
      %get3A_201 = arith.index_cast %scan3A_169 : i32 to index
      %get3A_202 = arith.constant 0 : index
      %get3A_203 = vector.load %arg7[%get3A_201, %get3A_202] : memref<157x128xf32, #tpu.memory_space<vmem>>, vector<1x128xf32>
      %get3A_204 = arith.index_cast %scan3A_169 : i32 to index
      %get3A_205 = arith.constant 0 : index
      %get3A_206 = vector.load %arg8[%get3A_204, %get3A_205] : memref<157x128xf32, #tpu.memory_space<vmem>>, vector<1x128xf32>
      %transpose3A = tpu.transpose %get3A_194, [1, 0] : vector<1x128xf32> -> vector<128x1xf32>
      %transpose3A_207 = tpu.transpose %get3A_197, [1, 0] : vector<1x128xf32> -> vector<128x1xf32>
      %transpose3A_208 = tpu.transpose %get3A_200, [1, 0] : vector<1x128xf32> -> vector<128x1xf32>
      %transpose3A_209 = tpu.transpose %get3A_203, [1, 0] : vector<1x128xf32> -> vector<128x1xf32>
      %transpose3A_210 = tpu.transpose %get3A_206, [1, 0] : vector<1x128xf32> -> vector<128x1xf32>
      %broadcast_in_dim3A_211 = arith.constant 0 : i32
      %broadcast_in_dim3A_212 = vector.broadcast %broadcast_in_dim3A_211 : i32 to vector<128x128xi32>
      %swap3A_213 = arith.constant 0 : index
      %swap3A_214 = arith.constant 0 : index
      %swap3A_215 = vector.load %arg14[%swap3A_213, %swap3A_214] : memref<128x128xi32, #tpu.memory_space<vmem>>, vector<128x128xi32>
      tpu.vector_store %arg14[%swap3A_213, %swap3A_214], %broadcast_in_dim3A_212 {strides = array<i32>} : memref<128x128xi32, #tpu.memory_space<vmem>>, vector<128x128xi32>,
      %shift_right_arithmetic3A = arith.constant 3 : i32
      %shift_right_arithmetic3A_216 = arith.shrsi %scan3A_170, %shift_right_arithmetic3A : i32
      %add3A_217 = arith.constant 1 : i32
      %add3A_218 = arith.addi %shift_right_arithmetic3A_216, %add3A_217 : i32
      %while3A = arith.constant 0 : i32
      %while3A_219 = arith.constant 0 : i32
      %while3A_220 = arith.subi %add3A_218, %while3A : i32
      %while3A_221 = arith.addi %while3A, %while3A_220 : i32
      %while3A_222 = arith.constant 1 : i32
      %while3A_223 = arith.divsi %while3A_220, %while3A_222 : i32
      %while3A_224 = arith.muli %while3A_223, %while3A_222 : i32
      %while3A_225 = arith.addi %while3A, %while3A_224 : i32
      %while3A_226 = arith.constant 1 : i32
      %while3A_227 = scf.for %while3A_365 = %while3A to %while3A_225 step %while3A_226 iter_args(%while3A_366 = %while3A_219) -> (i32)  : i32 {
        %broadcast_in_dim3A_367 = arith.constant 0 : i32
        %broadcast_in_dim3A_368 = vector.broadcast %broadcast_in_dim3A_367 : i32 to vector<128x128xi32>
        %mul3A_369 = arith.constant 8 : i32
        %mul3A_370 = arith.muli %mul3A_369, %while3A_365 : i32
        %get3A_371 = arith.index_cast %mul3A_370 : i32 to index
        %get3A_372 = arith.constant 0 : index
        %get3A_373 = vector.load %arg9[%get3A_371, %get3A_372] : memref<160x128xf32, #tpu.memory_space<vmem>>, vector<8x128xf32>
        %mul3A_374 = arith.constant 8 : i32
        %mul3A_375 = arith.muli %mul3A_374, %while3A_365 : i32
        %get3A_376 = arith.index_cast %mul3A_375 : i32 to index
        %get3A_377 = arith.constant 0 : index
        %get3A_378 = vector.load %arg10[%get3A_376, %get3A_377] : memref<160x128xf32, #tpu.memory_space<vmem>>, vector<8x128xf32>
        %mul3A_379 = arith.constant 8 : i32
        %mul3A_380 = arith.muli %mul3A_379, %while3A_365 : i32
        %get3A_381 = arith.index_cast %mul3A_380 : i32 to index
        %get3A_382 = arith.constant 0 : index
        %get3A_383 = vector.load %arg11[%get3A_381, %get3A_382] : memref<160x128xf32, #tpu.memory_space<vmem>>, vector<8x128xf32>
        %mul3A_384 = arith.constant 8 : i32
        %mul3A_385 = arith.muli %mul3A_384, %while3A_365 : i32
        %get3A_386 = arith.index_cast %mul3A_385 : i32 to index
        %get3A_387 = arith.constant 0 : index
        %get3A_388 = vector.load %arg12[%get3A_386, %get3A_387] : memref<160x128xf32, #tpu.memory_space<vmem>>, vector<8x128xf32>
        %mul3A_389 = arith.constant 8 : i32
        %mul3A_390 = arith.muli %mul3A_389, %while3A_365 : i32
        %get3A_391 = arith.index_cast %mul3A_390 : i32 to index
        %get3A_392 = arith.constant 0 : index
        %get3A_393 = vector.load %arg13[%get3A_391, %get3A_392] : memref<160x128xf32, #tpu.memory_space<vmem>>, vector<8x128xf32>
        %slice3A_394 = vector.extract_strided_slice %get3A_373 {offsets = [0, 0], sizes = [1, 128], strides = [1, 1]} : vector<8x128xf32> to vector<1x128xf32>
        %slice3A_395 = vector.extract_strided_slice %get3A_378 {offsets = [0, 0], sizes = [1, 128], strides = [1, 1]} : vector<8x128xf32> to vector<1x128xf32>
        %slice3A_396 = vector.extract_strided_slice %get3A_383 {offsets = [0, 0], sizes = [1, 128], strides = [1, 1]} : vector<8x128xf32> to vector<1x128xf32>
        %slice3A_397 = vector.extract_strided_slice %get3A_388 {offsets = [0, 0], sizes = [1, 128], strides = [1, 1]} : vector<8x128xf32> to vector<1x128xf32>
        %slice3A_398 = vector.extract_strided_slice %get3A_393 {offsets = [0, 0], sizes = [1, 128], strides = [1, 1]} : vector<8x128xf32> to vector<1x128xf32>
        %max3A_399 = vector.broadcast %transpose3A : vector<128x1xf32> to vector<128x128xf32>
        %max3A_400 = vector.broadcast %slice3A_394 : vector<1x128xf32> to vector<128x128xf32>
        %max3A_401 = arith.maximumf %max3A_399, %max3A_400 : vector<128x128xf32>
        %max3A_402 = vector.broadcast %transpose3A_207 : vector<128x1xf32> to vector<128x128xf32>
        %max3A_403 = vector.broadcast %slice3A_395 : vector<1x128xf32> to vector<128x128xf32>
        %max3A_404 = arith.maximumf %max3A_402, %max3A_403 : vector<128x128xf32>
        %min3A_405 = vector.broadcast %transpose3A_208 : vector<128x1xf32> to vector<128x128xf32>
        %min3A_406 = vector.broadcast %slice3A_396 : vector<1x128xf32> to vector<128x128xf32>
        %min3A_407 = arith.minimumf %min3A_405, %min3A_406 : vector<128x128xf32>
        %min3A_408 = vector.broadcast %transpose3A_209 : vector<128x1xf32> to vector<128x128xf32>
        %min3A_409 = vector.broadcast %slice3A_397 : vector<1x128xf32> to vector<128x128xf32>
        %min3A_410 = arith.minimumf %min3A_408, %min3A_409 : vector<128x128xf32>
        %sub3A_411 = arith.subf %min3A_407, %max3A_401 : vector<128x128xf32>
        %add3A_412 = arith.constant 1.000000e+00 : f32
        %add3A_413 = vector.broadcast %add3A_412 : f32 to vector<128x128xf32>
        %add3A_414 = arith.addf %sub3A_411, %add3A_413 : vector<128x128xf32>
        %max3A_415 = arith.constant 0.000000e+00 : f32
        %max3A_416 = vector.broadcast %max3A_415 : f32 to vector<128x128xf32>
        %max3A_417 = arith.maximumf %max3A_416, %add3A_414 : vector<128x128xf32>
        %sub3A_418 = arith.subf %min3A_410, %max3A_404 : vector<128x128xf32>
        %add3A_419 = arith.constant 1.000000e+00 : f32
        %add3A_420 = vector.broadcast %add3A_419 : f32 to vector<128x128xf32>
        %add3A_421 = arith.addf %sub3A_418, %add3A_420 : vector<128x128xf32>
        %max3A_422 = arith.constant 0.000000e+00 : f32
        %max3A_423 = vector.broadcast %max3A_422 : f32 to vector<128x128xf32>
        %max3A_424 = arith.maximumf %max3A_423, %add3A_421 : vector<128x128xf32>
        %mul3A_425 = arith.mulf %max3A_417, %max3A_424 : vector<128x128xf32>
        %add3A_426 = vector.broadcast %transpose3A_210 : vector<128x1xf32> to vector<128x128xf32>
        %add3A_427 = vector.broadcast %slice3A_398 : vector<1x128xf32> to vector<128x128xf32>
        %add3A_428 = arith.addf %add3A_426, %add3A_427 : vector<128x128xf32>
        %sub3A_429 = arith.subf %add3A_428, %mul3A_425 : vector<128x128xf32>
        %div3A_430 = arith.divf %mul3A_425, %sub3A_429 : vector<128x128xf32>
        %ge3A_431 = arith.constant 5.000000e-01 : f32
        %ge3A_432 = vector.broadcast %ge3A_431 : f32 to vector<128x128xf32>
        %ge3A_433 = arith.cmpf oge, %div3A_430, %ge3A_432 : vector<128x128xf32>
        %jit3A_434 = arith.constant 1 : i32
        %jit3A_435 = arith.constant 0 : i32
        %broadcast_in_dim3A_436 = vector.broadcast %jit3A_434 : i32 to vector<128x128xi32>
        %broadcast_in_dim3A_437 = vector.broadcast %jit3A_435 : i32 to vector<128x128xi32>
        %select_n3A_438 = arith.select %ge3A_433, %broadcast_in_dim3A_436, %broadcast_in_dim3A_437 : vector<128x128xi1>, vector<128x128xi32>
        %or3A = arith.ori %broadcast_in_dim3A_368, %select_n3A_438 : vector<128x128xi32>
        %slice3A_439 = vector.extract_strided_slice %get3A_373 {offsets = [1, 0], sizes = [1, 128], strides = [1, 1]} : vector<8x128xf32> to vector<1x128xf32>
        %slice3A_440 = vector.extract_strided_slice %get3A_378 {offsets = [1, 0], sizes = [1, 128], strides = [1, 1]} : vector<8x128xf32> to vector<1x128xf32>
        %slice3A_441 = vector.extract_strided_slice %get3A_383 {offsets = [1, 0], sizes = [1, 128], strides = [1, 1]} : vector<8x128xf32> to vector<1x128xf32>
        %slice3A_442 = vector.extract_strided_slice %get3A_388 {offsets = [1, 0], sizes = [1, 128], strides = [1, 1]} : vector<8x128xf32> to vector<1x128xf32>
        %slice3A_443 = vector.extract_strided_slice %get3A_393 {offsets = [1, 0], sizes = [1, 128], strides = [1, 1]} : vector<8x128xf32> to vector<1x128xf32>
        %max3A_444 = vector.broadcast %transpose3A : vector<128x1xf32> to vector<128x128xf32>
        %max3A_445 = vector.broadcast %slice3A_439 : vector<1x128xf32> to vector<128x128xf32>
        %max3A_446 = arith.maximumf %max3A_444, %max3A_445 : vector<128x128xf32>
        %max3A_447 = vector.broadcast %transpose3A_207 : vector<128x1xf32> to vector<128x128xf32>
        %max3A_448 = vector.broadcast %slice3A_440 : vector<1x128xf32> to vector<128x128xf32>
        %max3A_449 = arith.maximumf %max3A_447, %max3A_448 : vector<128x128xf32>
        %min3A_450 = vector.broadcast %transpose3A_208 : vector<128x1xf32> to vector<128x128xf32>
        %min3A_451 = vector.broadcast %slice3A_441 : vector<1x128xf32> to vector<128x128xf32>
        %min3A_452 = arith.minimumf %min3A_450, %min3A_451 : vector<128x128xf32>
        %min3A_453 = vector.broadcast %transpose3A_209 : vector<128x1xf32> to vector<128x128xf32>
        %min3A_454 = vector.broadcast %slice3A_442 : vector<1x128xf32> to vector<128x128xf32>
        %min3A_455 = arith.minimumf %min3A_453, %min3A_454 : vector<128x128xf32>
        %sub3A_456 = arith.subf %min3A_452, %max3A_446 : vector<128x128xf32>
        %add3A_457 = arith.constant 1.000000e+00 : f32
        %add3A_458 = vector.broadcast %add3A_457 : f32 to vector<128x128xf32>
        %add3A_459 = arith.addf %sub3A_456, %add3A_458 : vector<128x128xf32>
        %max3A_460 = arith.constant 0.000000e+00 : f32
        %max3A_461 = vector.broadcast %max3A_460 : f32 to vector<128x128xf32>
        %max3A_462 = arith.maximumf %max3A_461, %add3A_459 : vector<128x128xf32>
        %sub3A_463 = arith.subf %min3A_455, %max3A_449 : vector<128x128xf32>
        %add3A_464 = arith.constant 1.000000e+00 : f32
        %add3A_465 = vector.broadcast %add3A_464 : f32 to vector<128x128xf32>
        %add3A_466 = arith.addf %sub3A_463, %add3A_465 : vector<128x128xf32>
        %max3A_467 = arith.constant 0.000000e+00 : f32
        %max3A_468 = vector.broadcast %max3A_467 : f32 to vector<128x128xf32>
        %max3A_469 = arith.maximumf %max3A_468, %add3A_466 : vector<128x128xf32>
        %mul3A_470 = arith.mulf %max3A_462, %max3A_469 : vector<128x128xf32>
        %add3A_471 = vector.broadcast %transpose3A_210 : vector<128x1xf32> to vector<128x128xf32>
        %add3A_472 = vector.broadcast %slice3A_443 : vector<1x128xf32> to vector<128x128xf32>
        %add3A_473 = arith.addf %add3A_471, %add3A_472 : vector<128x128xf32>
        %sub3A_474 = arith.subf %add3A_473, %mul3A_470 : vector<128x128xf32>
        %div3A_475 = arith.divf %mul3A_470, %sub3A_474 : vector<128x128xf32>
        %ge3A_476 = arith.constant 5.000000e-01 : f32
        %ge3A_477 = vector.broadcast %ge3A_476 : f32 to vector<128x128xf32>
        %ge3A_478 = arith.cmpf oge, %div3A_475, %ge3A_477 : vector<128x128xf32>
        %jit3A_479 = arith.constant 1 : i32
        %jit3A_480 = arith.constant 0 : i32
        %broadcast_in_dim3A_481 = vector.broadcast %jit3A_479 : i32 to vector<128x128xi32>
        %broadcast_in_dim3A_482 = vector.broadcast %jit3A_480 : i32 to vector<128x128xi32>
        %select_n3A_483 = arith.select %ge3A_478, %broadcast_in_dim3A_481, %broadcast_in_dim3A_482 : vector<128x128xi1>, vector<128x128xi32>
        %or3A_484 = arith.ori %or3A, %select_n3A_483 : vector<128x128xi32>
        %slice3A_485 = vector.extract_strided_slice %get3A_373 {offsets = [2, 0], sizes = [1, 128], strides = [1, 1]} : vector<8x128xf32> to vector<1x128xf32>
        %slice3A_486 = vector.extract_strided_slice %get3A_378 {offsets = [2, 0], sizes = [1, 128], strides = [1, 1]} : vector<8x128xf32> to vector<1x128xf32>
        %slice3A_487 = vector.extract_strided_slice %get3A_383 {offsets = [2, 0], sizes = [1, 128], strides = [1, 1]} : vector<8x128xf32> to vector<1x128xf32>
        %slice3A_488 = vector.extract_strided_slice %get3A_388 {offsets = [2, 0], sizes = [1, 128], strides = [1, 1]} : vector<8x128xf32> to vector<1x128xf32>
        %slice3A_489 = vector.extract_strided_slice %get3A_393 {offsets = [2, 0], sizes = [1, 128], strides = [1, 1]} : vector<8x128xf32> to vector<1x128xf32>
        %max3A_490 = vector.broadcast %transpose3A : vector<128x1xf32> to vector<128x128xf32>
        %max3A_491 = vector.broadcast %slice3A_485 : vector<1x128xf32> to vector<128x128xf32>
        %max3A_492 = arith.maximumf %max3A_490, %max3A_491 : vector<128x128xf32>
        %max3A_493 = vector.broadcast %transpose3A_207 : vector<128x1xf32> to vector<128x128xf32>
        %max3A_494 = vector.broadcast %slice3A_486 : vector<1x128xf32> to vector<128x128xf32>
        %max3A_495 = arith.maximumf %max3A_493, %max3A_494 : vector<128x128xf32>
        %min3A_496 = vector.broadcast %transpose3A_208 : vector<128x1xf32> to vector<128x128xf32>
        %min3A_497 = vector.broadcast %slice3A_487 : vector<1x128xf32> to vector<128x128xf32>
        %min3A_498 = arith.minimumf %min3A_496, %min3A_497 : vector<128x128xf32>
        %min3A_499 = vector.broadcast %transpose3A_209 : vector<128x1xf32> to vector<128x128xf32>
        %min3A_500 = vector.broadcast %slice3A_488 : vector<1x128xf32> to vector<128x128xf32>
        %min3A_501 = arith.minimumf %min3A_499, %min3A_500 : vector<128x128xf32>
        %sub3A_502 = arith.subf %min3A_498, %max3A_492 : vector<128x128xf32>
        %add3A_503 = arith.constant 1.000000e+00 : f32
        %add3A_504 = vector.broadcast %add3A_503 : f32 to vector<128x128xf32>
        %add3A_505 = arith.addf %sub3A_502, %add3A_504 : vector<128x128xf32>
        %max3A_506 = arith.constant 0.000000e+00 : f32
        %max3A_507 = vector.broadcast %max3A_506 : f32 to vector<128x128xf32>
        %max3A_508 = arith.maximumf %max3A_507, %add3A_505 : vector<128x128xf32>
        %sub3A_509 = arith.subf %min3A_501, %max3A_495 : vector<128x128xf32>
        %add3A_510 = arith.constant 1.000000e+00 : f32
        %add3A_511 = vector.broadcast %add3A_510 : f32 to vector<128x128xf32>
        %add3A_512 = arith.addf %sub3A_509, %add3A_511 : vector<128x128xf32>
        %max3A_513 = arith.constant 0.000000e+00 : f32
        %max3A_514 = vector.broadcast %max3A_513 : f32 to vector<128x128xf32>
        %max3A_515 = arith.maximumf %max3A_514, %add3A_512 : vector<128x128xf32>
        %mul3A_516 = arith.mulf %max3A_508, %max3A_515 : vector<128x128xf32>
        %add3A_517 = vector.broadcast %transpose3A_210 : vector<128x1xf32> to vector<128x128xf32>
        %add3A_518 = vector.broadcast %slice3A_489 : vector<1x128xf32> to vector<128x128xf32>
        %add3A_519 = arith.addf %add3A_517, %add3A_518 : vector<128x128xf32>
        %sub3A_520 = arith.subf %add3A_519, %mul3A_516 : vector<128x128xf32>
        %div3A_521 = arith.divf %mul3A_516, %sub3A_520 : vector<128x128xf32>
        %ge3A_522 = arith.constant 5.000000e-01 : f32
        %ge3A_523 = vector.broadcast %ge3A_522 : f32 to vector<128x128xf32>
        %ge3A_524 = arith.cmpf oge, %div3A_521, %ge3A_523 : vector<128x128xf32>
        %jit3A_525 = arith.constant 1 : i32
        %jit3A_526 = arith.constant 0 : i32
        %broadcast_in_dim3A_527 = vector.broadcast %jit3A_525 : i32 to vector<128x128xi32>
        %broadcast_in_dim3A_528 = vector.broadcast %jit3A_526 : i32 to vector<128x128xi32>
        %select_n3A_529 = arith.select %ge3A_524, %broadcast_in_dim3A_527, %broadcast_in_dim3A_528 : vector<128x128xi1>, vector<128x128xi32>
        %or3A_530 = arith.ori %or3A_484, %select_n3A_529 : vector<128x128xi32>
        %slice3A_531 = vector.extract_strided_slice %get3A_373 {offsets = [3, 0], sizes = [1, 128], strides = [1, 1]} : vector<8x128xf32> to vector<1x128xf32>
        %slice3A_532 = vector.extract_strided_slice %get3A_378 {offsets = [3, 0], sizes = [1, 128], strides = [1, 1]} : vector<8x128xf32> to vector<1x128xf32>
        %slice3A_533 = vector.extract_strided_slice %get3A_383 {offsets = [3, 0], sizes = [1, 128], strides = [1, 1]} : vector<8x128xf32> to vector<1x128xf32>
        %slice3A_534 = vector.extract_strided_slice %get3A_388 {offsets = [3, 0], sizes = [1, 128], strides = [1, 1]} : vector<8x128xf32> to vector<1x128xf32>
        %slice3A_535 = vector.extract_strided_slice %get3A_393 {offsets = [3, 0], sizes = [1, 128], strides = [1, 1]} : vector<8x128xf32> to vector<1x128xf32>
        %max3A_536 = vector.broadcast %transpose3A : vector<128x1xf32> to vector<128x128xf32>
        %max3A_537 = vector.broadcast %slice3A_531 : vector<1x128xf32> to vector<128x128xf32>
        %max3A_538 = arith.maximumf %max3A_536, %max3A_537 : vector<128x128xf32>
        %max3A_539 = vector.broadcast %transpose3A_207 : vector<128x1xf32> to vector<128x128xf32>
        %max3A_540 = vector.broadcast %slice3A_532 : vector<1x128xf32> to vector<128x128xf32>
        %max3A_541 = arith.maximumf %max3A_539, %max3A_540 : vector<128x128xf32>
        %min3A_542 = vector.broadcast %transpose3A_208 : vector<128x1xf32> to vector<128x128xf32>
        %min3A_543 = vector.broadcast %slice3A_533 : vector<1x128xf32> to vector<128x128xf32>
        %min3A_544 = arith.minimumf %min3A_542, %min3A_543 : vector<128x128xf32>
        %min3A_545 = vector.broadcast %transpose3A_209 : vector<128x1xf32> to vector<128x128xf32>
        %min3A_546 = vector.broadcast %slice3A_534 : vector<1x128xf32> to vector<128x128xf32>
        %min3A_547 = arith.minimumf %min3A_545, %min3A_546 : vector<128x128xf32>
        %sub3A_548 = arith.subf %min3A_544, %max3A_538 : vector<128x128xf32>
        %add3A_549 = arith.constant 1.000000e+00 : f32
        %add3A_550 = vector.broadcast %add3A_549 : f32 to vector<128x128xf32>
        %add3A_551 = arith.addf %sub3A_548, %add3A_550 : vector<128x128xf32>
        %max3A_552 = arith.constant 0.000000e+00 : f32
        %max3A_553 = vector.broadcast %max3A_552 : f32 to vector<128x128xf32>
        %max3A_554 = arith.maximumf %max3A_553, %add3A_551 : vector<128x128xf32>
        %sub3A_555 = arith.subf %min3A_547, %max3A_541 : vector<128x128xf32>
        %add3A_556 = arith.constant 1.000000e+00 : f32
        %add3A_557 = vector.broadcast %add3A_556 : f32 to vector<128x128xf32>
        %add3A_558 = arith.addf %sub3A_555, %add3A_557 : vector<128x128xf32>
        %max3A_559 = arith.constant 0.000000e+00 : f32
        %max3A_560 = vector.broadcast %max3A_559 : f32 to vector<128x128xf32>
        %max3A_561 = arith.maximumf %max3A_560, %add3A_558 : vector<128x128xf32>
        %mul3A_562 = arith.mulf %max3A_554, %max3A_561 : vector<128x128xf32>
        %add3A_563 = vector.broadcast %transpose3A_210 : vector<128x1xf32> to vector<128x128xf32>
        %add3A_564 = vector.broadcast %slice3A_535 : vector<1x128xf32> to vector<128x128xf32>
        %add3A_565 = arith.addf %add3A_563, %add3A_564 : vector<128x128xf32>
        %sub3A_566 = arith.subf %add3A_565, %mul3A_562 : vector<128x128xf32>
        %div3A_567 = arith.divf %mul3A_562, %sub3A_566 : vector<128x128xf32>
        %ge3A_568 = arith.constant 5.000000e-01 : f32
        %ge3A_569 = vector.broadcast %ge3A_568 : f32 to vector<128x128xf32>
        %ge3A_570 = arith.cmpf oge, %div3A_567, %ge3A_569 : vector<128x128xf32>
        %jit3A_571 = arith.constant 1 : i32
        %jit3A_572 = arith.constant 0 : i32
        %broadcast_in_dim3A_573 = vector.broadcast %jit3A_571 : i32 to vector<128x128xi32>
        %broadcast_in_dim3A_574 = vector.broadcast %jit3A_572 : i32 to vector<128x128xi32>
        %select_n3A_575 = arith.select %ge3A_570, %broadcast_in_dim3A_573, %broadcast_in_dim3A_574 : vector<128x128xi1>, vector<128x128xi32>
        %or3A_576 = arith.ori %or3A_530, %select_n3A_575 : vector<128x128xi32>
        %slice3A_577 = vector.extract_strided_slice %get3A_373 {offsets = [4, 0], sizes = [1, 128], strides = [1, 1]} : vector<8x128xf32> to vector<1x128xf32>
        %slice3A_578 = vector.extract_strided_slice %get3A_378 {offsets = [4, 0], sizes = [1, 128], strides = [1, 1]} : vector<8x128xf32> to vector<1x128xf32>
        %slice3A_579 = vector.extract_strided_slice %get3A_383 {offsets = [4, 0], sizes = [1, 128], strides = [1, 1]} : vector<8x128xf32> to vector<1x128xf32>
        %slice3A_580 = vector.extract_strided_slice %get3A_388 {offsets = [4, 0], sizes = [1, 128], strides = [1, 1]} : vector<8x128xf32> to vector<1x128xf32>
        %slice3A_581 = vector.extract_strided_slice %get3A_393 {offsets = [4, 0], sizes = [1, 128], strides = [1, 1]} : vector<8x128xf32> to vector<1x128xf32>
        %max3A_582 = vector.broadcast %transpose3A : vector<128x1xf32> to vector<128x128xf32>
        %max3A_583 = vector.broadcast %slice3A_577 : vector<1x128xf32> to vector<128x128xf32>
        %max3A_584 = arith.maximumf %max3A_582, %max3A_583 : vector<128x128xf32>
        %max3A_585 = vector.broadcast %transpose3A_207 : vector<128x1xf32> to vector<128x128xf32>
        %max3A_586 = vector.broadcast %slice3A_578 : vector<1x128xf32> to vector<128x128xf32>
        %max3A_587 = arith.maximumf %max3A_585, %max3A_586 : vector<128x128xf32>
        %min3A_588 = vector.broadcast %transpose3A_208 : vector<128x1xf32> to vector<128x128xf32>
        %min3A_589 = vector.broadcast %slice3A_579 : vector<1x128xf32> to vector<128x128xf32>
        %min3A_590 = arith.minimumf %min3A_588, %min3A_589 : vector<128x128xf32>
        %min3A_591 = vector.broadcast %transpose3A_209 : vector<128x1xf32> to vector<128x128xf32>
        %min3A_592 = vector.broadcast %slice3A_580 : vector<1x128xf32> to vector<128x128xf32>
        %min3A_593 = arith.minimumf %min3A_591, %min3A_592 : vector<128x128xf32>
        %sub3A_594 = arith.subf %min3A_590, %max3A_584 : vector<128x128xf32>
        %add3A_595 = arith.constant 1.000000e+00 : f32
        %add3A_596 = vector.broadcast %add3A_595 : f32 to vector<128x128xf32>
        %add3A_597 = arith.addf %sub3A_594, %add3A_596 : vector<128x128xf32>
        %max3A_598 = arith.constant 0.000000e+00 : f32
        %max3A_599 = vector.broadcast %max3A_598 : f32 to vector<128x128xf32>
        %max3A_600 = arith.maximumf %max3A_599, %add3A_597 : vector<128x128xf32>
        %sub3A_601 = arith.subf %min3A_593, %max3A_587 : vector<128x128xf32>
        %add3A_602 = arith.constant 1.000000e+00 : f32
        %add3A_603 = vector.broadcast %add3A_602 : f32 to vector<128x128xf32>
        %add3A_604 = arith.addf %sub3A_601, %add3A_603 : vector<128x128xf32>
        %max3A_605 = arith.constant 0.000000e+00 : f32
        %max3A_606 = vector.broadcast %max3A_605 : f32 to vector<128x128xf32>
        %max3A_607 = arith.maximumf %max3A_606, %add3A_604 : vector<128x128xf32>
        %mul3A_608 = arith.mulf %max3A_600, %max3A_607 : vector<128x128xf32>
        %add3A_609 = vector.broadcast %transpose3A_210 : vector<128x1xf32> to vector<128x128xf32>
        %add3A_610 = vector.broadcast %slice3A_581 : vector<1x128xf32> to vector<128x128xf32>
        %add3A_611 = arith.addf %add3A_609, %add3A_610 : vector<128x128xf32>
        %sub3A_612 = arith.subf %add3A_611, %mul3A_608 : vector<128x128xf32>
        %div3A_613 = arith.divf %mul3A_608, %sub3A_612 : vector<128x128xf32>
        %ge3A_614 = arith.constant 5.000000e-01 : f32
        %ge3A_615 = vector.broadcast %ge3A_614 : f32 to vector<128x128xf32>
        %ge3A_616 = arith.cmpf oge, %div3A_613, %ge3A_615 : vector<128x128xf32>
        %jit3A_617 = arith.constant 1 : i32
        %jit3A_618 = arith.constant 0 : i32
        %broadcast_in_dim3A_619 = vector.broadcast %jit3A_617 : i32 to vector<128x128xi32>
        %broadcast_in_dim3A_620 = vector.broadcast %jit3A_618 : i32 to vector<128x128xi32>
        %select_n3A_621 = arith.select %ge3A_616, %broadcast_in_dim3A_619, %broadcast_in_dim3A_620 : vector<128x128xi1>, vector<128x128xi32>
        %or3A_622 = arith.ori %or3A_576, %select_n3A_621 : vector<128x128xi32>
        %slice3A_623 = vector.extract_strided_slice %get3A_373 {offsets = [5, 0], sizes = [1, 128], strides = [1, 1]} : vector<8x128xf32> to vector<1x128xf32>
        %slice3A_624 = vector.extract_strided_slice %get3A_378 {offsets = [5, 0], sizes = [1, 128], strides = [1, 1]} : vector<8x128xf32> to vector<1x128xf32>
        %slice3A_625 = vector.extract_strided_slice %get3A_383 {offsets = [5, 0], sizes = [1, 128], strides = [1, 1]} : vector<8x128xf32> to vector<1x128xf32>
        %slice3A_626 = vector.extract_strided_slice %get3A_388 {offsets = [5, 0], sizes = [1, 128], strides = [1, 1]} : vector<8x128xf32> to vector<1x128xf32>
        %slice3A_627 = vector.extract_strided_slice %get3A_393 {offsets = [5, 0], sizes = [1, 128], strides = [1, 1]} : vector<8x128xf32> to vector<1x128xf32>
        %max3A_628 = vector.broadcast %transpose3A : vector<128x1xf32> to vector<128x128xf32>
        %max3A_629 = vector.broadcast %slice3A_623 : vector<1x128xf32> to vector<128x128xf32>
        %max3A_630 = arith.maximumf %max3A_628, %max3A_629 : vector<128x128xf32>
        %max3A_631 = vector.broadcast %transpose3A_207 : vector<128x1xf32> to vector<128x128xf32>
        %max3A_632 = vector.broadcast %slice3A_624 : vector<1x128xf32> to vector<128x128xf32>
        %max3A_633 = arith.maximumf %max3A_631, %max3A_632 : vector<128x128xf32>
        %min3A_634 = vector.broadcast %transpose3A_208 : vector<128x1xf32> to vector<128x128xf32>
        %min3A_635 = vector.broadcast %slice3A_625 : vector<1x128xf32> to vector<128x128xf32>
        %min3A_636 = arith.minimumf %min3A_634, %min3A_635 : vector<128x128xf32>
        %min3A_637 = vector.broadcast %transpose3A_209 : vector<128x1xf32> to vector<128x128xf32>
        %min3A_638 = vector.broadcast %slice3A_626 : vector<1x128xf32> to vector<128x128xf32>
        %min3A_639 = arith.minimumf %min3A_637, %min3A_638 : vector<128x128xf32>
        %sub3A_640 = arith.subf %min3A_636, %max3A_630 : vector<128x128xf32>
        %add3A_641 = arith.constant 1.000000e+00 : f32
        %add3A_642 = vector.broadcast %add3A_641 : f32 to vector<128x128xf32>
        %add3A_643 = arith.addf %sub3A_640, %add3A_642 : vector<128x128xf32>
        %max3A_644 = arith.constant 0.000000e+00 : f32
        %max3A_645 = vector.broadcast %max3A_644 : f32 to vector<128x128xf32>
        %max3A_646 = arith.maximumf %max3A_645, %add3A_643 : vector<128x128xf32>
        %sub3A_647 = arith.subf %min3A_639, %max3A_633 : vector<128x128xf32>
        %add3A_648 = arith.constant 1.000000e+00 : f32
        %add3A_649 = vector.broadcast %add3A_648 : f32 to vector<128x128xf32>
        %add3A_650 = arith.addf %sub3A_647, %add3A_649 : vector<128x128xf32>
        %max3A_651 = arith.constant 0.000000e+00 : f32
        %max3A_652 = vector.broadcast %max3A_651 : f32 to vector<128x128xf32>
        %max3A_653 = arith.maximumf %max3A_652, %add3A_650 : vector<128x128xf32>
        %mul3A_654 = arith.mulf %max3A_646, %max3A_653 : vector<128x128xf32>
        %add3A_655 = vector.broadcast %transpose3A_210 : vector<128x1xf32> to vector<128x128xf32>
        %add3A_656 = vector.broadcast %slice3A_627 : vector<1x128xf32> to vector<128x128xf32>
        %add3A_657 = arith.addf %add3A_655, %add3A_656 : vector<128x128xf32>
        %sub3A_658 = arith.subf %add3A_657, %mul3A_654 : vector<128x128xf32>
        %div3A_659 = arith.divf %mul3A_654, %sub3A_658 : vector<128x128xf32>
        %ge3A_660 = arith.constant 5.000000e-01 : f32
        %ge3A_661 = vector.broadcast %ge3A_660 : f32 to vector<128x128xf32>
        %ge3A_662 = arith.cmpf oge, %div3A_659, %ge3A_661 : vector<128x128xf32>
        %jit3A_663 = arith.constant 1 : i32
        %jit3A_664 = arith.constant 0 : i32
        %broadcast_in_dim3A_665 = vector.broadcast %jit3A_663 : i32 to vector<128x128xi32>
        %broadcast_in_dim3A_666 = vector.broadcast %jit3A_664 : i32 to vector<128x128xi32>
        %select_n3A_667 = arith.select %ge3A_662, %broadcast_in_dim3A_665, %broadcast_in_dim3A_666 : vector<128x128xi1>, vector<128x128xi32>
        %or3A_668 = arith.ori %or3A_622, %select_n3A_667 : vector<128x128xi32>
        %slice3A_669 = vector.extract_strided_slice %get3A_373 {offsets = [6, 0], sizes = [1, 128], strides = [1, 1]} : vector<8x128xf32> to vector<1x128xf32>
        %slice3A_670 = vector.extract_strided_slice %get3A_378 {offsets = [6, 0], sizes = [1, 128], strides = [1, 1]} : vector<8x128xf32> to vector<1x128xf32>
        %slice3A_671 = vector.extract_strided_slice %get3A_383 {offsets = [6, 0], sizes = [1, 128], strides = [1, 1]} : vector<8x128xf32> to vector<1x128xf32>
        %slice3A_672 = vector.extract_strided_slice %get3A_388 {offsets = [6, 0], sizes = [1, 128], strides = [1, 1]} : vector<8x128xf32> to vector<1x128xf32>
        %slice3A_673 = vector.extract_strided_slice %get3A_393 {offsets = [6, 0], sizes = [1, 128], strides = [1, 1]} : vector<8x128xf32> to vector<1x128xf32>
        %max3A_674 = vector.broadcast %transpose3A : vector<128x1xf32> to vector<128x128xf32>
        %max3A_675 = vector.broadcast %slice3A_669 : vector<1x128xf32> to vector<128x128xf32>
        %max3A_676 = arith.maximumf %max3A_674, %max3A_675 : vector<128x128xf32>
        %max3A_677 = vector.broadcast %transpose3A_207 : vector<128x1xf32> to vector<128x128xf32>
        %max3A_678 = vector.broadcast %slice3A_670 : vector<1x128xf32> to vector<128x128xf32>
        %max3A_679 = arith.maximumf %max3A_677, %max3A_678 : vector<128x128xf32>
        %min3A_680 = vector.broadcast %transpose3A_208 : vector<128x1xf32> to vector<128x128xf32>
        %min3A_681 = vector.broadcast %slice3A_671 : vector<1x128xf32> to vector<128x128xf32>
        %min3A_682 = arith.minimumf %min3A_680, %min3A_681 : vector<128x128xf32>
        %min3A_683 = vector.broadcast %transpose3A_209 : vector<128x1xf32> to vector<128x128xf32>
        %min3A_684 = vector.broadcast %slice3A_672 : vector<1x128xf32> to vector<128x128xf32>
        %min3A_685 = arith.minimumf %min3A_683, %min3A_684 : vector<128x128xf32>
        %sub3A_686 = arith.subf %min3A_682, %max3A_676 : vector<128x128xf32>
        %add3A_687 = arith.constant 1.000000e+00 : f32
        %add3A_688 = vector.broadcast %add3A_687 : f32 to vector<128x128xf32>
        %add3A_689 = arith.addf %sub3A_686, %add3A_688 : vector<128x128xf32>
        %max3A_690 = arith.constant 0.000000e+00 : f32
        %max3A_691 = vector.broadcast %max3A_690 : f32 to vector<128x128xf32>
        %max3A_692 = arith.maximumf %max3A_691, %add3A_689 : vector<128x128xf32>
        %sub3A_693 = arith.subf %min3A_685, %max3A_679 : vector<128x128xf32>
        %add3A_694 = arith.constant 1.000000e+00 : f32
        %add3A_695 = vector.broadcast %add3A_694 : f32 to vector<128x128xf32>
        %add3A_696 = arith.addf %sub3A_693, %add3A_695 : vector<128x128xf32>
        %max3A_697 = arith.constant 0.000000e+00 : f32
        %max3A_698 = vector.broadcast %max3A_697 : f32 to vector<128x128xf32>
        %max3A_699 = arith.maximumf %max3A_698, %add3A_696 : vector<128x128xf32>
        %mul3A_700 = arith.mulf %max3A_692, %max3A_699 : vector<128x128xf32>
        %add3A_701 = vector.broadcast %transpose3A_210 : vector<128x1xf32> to vector<128x128xf32>
        %add3A_702 = vector.broadcast %slice3A_673 : vector<1x128xf32> to vector<128x128xf32>
        %add3A_703 = arith.addf %add3A_701, %add3A_702 : vector<128x128xf32>
        %sub3A_704 = arith.subf %add3A_703, %mul3A_700 : vector<128x128xf32>
        %div3A_705 = arith.divf %mul3A_700, %sub3A_704 : vector<128x128xf32>
        %ge3A_706 = arith.constant 5.000000e-01 : f32
        %ge3A_707 = vector.broadcast %ge3A_706 : f32 to vector<128x128xf32>
        %ge3A_708 = arith.cmpf oge, %div3A_705, %ge3A_707 : vector<128x128xf32>
        %jit3A_709 = arith.constant 1 : i32
        %jit3A_710 = arith.constant 0 : i32
        %broadcast_in_dim3A_711 = vector.broadcast %jit3A_709 : i32 to vector<128x128xi32>
        %broadcast_in_dim3A_712 = vector.broadcast %jit3A_710 : i32 to vector<128x128xi32>
        %select_n3A_713 = arith.select %ge3A_708, %broadcast_in_dim3A_711, %broadcast_in_dim3A_712 : vector<128x128xi1>, vector<128x128xi32>
        %or3A_714 = arith.ori %or3A_668, %select_n3A_713 : vector<128x128xi32>
        %slice3A_715 = vector.extract_strided_slice %get3A_373 {offsets = [7, 0], sizes = [1, 128], strides = [1, 1]} : vector<8x128xf32> to vector<1x128xf32>
        %slice3A_716 = vector.extract_strided_slice %get3A_378 {offsets = [7, 0], sizes = [1, 128], strides = [1, 1]} : vector<8x128xf32> to vector<1x128xf32>
        %slice3A_717 = vector.extract_strided_slice %get3A_383 {offsets = [7, 0], sizes = [1, 128], strides = [1, 1]} : vector<8x128xf32> to vector<1x128xf32>
        %slice3A_718 = vector.extract_strided_slice %get3A_388 {offsets = [7, 0], sizes = [1, 128], strides = [1, 1]} : vector<8x128xf32> to vector<1x128xf32>
        %slice3A_719 = vector.extract_strided_slice %get3A_393 {offsets = [7, 0], sizes = [1, 128], strides = [1, 1]} : vector<8x128xf32> to vector<1x128xf32>
        %max3A_720 = vector.broadcast %transpose3A : vector<128x1xf32> to vector<128x128xf32>
        %max3A_721 = vector.broadcast %slice3A_715 : vector<1x128xf32> to vector<128x128xf32>
        %max3A_722 = arith.maximumf %max3A_720, %max3A_721 : vector<128x128xf32>
        %max3A_723 = vector.broadcast %transpose3A_207 : vector<128x1xf32> to vector<128x128xf32>
        %max3A_724 = vector.broadcast %slice3A_716 : vector<1x128xf32> to vector<128x128xf32>
        %max3A_725 = arith.maximumf %max3A_723, %max3A_724 : vector<128x128xf32>
        %min3A_726 = vector.broadcast %transpose3A_208 : vector<128x1xf32> to vector<128x128xf32>
        %min3A_727 = vector.broadcast %slice3A_717 : vector<1x128xf32> to vector<128x128xf32>
        %min3A_728 = arith.minimumf %min3A_726, %min3A_727 : vector<128x128xf32>
        %min3A_729 = vector.broadcast %transpose3A_209 : vector<128x1xf32> to vector<128x128xf32>
        %min3A_730 = vector.broadcast %slice3A_718 : vector<1x128xf32> to vector<128x128xf32>
        %min3A_731 = arith.minimumf %min3A_729, %min3A_730 : vector<128x128xf32>
        %sub3A_732 = arith.subf %min3A_728, %max3A_722 : vector<128x128xf32>
        %add3A_733 = arith.constant 1.000000e+00 : f32
        %add3A_734 = vector.broadcast %add3A_733 : f32 to vector<128x128xf32>
        %add3A_735 = arith.addf %sub3A_732, %add3A_734 : vector<128x128xf32>
        %max3A_736 = arith.constant 0.000000e+00 : f32
        %max3A_737 = vector.broadcast %max3A_736 : f32 to vector<128x128xf32>
        %max3A_738 = arith.maximumf %max3A_737, %add3A_735 : vector<128x128xf32>
        %sub3A_739 = arith.subf %min3A_731, %max3A_725 : vector<128x128xf32>
        %add3A_740 = arith.constant 1.000000e+00 : f32
        %add3A_741 = vector.broadcast %add3A_740 : f32 to vector<128x128xf32>
        %add3A_742 = arith.addf %sub3A_739, %add3A_741 : vector<128x128xf32>
        %max3A_743 = arith.constant 0.000000e+00 : f32
        %max3A_744 = vector.broadcast %max3A_743 : f32 to vector<128x128xf32>
        %max3A_745 = arith.maximumf %max3A_744, %add3A_742 : vector<128x128xf32>
        %mul3A_746 = arith.mulf %max3A_738, %max3A_745 : vector<128x128xf32>
        %add3A_747 = vector.broadcast %transpose3A_210 : vector<128x1xf32> to vector<128x128xf32>
        %add3A_748 = vector.broadcast %slice3A_719 : vector<1x128xf32> to vector<128x128xf32>
        %add3A_749 = arith.addf %add3A_747, %add3A_748 : vector<128x128xf32>
        %sub3A_750 = arith.subf %add3A_749, %mul3A_746 : vector<128x128xf32>
        %div3A_751 = arith.divf %mul3A_746, %sub3A_750 : vector<128x128xf32>
        %ge3A_752 = arith.constant 5.000000e-01 : f32
        %ge3A_753 = vector.broadcast %ge3A_752 : f32 to vector<128x128xf32>
        %ge3A_754 = arith.cmpf oge, %div3A_751, %ge3A_753 : vector<128x128xf32>
        %jit3A_755 = arith.constant 1 : i32
        %jit3A_756 = arith.constant 0 : i32
        %broadcast_in_dim3A_757 = vector.broadcast %jit3A_755 : i32 to vector<128x128xi32>
        %broadcast_in_dim3A_758 = vector.broadcast %jit3A_756 : i32 to vector<128x128xi32>
        %select_n3A_759 = arith.select %ge3A_754, %broadcast_in_dim3A_757, %broadcast_in_dim3A_758 : vector<128x128xi1>, vector<128x128xi32>
        %or3A_760 = arith.ori %or3A_714, %select_n3A_759 : vector<128x128xi32>
        %get3A_761 = arith.constant 0 : index
        %get3A_762 = arith.constant 0 : index
        %get3A_763 = vector.load %arg14[%get3A_761, %get3A_762] : memref<128x128xi32, #tpu.memory_space<vmem>>, vector<128x128xi32>
        %or3A_764 = arith.ori %get3A_763, %or3A_760 : vector<128x128xi32>
        %swap3A_765 = arith.constant 0 : index
        %swap3A_766 = arith.constant 0 : index
        %swap3A_767 = vector.load %arg14[%swap3A_765, %swap3A_766] : memref<128x128xi32, #tpu.memory_space<vmem>>, vector<128x128xi32>
        tpu.vector_store %arg14[%swap3A_765, %swap3A_766], %or3A_764 {strides = array<i32>} : memref<128x128xi32, #tpu.memory_space<vmem>>, vector<128x128xi32>,
        %while3A_768 = arith.constant 0 : i32
        scf.yield %while3A_768 : i32
      }
      %while3A_228 = arith.constant 1 : i32
      %while3A_229 = scf.for %while3A_365 = %while3A_225 to %while3A_221 step %while3A_228 iter_args(%while3A_366 = %while3A_227) -> (i32)  : i32 {
        %broadcast_in_dim3A_367 = arith.constant 0 : i32
        %broadcast_in_dim3A_368 = vector.broadcast %broadcast_in_dim3A_367 : i32 to vector<128x128xi32>
        %mul3A_369 = arith.constant 8 : i32
        %mul3A_370 = arith.muli %mul3A_369, %while3A_365 : i32
        %get3A_371 = arith.index_cast %mul3A_370 : i32 to index
        %get3A_372 = arith.constant 0 : index
        %get3A_373 = vector.load %arg9[%get3A_371, %get3A_372] : memref<160x128xf32, #tpu.memory_space<vmem>>, vector<8x128xf32>
        %mul3A_374 = arith.constant 8 : i32
        %mul3A_375 = arith.muli %mul3A_374, %while3A_365 : i32
        %get3A_376 = arith.index_cast %mul3A_375 : i32 to index
        %get3A_377 = arith.constant 0 : index
        %get3A_378 = vector.load %arg10[%get3A_376, %get3A_377] : memref<160x128xf32, #tpu.memory_space<vmem>>, vector<8x128xf32>
        %mul3A_379 = arith.constant 8 : i32
        %mul3A_380 = arith.muli %mul3A_379, %while3A_365 : i32
        %get3A_381 = arith.index_cast %mul3A_380 : i32 to index
        %get3A_382 = arith.constant 0 : index
        %get3A_383 = vector.load %arg11[%get3A_381, %get3A_382] : memref<160x128xf32, #tpu.memory_space<vmem>>, vector<8x128xf32>
        %mul3A_384 = arith.constant 8 : i32
        %mul3A_385 = arith.muli %mul3A_384, %while3A_365 : i32
        %get3A_386 = arith.index_cast %mul3A_385 : i32 to index
        %get3A_387 = arith.constant 0 : index
        %get3A_388 = vector.load %arg12[%get3A_386, %get3A_387] : memref<160x128xf32, #tpu.memory_space<vmem>>, vector<8x128xf32>
        %mul3A_389 = arith.constant 8 : i32
        %mul3A_390 = arith.muli %mul3A_389, %while3A_365 : i32
        %get3A_391 = arith.index_cast %mul3A_390 : i32 to index
        %get3A_392 = arith.constant 0 : index
        %get3A_393 = vector.load %arg13[%get3A_391, %get3A_392] : memref<160x128xf32, #tpu.memory_space<vmem>>, vector<8x128xf32>
        %slice3A_394 = vector.extract_strided_slice %get3A_373 {offsets = [0, 0], sizes = [1, 128], strides = [1, 1]} : vector<8x128xf32> to vector<1x128xf32>
        %slice3A_395 = vector.extract_strided_slice %get3A_378 {offsets = [0, 0], sizes = [1, 128], strides = [1, 1]} : vector<8x128xf32> to vector<1x128xf32>
        %slice3A_396 = vector.extract_strided_slice %get3A_383 {offsets = [0, 0], sizes = [1, 128], strides = [1, 1]} : vector<8x128xf32> to vector<1x128xf32>
        %slice3A_397 = vector.extract_strided_slice %get3A_388 {offsets = [0, 0], sizes = [1, 128], strides = [1, 1]} : vector<8x128xf32> to vector<1x128xf32>
        %slice3A_398 = vector.extract_strided_slice %get3A_393 {offsets = [0, 0], sizes = [1, 128], strides = [1, 1]} : vector<8x128xf32> to vector<1x128xf32>
        %max3A_399 = vector.broadcast %transpose3A : vector<128x1xf32> to vector<128x128xf32>
        %max3A_400 = vector.broadcast %slice3A_394 : vector<1x128xf32> to vector<128x128xf32>
        %max3A_401 = arith.maximumf %max3A_399, %max3A_400 : vector<128x128xf32>
        %max3A_402 = vector.broadcast %transpose3A_207 : vector<128x1xf32> to vector<128x128xf32>
        %max3A_403 = vector.broadcast %slice3A_395 : vector<1x128xf32> to vector<128x128xf32>
        %max3A_404 = arith.maximumf %max3A_402, %max3A_403 : vector<128x128xf32>
        %min3A_405 = vector.broadcast %transpose3A_208 : vector<128x1xf32> to vector<128x128xf32>
        %min3A_406 = vector.broadcast %slice3A_396 : vector<1x128xf32> to vector<128x128xf32>
        %min3A_407 = arith.minimumf %min3A_405, %min3A_406 : vector<128x128xf32>
        %min3A_408 = vector.broadcast %transpose3A_209 : vector<128x1xf32> to vector<128x128xf32>
        %min3A_409 = vector.broadcast %slice3A_397 : vector<1x128xf32> to vector<128x128xf32>
        %min3A_410 = arith.minimumf %min3A_408, %min3A_409 : vector<128x128xf32>
        %sub3A_411 = arith.subf %min3A_407, %max3A_401 : vector<128x128xf32>
        %add3A_412 = arith.constant 1.000000e+00 : f32
        %add3A_413 = vector.broadcast %add3A_412 : f32 to vector<128x128xf32>
        %add3A_414 = arith.addf %sub3A_411, %add3A_413 : vector<128x128xf32>
        %max3A_415 = arith.constant 0.000000e+00 : f32
        %max3A_416 = vector.broadcast %max3A_415 : f32 to vector<128x128xf32>
        %max3A_417 = arith.maximumf %max3A_416, %add3A_414 : vector<128x128xf32>
        %sub3A_418 = arith.subf %min3A_410, %max3A_404 : vector<128x128xf32>
        %add3A_419 = arith.constant 1.000000e+00 : f32
        %add3A_420 = vector.broadcast %add3A_419 : f32 to vector<128x128xf32>
        %add3A_421 = arith.addf %sub3A_418, %add3A_420 : vector<128x128xf32>
        %max3A_422 = arith.constant 0.000000e+00 : f32
        %max3A_423 = vector.broadcast %max3A_422 : f32 to vector<128x128xf32>
        %max3A_424 = arith.maximumf %max3A_423, %add3A_421 : vector<128x128xf32>
        %mul3A_425 = arith.mulf %max3A_417, %max3A_424 : vector<128x128xf32>
        %add3A_426 = vector.broadcast %transpose3A_210 : vector<128x1xf32> to vector<128x128xf32>
        %add3A_427 = vector.broadcast %slice3A_398 : vector<1x128xf32> to vector<128x128xf32>
        %add3A_428 = arith.addf %add3A_426, %add3A_427 : vector<128x128xf32>
        %sub3A_429 = arith.subf %add3A_428, %mul3A_425 : vector<128x128xf32>
        %div3A_430 = arith.divf %mul3A_425, %sub3A_429 : vector<128x128xf32>
        %ge3A_431 = arith.constant 5.000000e-01 : f32
        %ge3A_432 = vector.broadcast %ge3A_431 : f32 to vector<128x128xf32>
        %ge3A_433 = arith.cmpf oge, %div3A_430, %ge3A_432 : vector<128x128xf32>
        %jit3A_434 = arith.constant 1 : i32
        %jit3A_435 = arith.constant 0 : i32
        %broadcast_in_dim3A_436 = vector.broadcast %jit3A_434 : i32 to vector<128x128xi32>
        %broadcast_in_dim3A_437 = vector.broadcast %jit3A_435 : i32 to vector<128x128xi32>
        %select_n3A_438 = arith.select %ge3A_433, %broadcast_in_dim3A_436, %broadcast_in_dim3A_437 : vector<128x128xi1>, vector<128x128xi32>
        %or3A = arith.ori %broadcast_in_dim3A_368, %select_n3A_438 : vector<128x128xi32>
        %slice3A_439 = vector.extract_strided_slice %get3A_373 {offsets = [1, 0], sizes = [1, 128], strides = [1, 1]} : vector<8x128xf32> to vector<1x128xf32>
        %slice3A_440 = vector.extract_strided_slice %get3A_378 {offsets = [1, 0], sizes = [1, 128], strides = [1, 1]} : vector<8x128xf32> to vector<1x128xf32>
        %slice3A_441 = vector.extract_strided_slice %get3A_383 {offsets = [1, 0], sizes = [1, 128], strides = [1, 1]} : vector<8x128xf32> to vector<1x128xf32>
        %slice3A_442 = vector.extract_strided_slice %get3A_388 {offsets = [1, 0], sizes = [1, 128], strides = [1, 1]} : vector<8x128xf32> to vector<1x128xf32>
        %slice3A_443 = vector.extract_strided_slice %get3A_393 {offsets = [1, 0], sizes = [1, 128], strides = [1, 1]} : vector<8x128xf32> to vector<1x128xf32>
        %max3A_444 = vector.broadcast %transpose3A : vector<128x1xf32> to vector<128x128xf32>
        %max3A_445 = vector.broadcast %slice3A_439 : vector<1x128xf32> to vector<128x128xf32>
        %max3A_446 = arith.maximumf %max3A_444, %max3A_445 : vector<128x128xf32>
        %max3A_447 = vector.broadcast %transpose3A_207 : vector<128x1xf32> to vector<128x128xf32>
        %max3A_448 = vector.broadcast %slice3A_440 : vector<1x128xf32> to vector<128x128xf32>
        %max3A_449 = arith.maximumf %max3A_447, %max3A_448 : vector<128x128xf32>
        %min3A_450 = vector.broadcast %transpose3A_208 : vector<128x1xf32> to vector<128x128xf32>
        %min3A_451 = vector.broadcast %slice3A_441 : vector<1x128xf32> to vector<128x128xf32>
        %min3A_452 = arith.minimumf %min3A_450, %min3A_451 : vector<128x128xf32>
        %min3A_453 = vector.broadcast %transpose3A_209 : vector<128x1xf32> to vector<128x128xf32>
        %min3A_454 = vector.broadcast %slice3A_442 : vector<1x128xf32> to vector<128x128xf32>
        %min3A_455 = arith.minimumf %min3A_453, %min3A_454 : vector<128x128xf32>
        %sub3A_456 = arith.subf %min3A_452, %max3A_446 : vector<128x128xf32>
        %add3A_457 = arith.constant 1.000000e+00 : f32
        %add3A_458 = vector.broadcast %add3A_457 : f32 to vector<128x128xf32>
        %add3A_459 = arith.addf %sub3A_456, %add3A_458 : vector<128x128xf32>
        %max3A_460 = arith.constant 0.000000e+00 : f32
        %max3A_461 = vector.broadcast %max3A_460 : f32 to vector<128x128xf32>
        %max3A_462 = arith.maximumf %max3A_461, %add3A_459 : vector<128x128xf32>
        %sub3A_463 = arith.subf %min3A_455, %max3A_449 : vector<128x128xf32>
        %add3A_464 = arith.constant 1.000000e+00 : f32
        %add3A_465 = vector.broadcast %add3A_464 : f32 to vector<128x128xf32>
        %add3A_466 = arith.addf %sub3A_463, %add3A_465 : vector<128x128xf32>
        %max3A_467 = arith.constant 0.000000e+00 : f32
        %max3A_468 = vector.broadcast %max3A_467 : f32 to vector<128x128xf32>
        %max3A_469 = arith.maximumf %max3A_468, %add3A_466 : vector<128x128xf32>
        %mul3A_470 = arith.mulf %max3A_462, %max3A_469 : vector<128x128xf32>
        %add3A_471 = vector.broadcast %transpose3A_210 : vector<128x1xf32> to vector<128x128xf32>
        %add3A_472 = vector.broadcast %slice3A_443 : vector<1x128xf32> to vector<128x128xf32>
        %add3A_473 = arith.addf %add3A_471, %add3A_472 : vector<128x128xf32>
        %sub3A_474 = arith.subf %add3A_473, %mul3A_470 : vector<128x128xf32>
        %div3A_475 = arith.divf %mul3A_470, %sub3A_474 : vector<128x128xf32>
        %ge3A_476 = arith.constant 5.000000e-01 : f32
        %ge3A_477 = vector.broadcast %ge3A_476 : f32 to vector<128x128xf32>
        %ge3A_478 = arith.cmpf oge, %div3A_475, %ge3A_477 : vector<128x128xf32>
        %jit3A_479 = arith.constant 1 : i32
        %jit3A_480 = arith.constant 0 : i32
        %broadcast_in_dim3A_481 = vector.broadcast %jit3A_479 : i32 to vector<128x128xi32>
        %broadcast_in_dim3A_482 = vector.broadcast %jit3A_480 : i32 to vector<128x128xi32>
        %select_n3A_483 = arith.select %ge3A_478, %broadcast_in_dim3A_481, %broadcast_in_dim3A_482 : vector<128x128xi1>, vector<128x128xi32>
        %or3A_484 = arith.ori %or3A, %select_n3A_483 : vector<128x128xi32>
        %slice3A_485 = vector.extract_strided_slice %get3A_373 {offsets = [2, 0], sizes = [1, 128], strides = [1, 1]} : vector<8x128xf32> to vector<1x128xf32>
        %slice3A_486 = vector.extract_strided_slice %get3A_378 {offsets = [2, 0], sizes = [1, 128], strides = [1, 1]} : vector<8x128xf32> to vector<1x128xf32>
        %slice3A_487 = vector.extract_strided_slice %get3A_383 {offsets = [2, 0], sizes = [1, 128], strides = [1, 1]} : vector<8x128xf32> to vector<1x128xf32>
        %slice3A_488 = vector.extract_strided_slice %get3A_388 {offsets = [2, 0], sizes = [1, 128], strides = [1, 1]} : vector<8x128xf32> to vector<1x128xf32>
        %slice3A_489 = vector.extract_strided_slice %get3A_393 {offsets = [2, 0], sizes = [1, 128], strides = [1, 1]} : vector<8x128xf32> to vector<1x128xf32>
        %max3A_490 = vector.broadcast %transpose3A : vector<128x1xf32> to vector<128x128xf32>
        %max3A_491 = vector.broadcast %slice3A_485 : vector<1x128xf32> to vector<128x128xf32>
        %max3A_492 = arith.maximumf %max3A_490, %max3A_491 : vector<128x128xf32>
        %max3A_493 = vector.broadcast %transpose3A_207 : vector<128x1xf32> to vector<128x128xf32>
        %max3A_494 = vector.broadcast %slice3A_486 : vector<1x128xf32> to vector<128x128xf32>
        %max3A_495 = arith.maximumf %max3A_493, %max3A_494 : vector<128x128xf32>
        %min3A_496 = vector.broadcast %transpose3A_208 : vector<128x1xf32> to vector<128x128xf32>
        %min3A_497 = vector.broadcast %slice3A_487 : vector<1x128xf32> to vector<128x128xf32>
        %min3A_498 = arith.minimumf %min3A_496, %min3A_497 : vector<128x128xf32>
        %min3A_499 = vector.broadcast %transpose3A_209 : vector<128x1xf32> to vector<128x128xf32>
        %min3A_500 = vector.broadcast %slice3A_488 : vector<1x128xf32> to vector<128x128xf32>
        %min3A_501 = arith.minimumf %min3A_499, %min3A_500 : vector<128x128xf32>
        %sub3A_502 = arith.subf %min3A_498, %max3A_492 : vector<128x128xf32>
        %add3A_503 = arith.constant 1.000000e+00 : f32
        %add3A_504 = vector.broadcast %add3A_503 : f32 to vector<128x128xf32>
        %add3A_505 = arith.addf %sub3A_502, %add3A_504 : vector<128x128xf32>
        %max3A_506 = arith.constant 0.000000e+00 : f32
        %max3A_507 = vector.broadcast %max3A_506 : f32 to vector<128x128xf32>
        %max3A_508 = arith.maximumf %max3A_507, %add3A_505 : vector<128x128xf32>
        %sub3A_509 = arith.subf %min3A_501, %max3A_495 : vector<128x128xf32>
        %add3A_510 = arith.constant 1.000000e+00 : f32
        %add3A_511 = vector.broadcast %add3A_510 : f32 to vector<128x128xf32>
        %add3A_512 = arith.addf %sub3A_509, %add3A_511 : vector<128x128xf32>
        %max3A_513 = arith.constant 0.000000e+00 : f32
        %max3A_514 = vector.broadcast %max3A_513 : f32 to vector<128x128xf32>
        %max3A_515 = arith.maximumf %max3A_514, %add3A_512 : vector<128x128xf32>
        %mul3A_516 = arith.mulf %max3A_508, %max3A_515 : vector<128x128xf32>
        %add3A_517 = vector.broadcast %transpose3A_210 : vector<128x1xf32> to vector<128x128xf32>
        %add3A_518 = vector.broadcast %slice3A_489 : vector<1x128xf32> to vector<128x128xf32>
        %add3A_519 = arith.addf %add3A_517, %add3A_518 : vector<128x128xf32>
        %sub3A_520 = arith.subf %add3A_519, %mul3A_516 : vector<128x128xf32>
        %div3A_521 = arith.divf %mul3A_516, %sub3A_520 : vector<128x128xf32>
        %ge3A_522 = arith.constant 5.000000e-01 : f32
        %ge3A_523 = vector.broadcast %ge3A_522 : f32 to vector<128x128xf32>
        %ge3A_524 = arith.cmpf oge, %div3A_521, %ge3A_523 : vector<128x128xf32>
        %jit3A_525 = arith.constant 1 : i32
        %jit3A_526 = arith.constant 0 : i32
        %broadcast_in_dim3A_527 = vector.broadcast %jit3A_525 : i32 to vector<128x128xi32>
        %broadcast_in_dim3A_528 = vector.broadcast %jit3A_526 : i32 to vector<128x128xi32>
        %select_n3A_529 = arith.select %ge3A_524, %broadcast_in_dim3A_527, %broadcast_in_dim3A_528 : vector<128x128xi1>, vector<128x128xi32>
        %or3A_530 = arith.ori %or3A_484, %select_n3A_529 : vector<128x128xi32>
        %slice3A_531 = vector.extract_strided_slice %get3A_373 {offsets = [3, 0], sizes = [1, 128], strides = [1, 1]} : vector<8x128xf32> to vector<1x128xf32>
        %slice3A_532 = vector.extract_strided_slice %get3A_378 {offsets = [3, 0], sizes = [1, 128], strides = [1, 1]} : vector<8x128xf32> to vector<1x128xf32>
        %slice3A_533 = vector.extract_strided_slice %get3A_383 {offsets = [3, 0], sizes = [1, 128], strides = [1, 1]} : vector<8x128xf32> to vector<1x128xf32>
        %slice3A_534 = vector.extract_strided_slice %get3A_388 {offsets = [3, 0], sizes = [1, 128], strides = [1, 1]} : vector<8x128xf32> to vector<1x128xf32>
        %slice3A_535 = vector.extract_strided_slice %get3A_393 {offsets = [3, 0], sizes = [1, 128], strides = [1, 1]} : vector<8x128xf32> to vector<1x128xf32>
        %max3A_536 = vector.broadcast %transpose3A : vector<128x1xf32> to vector<128x128xf32>
        %max3A_537 = vector.broadcast %slice3A_531 : vector<1x128xf32> to vector<128x128xf32>
        %max3A_538 = arith.maximumf %max3A_536, %max3A_537 : vector<128x128xf32>
        %max3A_539 = vector.broadcast %transpose3A_207 : vector<128x1xf32> to vector<128x128xf32>
        %max3A_540 = vector.broadcast %slice3A_532 : vector<1x128xf32> to vector<128x128xf32>
        %max3A_541 = arith.maximumf %max3A_539, %max3A_540 : vector<128x128xf32>
        %min3A_542 = vector.broadcast %transpose3A_208 : vector<128x1xf32> to vector<128x128xf32>
        %min3A_543 = vector.broadcast %slice3A_533 : vector<1x128xf32> to vector<128x128xf32>
        %min3A_544 = arith.minimumf %min3A_542, %min3A_543 : vector<128x128xf32>
        %min3A_545 = vector.broadcast %transpose3A_209 : vector<128x1xf32> to vector<128x128xf32>
        %min3A_546 = vector.broadcast %slice3A_534 : vector<1x128xf32> to vector<128x128xf32>
        %min3A_547 = arith.minimumf %min3A_545, %min3A_546 : vector<128x128xf32>
        %sub3A_548 = arith.subf %min3A_544, %max3A_538 : vector<128x128xf32>
        %add3A_549 = arith.constant 1.000000e+00 : f32
        %add3A_550 = vector.broadcast %add3A_549 : f32 to vector<128x128xf32>
        %add3A_551 = arith.addf %sub3A_548, %add3A_550 : vector<128x128xf32>
        %max3A_552 = arith.constant 0.000000e+00 : f32
        %max3A_553 = vector.broadcast %max3A_552 : f32 to vector<128x128xf32>
        %max3A_554 = arith.maximumf %max3A_553, %add3A_551 : vector<128x128xf32>
        %sub3A_555 = arith.subf %min3A_547, %max3A_541 : vector<128x128xf32>
        %add3A_556 = arith.constant 1.000000e+00 : f32
        %add3A_557 = vector.broadcast %add3A_556 : f32 to vector<128x128xf32>
        %add3A_558 = arith.addf %sub3A_555, %add3A_557 : vector<128x128xf32>
        %max3A_559 = arith.constant 0.000000e+00 : f32
        %max3A_560 = vector.broadcast %max3A_559 : f32 to vector<128x128xf32>
        %max3A_561 = arith.maximumf %max3A_560, %add3A_558 : vector<128x128xf32>
        %mul3A_562 = arith.mulf %max3A_554, %max3A_561 : vector<128x128xf32>
        %add3A_563 = vector.broadcast %transpose3A_210 : vector<128x1xf32> to vector<128x128xf32>
        %add3A_564 = vector.broadcast %slice3A_535 : vector<1x128xf32> to vector<128x128xf32>
        %add3A_565 = arith.addf %add3A_563, %add3A_564 : vector<128x128xf32>
        %sub3A_566 = arith.subf %add3A_565, %mul3A_562 : vector<128x128xf32>
        %div3A_567 = arith.divf %mul3A_562, %sub3A_566 : vector<128x128xf32>
        %ge3A_568 = arith.constant 5.000000e-01 : f32
        %ge3A_569 = vector.broadcast %ge3A_568 : f32 to vector<128x128xf32>
        %ge3A_570 = arith.cmpf oge, %div3A_567, %ge3A_569 : vector<128x128xf32>
        %jit3A_571 = arith.constant 1 : i32
        %jit3A_572 = arith.constant 0 : i32
        %broadcast_in_dim3A_573 = vector.broadcast %jit3A_571 : i32 to vector<128x128xi32>
        %broadcast_in_dim3A_574 = vector.broadcast %jit3A_572 : i32 to vector<128x128xi32>
        %select_n3A_575 = arith.select %ge3A_570, %broadcast_in_dim3A_573, %broadcast_in_dim3A_574 : vector<128x128xi1>, vector<128x128xi32>
        %or3A_576 = arith.ori %or3A_530, %select_n3A_575 : vector<128x128xi32>
        %slice3A_577 = vector.extract_strided_slice %get3A_373 {offsets = [4, 0], sizes = [1, 128], strides = [1, 1]} : vector<8x128xf32> to vector<1x128xf32>
        %slice3A_578 = vector.extract_strided_slice %get3A_378 {offsets = [4, 0], sizes = [1, 128], strides = [1, 1]} : vector<8x128xf32> to vector<1x128xf32>
        %slice3A_579 = vector.extract_strided_slice %get3A_383 {offsets = [4, 0], sizes = [1, 128], strides = [1, 1]} : vector<8x128xf32> to vector<1x128xf32>
        %slice3A_580 = vector.extract_strided_slice %get3A_388 {offsets = [4, 0], sizes = [1, 128], strides = [1, 1]} : vector<8x128xf32> to vector<1x128xf32>
        %slice3A_581 = vector.extract_strided_slice %get3A_393 {offsets = [4, 0], sizes = [1, 128], strides = [1, 1]} : vector<8x128xf32> to vector<1x128xf32>
        %max3A_582 = vector.broadcast %transpose3A : vector<128x1xf32> to vector<128x128xf32>
        %max3A_583 = vector.broadcast %slice3A_577 : vector<1x128xf32> to vector<128x128xf32>
        %max3A_584 = arith.maximumf %max3A_582, %max3A_583 : vector<128x128xf32>
        %max3A_585 = vector.broadcast %transpose3A_207 : vector<128x1xf32> to vector<128x128xf32>
        %max3A_586 = vector.broadcast %slice3A_578 : vector<1x128xf32> to vector<128x128xf32>
        %max3A_587 = arith.maximumf %max3A_585, %max3A_586 : vector<128x128xf32>
        %min3A_588 = vector.broadcast %transpose3A_208 : vector<128x1xf32> to vector<128x128xf32>
        %min3A_589 = vector.broadcast %slice3A_579 : vector<1x128xf32> to vector<128x128xf32>
        %min3A_590 = arith.minimumf %min3A_588, %min3A_589 : vector<128x128xf32>
        %min3A_591 = vector.broadcast %transpose3A_209 : vector<128x1xf32> to vector<128x128xf32>
        %min3A_592 = vector.broadcast %slice3A_580 : vector<1x128xf32> to vector<128x128xf32>
        %min3A_593 = arith.minimumf %min3A_591, %min3A_592 : vector<128x128xf32>
        %sub3A_594 = arith.subf %min3A_590, %max3A_584 : vector<128x128xf32>
        %add3A_595 = arith.constant 1.000000e+00 : f32
        %add3A_596 = vector.broadcast %add3A_595 : f32 to vector<128x128xf32>
        %add3A_597 = arith.addf %sub3A_594, %add3A_596 : vector<128x128xf32>
        %max3A_598 = arith.constant 0.000000e+00 : f32
        %max3A_599 = vector.broadcast %max3A_598 : f32 to vector<128x128xf32>
        %max3A_600 = arith.maximumf %max3A_599, %add3A_597 : vector<128x128xf32>
        %sub3A_601 = arith.subf %min3A_593, %max3A_587 : vector<128x128xf32>
        %add3A_602 = arith.constant 1.000000e+00 : f32
        %add3A_603 = vector.broadcast %add3A_602 : f32 to vector<128x128xf32>
        %add3A_604 = arith.addf %sub3A_601, %add3A_603 : vector<128x128xf32>
        %max3A_605 = arith.constant 0.000000e+00 : f32
        %max3A_606 = vector.broadcast %max3A_605 : f32 to vector<128x128xf32>
        %max3A_607 = arith.maximumf %max3A_606, %add3A_604 : vector<128x128xf32>
        %mul3A_608 = arith.mulf %max3A_600, %max3A_607 : vector<128x128xf32>
        %add3A_609 = vector.broadcast %transpose3A_210 : vector<128x1xf32> to vector<128x128xf32>
        %add3A_610 = vector.broadcast %slice3A_581 : vector<1x128xf32> to vector<128x128xf32>
        %add3A_611 = arith.addf %add3A_609, %add3A_610 : vector<128x128xf32>
        %sub3A_612 = arith.subf %add3A_611, %mul3A_608 : vector<128x128xf32>
        %div3A_613 = arith.divf %mul3A_608, %sub3A_612 : vector<128x128xf32>
        %ge3A_614 = arith.constant 5.000000e-01 : f32
        %ge3A_615 = vector.broadcast %ge3A_614 : f32 to vector<128x128xf32>
        %ge3A_616 = arith.cmpf oge, %div3A_613, %ge3A_615 : vector<128x128xf32>
        %jit3A_617 = arith.constant 1 : i32
        %jit3A_618 = arith.constant 0 : i32
        %broadcast_in_dim3A_619 = vector.broadcast %jit3A_617 : i32 to vector<128x128xi32>
        %broadcast_in_dim3A_620 = vector.broadcast %jit3A_618 : i32 to vector<128x128xi32>
        %select_n3A_621 = arith.select %ge3A_616, %broadcast_in_dim3A_619, %broadcast_in_dim3A_620 : vector<128x128xi1>, vector<128x128xi32>
        %or3A_622 = arith.ori %or3A_576, %select_n3A_621 : vector<128x128xi32>
        %slice3A_623 = vector.extract_strided_slice %get3A_373 {offsets = [5, 0], sizes = [1, 128], strides = [1, 1]} : vector<8x128xf32> to vector<1x128xf32>
        %slice3A_624 = vector.extract_strided_slice %get3A_378 {offsets = [5, 0], sizes = [1, 128], strides = [1, 1]} : vector<8x128xf32> to vector<1x128xf32>
        %slice3A_625 = vector.extract_strided_slice %get3A_383 {offsets = [5, 0], sizes = [1, 128], strides = [1, 1]} : vector<8x128xf32> to vector<1x128xf32>
        %slice3A_626 = vector.extract_strided_slice %get3A_388 {offsets = [5, 0], sizes = [1, 128], strides = [1, 1]} : vector<8x128xf32> to vector<1x128xf32>
        %slice3A_627 = vector.extract_strided_slice %get3A_393 {offsets = [5, 0], sizes = [1, 128], strides = [1, 1]} : vector<8x128xf32> to vector<1x128xf32>
        %max3A_628 = vector.broadcast %transpose3A : vector<128x1xf32> to vector<128x128xf32>
        %max3A_629 = vector.broadcast %slice3A_623 : vector<1x128xf32> to vector<128x128xf32>
        %max3A_630 = arith.maximumf %max3A_628, %max3A_629 : vector<128x128xf32>
        %max3A_631 = vector.broadcast %transpose3A_207 : vector<128x1xf32> to vector<128x128xf32>
        %max3A_632 = vector.broadcast %slice3A_624 : vector<1x128xf32> to vector<128x128xf32>
        %max3A_633 = arith.maximumf %max3A_631, %max3A_632 : vector<128x128xf32>
        %min3A_634 = vector.broadcast %transpose3A_208 : vector<128x1xf32> to vector<128x128xf32>
        %min3A_635 = vector.broadcast %slice3A_625 : vector<1x128xf32> to vector<128x128xf32>
        %min3A_636 = arith.minimumf %min3A_634, %min3A_635 : vector<128x128xf32>
        %min3A_637 = vector.broadcast %transpose3A_209 : vector<128x1xf32> to vector<128x128xf32>
        %min3A_638 = vector.broadcast %slice3A_626 : vector<1x128xf32> to vector<128x128xf32>
        %min3A_639 = arith.minimumf %min3A_637, %min3A_638 : vector<128x128xf32>
        %sub3A_640 = arith.subf %min3A_636, %max3A_630 : vector<128x128xf32>
        %add3A_641 = arith.constant 1.000000e+00 : f32
        %add3A_642 = vector.broadcast %add3A_641 : f32 to vector<128x128xf32>
        %add3A_643 = arith.addf %sub3A_640, %add3A_642 : vector<128x128xf32>
        %max3A_644 = arith.constant 0.000000e+00 : f32
        %max3A_645 = vector.broadcast %max3A_644 : f32 to vector<128x128xf32>
        %max3A_646 = arith.maximumf %max3A_645, %add3A_643 : vector<128x128xf32>
        %sub3A_647 = arith.subf %min3A_639, %max3A_633 : vector<128x128xf32>
        %add3A_648 = arith.constant 1.000000e+00 : f32
        %add3A_649 = vector.broadcast %add3A_648 : f32 to vector<128x128xf32>
        %add3A_650 = arith.addf %sub3A_647, %add3A_649 : vector<128x128xf32>
        %max3A_651 = arith.constant 0.000000e+00 : f32
        %max3A_652 = vector.broadcast %max3A_651 : f32 to vector<128x128xf32>
        %max3A_653 = arith.maximumf %max3A_652, %add3A_650 : vector<128x128xf32>
        %mul3A_654 = arith.mulf %max3A_646, %max3A_653 : vector<128x128xf32>
        %add3A_655 = vector.broadcast %transpose3A_210 : vector<128x1xf32> to vector<128x128xf32>
        %add3A_656 = vector.broadcast %slice3A_627 : vector<1x128xf32> to vector<128x128xf32>
        %add3A_657 = arith.addf %add3A_655, %add3A_656 : vector<128x128xf32>
        %sub3A_658 = arith.subf %add3A_657, %mul3A_654 : vector<128x128xf32>
        %div3A_659 = arith.divf %mul3A_654, %sub3A_658 : vector<128x128xf32>
        %ge3A_660 = arith.constant 5.000000e-01 : f32
        %ge3A_661 = vector.broadcast %ge3A_660 : f32 to vector<128x128xf32>
        %ge3A_662 = arith.cmpf oge, %div3A_659, %ge3A_661 : vector<128x128xf32>
        %jit3A_663 = arith.constant 1 : i32
        %jit3A_664 = arith.constant 0 : i32
        %broadcast_in_dim3A_665 = vector.broadcast %jit3A_663 : i32 to vector<128x128xi32>
        %broadcast_in_dim3A_666 = vector.broadcast %jit3A_664 : i32 to vector<128x128xi32>
        %select_n3A_667 = arith.select %ge3A_662, %broadcast_in_dim3A_665, %broadcast_in_dim3A_666 : vector<128x128xi1>, vector<128x128xi32>
        %or3A_668 = arith.ori %or3A_622, %select_n3A_667 : vector<128x128xi32>
        %slice3A_669 = vector.extract_strided_slice %get3A_373 {offsets = [6, 0], sizes = [1, 128], strides = [1, 1]} : vector<8x128xf32> to vector<1x128xf32>
        %slice3A_670 = vector.extract_strided_slice %get3A_378 {offsets = [6, 0], sizes = [1, 128], strides = [1, 1]} : vector<8x128xf32> to vector<1x128xf32>
        %slice3A_671 = vector.extract_strided_slice %get3A_383 {offsets = [6, 0], sizes = [1, 128], strides = [1, 1]} : vector<8x128xf32> to vector<1x128xf32>
        %slice3A_672 = vector.extract_strided_slice %get3A_388 {offsets = [6, 0], sizes = [1, 128], strides = [1, 1]} : vector<8x128xf32> to vector<1x128xf32>
        %slice3A_673 = vector.extract_strided_slice %get3A_393 {offsets = [6, 0], sizes = [1, 128], strides = [1, 1]} : vector<8x128xf32> to vector<1x128xf32>
        %max3A_674 = vector.broadcast %transpose3A : vector<128x1xf32> to vector<128x128xf32>
        %max3A_675 = vector.broadcast %slice3A_669 : vector<1x128xf32> to vector<128x128xf32>
        %max3A_676 = arith.maximumf %max3A_674, %max3A_675 : vector<128x128xf32>
        %max3A_677 = vector.broadcast %transpose3A_207 : vector<128x1xf32> to vector<128x128xf32>
        %max3A_678 = vector.broadcast %slice3A_670 : vector<1x128xf32> to vector<128x128xf32>
        %max3A_679 = arith.maximumf %max3A_677, %max3A_678 : vector<128x128xf32>
        %min3A_680 = vector.broadcast %transpose3A_208 : vector<128x1xf32> to vector<128x128xf32>
        %min3A_681 = vector.broadcast %slice3A_671 : vector<1x128xf32> to vector<128x128xf32>
        %min3A_682 = arith.minimumf %min3A_680, %min3A_681 : vector<128x128xf32>
        %min3A_683 = vector.broadcast %transpose3A_209 : vector<128x1xf32> to vector<128x128xf32>
        %min3A_684 = vector.broadcast %slice3A_672 : vector<1x128xf32> to vector<128x128xf32>
        %min3A_685 = arith.minimumf %min3A_683, %min3A_684 : vector<128x128xf32>
        %sub3A_686 = arith.subf %min3A_682, %max3A_676 : vector<128x128xf32>
        %add3A_687 = arith.constant 1.000000e+00 : f32
        %add3A_688 = vector.broadcast %add3A_687 : f32 to vector<128x128xf32>
        %add3A_689 = arith.addf %sub3A_686, %add3A_688 : vector<128x128xf32>
        %max3A_690 = arith.constant 0.000000e+00 : f32
        %max3A_691 = vector.broadcast %max3A_690 : f32 to vector<128x128xf32>
        %max3A_692 = arith.maximumf %max3A_691, %add3A_689 : vector<128x128xf32>
        %sub3A_693 = arith.subf %min3A_685, %max3A_679 : vector<128x128xf32>
        %add3A_694 = arith.constant 1.000000e+00 : f32
        %add3A_695 = vector.broadcast %add3A_694 : f32 to vector<128x128xf32>
        %add3A_696 = arith.addf %sub3A_693, %add3A_695 : vector<128x128xf32>
        %max3A_697 = arith.constant 0.000000e+00 : f32
        %max3A_698 = vector.broadcast %max3A_697 : f32 to vector<128x128xf32>
        %max3A_699 = arith.maximumf %max3A_698, %add3A_696 : vector<128x128xf32>
        %mul3A_700 = arith.mulf %max3A_692, %max3A_699 : vector<128x128xf32>
        %add3A_701 = vector.broadcast %transpose3A_210 : vector<128x1xf32> to vector<128x128xf32>
        %add3A_702 = vector.broadcast %slice3A_673 : vector<1x128xf32> to vector<128x128xf32>
        %add3A_703 = arith.addf %add3A_701, %add3A_702 : vector<128x128xf32>
        %sub3A_704 = arith.subf %add3A_703, %mul3A_700 : vector<128x128xf32>
        %div3A_705 = arith.divf %mul3A_700, %sub3A_704 : vector<128x128xf32>
        %ge3A_706 = arith.constant 5.000000e-01 : f32
        %ge3A_707 = vector.broadcast %ge3A_706 : f32 to vector<128x128xf32>
        %ge3A_708 = arith.cmpf oge, %div3A_705, %ge3A_707 : vector<128x128xf32>
        %jit3A_709 = arith.constant 1 : i32
        %jit3A_710 = arith.constant 0 : i32
        %broadcast_in_dim3A_711 = vector.broadcast %jit3A_709 : i32 to vector<128x128xi32>
        %broadcast_in_dim3A_712 = vector.broadcast %jit3A_710 : i32 to vector<128x128xi32>
        %select_n3A_713 = arith.select %ge3A_708, %broadcast_in_dim3A_711, %broadcast_in_dim3A_712 : vector<128x128xi1>, vector<128x128xi32>
        %or3A_714 = arith.ori %or3A_668, %select_n3A_713 : vector<128x128xi32>
        %slice3A_715 = vector.extract_strided_slice %get3A_373 {offsets = [7, 0], sizes = [1, 128], strides = [1, 1]} : vector<8x128xf32> to vector<1x128xf32>
        %slice3A_716 = vector.extract_strided_slice %get3A_378 {offsets = [7, 0], sizes = [1, 128], strides = [1, 1]} : vector<8x128xf32> to vector<1x128xf32>
        %slice3A_717 = vector.extract_strided_slice %get3A_383 {offsets = [7, 0], sizes = [1, 128], strides = [1, 1]} : vector<8x128xf32> to vector<1x128xf32>
        %slice3A_718 = vector.extract_strided_slice %get3A_388 {offsets = [7, 0], sizes = [1, 128], strides = [1, 1]} : vector<8x128xf32> to vector<1x128xf32>
        %slice3A_719 = vector.extract_strided_slice %get3A_393 {offsets = [7, 0], sizes = [1, 128], strides = [1, 1]} : vector<8x128xf32> to vector<1x128xf32>
        %max3A_720 = vector.broadcast %transpose3A : vector<128x1xf32> to vector<128x128xf32>
        %max3A_721 = vector.broadcast %slice3A_715 : vector<1x128xf32> to vector<128x128xf32>
        %max3A_722 = arith.maximumf %max3A_720, %max3A_721 : vector<128x128xf32>
        %max3A_723 = vector.broadcast %transpose3A_207 : vector<128x1xf32> to vector<128x128xf32>
        %max3A_724 = vector.broadcast %slice3A_716 : vector<1x128xf32> to vector<128x128xf32>
        %max3A_725 = arith.maximumf %max3A_723, %max3A_724 : vector<128x128xf32>
        %min3A_726 = vector.broadcast %transpose3A_208 : vector<128x1xf32> to vector<128x128xf32>
        %min3A_727 = vector.broadcast %slice3A_717 : vector<1x128xf32> to vector<128x128xf32>
        %min3A_728 = arith.minimumf %min3A_726, %min3A_727 : vector<128x128xf32>
        %min3A_729 = vector.broadcast %transpose3A_209 : vector<128x1xf32> to vector<128x128xf32>
        %min3A_730 = vector.broadcast %slice3A_718 : vector<1x128xf32> to vector<128x128xf32>
        %min3A_731 = arith.minimumf %min3A_729, %min3A_730 : vector<128x128xf32>
        %sub3A_732 = arith.subf %min3A_728, %max3A_722 : vector<128x128xf32>
        %add3A_733 = arith.constant 1.000000e+00 : f32
        %add3A_734 = vector.broadcast %add3A_733 : f32 to vector<128x128xf32>
        %add3A_735 = arith.addf %sub3A_732, %add3A_734 : vector<128x128xf32>
        %max3A_736 = arith.constant 0.000000e+00 : f32
        %max3A_737 = vector.broadcast %max3A_736 : f32 to vector<128x128xf32>
        %max3A_738 = arith.maximumf %max3A_737, %add3A_735 : vector<128x128xf32>
        %sub3A_739 = arith.subf %min3A_731, %max3A_725 : vector<128x128xf32>
        %add3A_740 = arith.constant 1.000000e+00 : f32
        %add3A_741 = vector.broadcast %add3A_740 : f32 to vector<128x128xf32>
        %add3A_742 = arith.addf %sub3A_739, %add3A_741 : vector<128x128xf32>
        %max3A_743 = arith.constant 0.000000e+00 : f32
        %max3A_744 = vector.broadcast %max3A_743 : f32 to vector<128x128xf32>
        %max3A_745 = arith.maximumf %max3A_744, %add3A_742 : vector<128x128xf32>
        %mul3A_746 = arith.mulf %max3A_738, %max3A_745 : vector<128x128xf32>
        %add3A_747 = vector.broadcast %transpose3A_210 : vector<128x1xf32> to vector<128x128xf32>
        %add3A_748 = vector.broadcast %slice3A_719 : vector<1x128xf32> to vector<128x128xf32>
        %add3A_749 = arith.addf %add3A_747, %add3A_748 : vector<128x128xf32>
        %sub3A_750 = arith.subf %add3A_749, %mul3A_746 : vector<128x128xf32>
        %div3A_751 = arith.divf %mul3A_746, %sub3A_750 : vector<128x128xf32>
        %ge3A_752 = arith.constant 5.000000e-01 : f32
        %ge3A_753 = vector.broadcast %ge3A_752 : f32 to vector<128x128xf32>
        %ge3A_754 = arith.cmpf oge, %div3A_751, %ge3A_753 : vector<128x128xf32>
        %jit3A_755 = arith.constant 1 : i32
        %jit3A_756 = arith.constant 0 : i32
        %broadcast_in_dim3A_757 = vector.broadcast %jit3A_755 : i32 to vector<128x128xi32>
        %broadcast_in_dim3A_758 = vector.broadcast %jit3A_756 : i32 to vector<128x128xi32>
        %select_n3A_759 = arith.select %ge3A_754, %broadcast_in_dim3A_757, %broadcast_in_dim3A_758 : vector<128x128xi1>, vector<128x128xi32>
        %or3A_760 = arith.ori %or3A_714, %select_n3A_759 : vector<128x128xi32>
        %get3A_761 = arith.constant 0 : index
        %get3A_762 = arith.constant 0 : index
        %get3A_763 = vector.load %arg14[%get3A_761, %get3A_762] : memref<128x128xi32, #tpu.memory_space<vmem>>, vector<128x128xi32>
        %or3A_764 = arith.ori %get3A_763, %or3A_760 : vector<128x128xi32>
        %swap3A_765 = arith.constant 0 : index
        %swap3A_766 = arith.constant 0 : index
        %swap3A_767 = vector.load %arg14[%swap3A_765, %swap3A_766] : memref<128x128xi32, #tpu.memory_space<vmem>>, vector<128x128xi32>
        tpu.vector_store %arg14[%swap3A_765, %swap3A_766], %or3A_764 {strides = array<i32>} : memref<128x128xi32, #tpu.memory_space<vmem>>, vector<128x128xi32>,
        %while3A_768 = arith.constant 0 : i32
        scf.yield %while3A_768 : i32
      }
      %get3A_230 = arith.constant 0 : index
      %get3A_231 = arith.constant 0 : index
      %get3A_232 = vector.load %arg14[%get3A_230, %get3A_231] : memref<128x128xi32, #tpu.memory_space<vmem>>, vector<128x128xi32>
      %reduce_max3A = arith.constant dense<-2147483648> : vector<128xi32>
      %reduce_max3A_233 = vector.multi_reduction <maxsi>, %get3A_232, %reduce_max3A [1] : vector<128x128xi32> to vector<128xi32>
      %broadcast_in_dim3A_234 = vector.shape_cast %reduce_max3A_233 : vector<128xi32> to vector<128x1xi32>
      %max3A_235 = vector.broadcast %transpose3A : vector<128x1xf32> to vector<128x128xf32>
      %max3A_236 = vector.broadcast %get3A_194 : vector<1x128xf32> to vector<128x128xf32>
      %max3A_237 = arith.maximumf %max3A_235, %max3A_236 : vector<128x128xf32>
      %max3A_238 = vector.broadcast %transpose3A_207 : vector<128x1xf32> to vector<128x128xf32>
      %max3A_239 = vector.broadcast %get3A_197 : vector<1x128xf32> to vector<128x128xf32>
      %max3A_240 = arith.maximumf %max3A_238, %max3A_239 : vector<128x128xf32>
      %min3A_241 = vector.broadcast %transpose3A_208 : vector<128x1xf32> to vector<128x128xf32>
      %min3A_242 = vector.broadcast %get3A_200 : vector<1x128xf32> to vector<128x128xf32>
      %min3A_243 = arith.minimumf %min3A_241, %min3A_242 : vector<128x128xf32>
      %min3A_244 = vector.broadcast %transpose3A_209 : vector<128x1xf32> to vector<128x128xf32>
      %min3A_245 = vector.broadcast %get3A_203 : vector<1x128xf32> to vector<128x128xf32>
      %min3A_246 = arith.minimumf %min3A_244, %min3A_245 : vector<128x128xf32>
      %sub3A_247 = arith.subf %min3A_243, %max3A_237 : vector<128x128xf32>
      %add3A_248 = arith.constant 1.000000e+00 : f32
      %add3A_249 = vector.broadcast %add3A_248 : f32 to vector<128x128xf32>
      %add3A_250 = arith.addf %sub3A_247, %add3A_249 : vector<128x128xf32>
      %max3A_251 = arith.constant 0.000000e+00 : f32
      %max3A_252 = vector.broadcast %max3A_251 : f32 to vector<128x128xf32>
      %max3A_253 = arith.maximumf %max3A_252, %add3A_250 : vector<128x128xf32>
      %sub3A_254 = arith.subf %min3A_246, %max3A_240 : vector<128x128xf32>
      %add3A_255 = arith.constant 1.000000e+00 : f32
      %add3A_256 = vector.broadcast %add3A_255 : f32 to vector<128x128xf32>
      %add3A_257 = arith.addf %sub3A_254, %add3A_256 : vector<128x128xf32>
      %max3A_258 = arith.constant 0.000000e+00 : f32
      %max3A_259 = vector.broadcast %max3A_258 : f32 to vector<128x128xf32>
      %max3A_260 = arith.maximumf %max3A_259, %add3A_257 : vector<128x128xf32>
      %mul3A_261 = arith.mulf %max3A_253, %max3A_260 : vector<128x128xf32>
      %add3A_262 = vector.broadcast %transpose3A_210 : vector<128x1xf32> to vector<128x128xf32>
      %add3A_263 = vector.broadcast %get3A_206 : vector<1x128xf32> to vector<128x128xf32>
      %add3A_264 = arith.addf %add3A_262, %add3A_263 : vector<128x128xf32>
      %sub3A_265 = arith.subf %add3A_264, %mul3A_261 : vector<128x128xf32>
      %div3A = arith.divf %mul3A_261, %sub3A_265 : vector<128x128xf32>
      %ge3A = arith.constant 5.000000e-01 : f32
      %ge3A_266 = vector.broadcast %ge3A : f32 to vector<128x128xf32>
      %ge3A_267 = arith.cmpf oge, %div3A, %ge3A_266 : vector<128x128xf32>
      %and3A = arith.andi %ge3A_267, %gt3A : vector<128x128xi1>
      %jit3A_268 = arith.constant 1 : i32
      %jit3A_269 = arith.constant 0 : i32
      %broadcast_in_dim3A_270 = vector.broadcast %jit3A_268 : i32 to vector<128x128xi32>
      %broadcast_in_dim3A_271 = vector.broadcast %jit3A_269 : i32 to vector<128x128xi32>
      %select_n3A = arith.select %and3A, %broadcast_in_dim3A_270, %broadcast_in_dim3A_271 : vector<128x128xi1>, vector<128x128xi32>
      %while3A_272 = arith.constant 0 : i32
      %while3A_273:3 = scf.while (%while3A_365 = %broadcast_in_dim3A_234, %while3A_366 = %broadcast_in_dim3A_234, %while3A_367 = %while3A_272) : (vector<128x1xi32>, vector<128x1xi32>, i32) -> (vector<128x1xi32>, vector<128x1xi32>, i32) {
        %lt3A_368 = arith.constant 1 : i32
        %lt3A_369 = arith.cmpi slt, %while3A_367, %lt3A_368 : i32
        %sub3A_370 = arith.subi %while3A_365, %while3A_366 : vector<128x1xi32>
        %abs3A = math.absi %sub3A_370 : vector<128x1xi32>
        %reduce_max3A_371 = vector.shape_cast %abs3A : vector<128x1xi32> to vector<1x128x1xi32>
        %reduce_max3A_372 = arith.constant dense<-2147483648> : vector<1xi32>
        %reduce_max3A_373 = vector.multi_reduction <maxsi>, %reduce_max3A_371, %reduce_max3A_372 [1, 2] : vector<1x128x1xi32> to vector<1xi32>
        %reduce_max3A_374 = vector.shape_cast %reduce_max3A_373 : vector<1xi32> to vector<1x1x1xi32>
        %reduce_max3A_375 = vector.extract %reduce_max3A_374[0, 0, 0] : i32 from vector<1x1x1xi32>
        %gt3A_376 = arith.constant 0 : i32
        %gt3A_377 = arith.cmpi sgt, %reduce_max3A_375, %gt3A_376 : i32
        %or3A = arith.ori %lt3A_369, %gt3A_377 : i1
        scf.condition(%or3A) %while3A_365, %while3A_366, %while3A_367 : vector<128x1xi32>, vector<128x1xi32>, i32
      } do {
      ^bb0(%while3A_365: vector<128x1xi32>, %while3A_366: vector<128x1xi32>, %while3A_367: i32):
        %transpose3A_368 = tpu.transpose %while3A_365, [1, 0] : vector<128x1xi32> -> vector<1x128xi32>
        %eq3A_369 = arith.constant 0 : i32
        %eq3A_370 = vector.broadcast %eq3A_369 : i32 to vector<1x128xi32>
        %eq3A_371 = arith.cmpi eq, %transpose3A_368, %eq3A_370 : vector<1x128xi32>
        %jit3A_372 = arith.constant 1 : i32
        %jit3A_373 = arith.constant 0 : i32
        %broadcast_in_dim3A_374 = vector.broadcast %jit3A_372 : i32 to vector<1x128xi32>
        %broadcast_in_dim3A_375 = vector.broadcast %jit3A_373 : i32 to vector<1x128xi32>
        %select_n3A_376 = arith.select %eq3A_371, %broadcast_in_dim3A_374, %broadcast_in_dim3A_375 : vector<1x128xi1>, vector<1x128xi32>
        %mul3A_377 = vector.broadcast %select_n3A_376 : vector<1x128xi32> to vector<128x128xi32>
        %mul3A_378 = arith.muli %select_n3A, %mul3A_377 : vector<128x128xi32>
        %reduce_max3A_379 = arith.constant dense<-2147483648> : vector<128xi32>
        %reduce_max3A_380 = vector.multi_reduction <maxsi>, %mul3A_378, %reduce_max3A_379 [1] : vector<128x128xi32> to vector<128xi32>
        %broadcast_in_dim3A_381 = vector.shape_cast %reduce_max3A_380 : vector<128xi32> to vector<128x1xi32>
        %or3A = arith.ori %broadcast_in_dim3A_234, %broadcast_in_dim3A_381 : vector<128x1xi32>
        %add3A_382 = arith.constant 1 : i32
        %add3A_383 = arith.addi %while3A_367, %add3A_382 : i32
        scf.yield %or3A, %while3A_365, %add3A_383 : vector<128x1xi32>, vector<128x1xi32>, i32
      }
      %transpose3A_274 = tpu.transpose %while3A_273#0, [1, 0] : vector<128x1xi32> -> vector<1x128xi32>
      %eq3A = arith.constant 0 : i32
      %eq3A_275 = vector.broadcast %eq3A : i32 to vector<1x128xi32>
      %eq3A_276 = arith.cmpi eq, %transpose3A_274, %eq3A_275 : vector<1x128xi32>
      %swap3A_277 = arith.index_cast %scan3A_169 : i32 to index
      %swap3A_278 = arith.constant 0 : index
      %swap3A_279 = vector.load %arg3[%swap3A_277, %swap3A_278] : memref<157x128xi32, #tpu.memory_space<vmem>>, vector<1x128xi32>
      %swap3A_280 = arith.extui %eq3A_276 : vector<1x128xi1> to vector<1x128xi32>
      %swap3A_281 = arith.constant dense<0> : vector<1x128xi32>
      %swap3A_282 = arith.cmpi ne, %swap3A_279, %swap3A_281 : vector<1x128xi32>
      tpu.vector_store %arg3[%swap3A_277, %swap3A_278], %swap3A_280 {strides = array<i32>} : memref<157x128xi32, #tpu.memory_space<vmem>>, vector<1x128xi32>,
      %eq3A_283 = arith.constant 0 : i32
      %eq3A_284 = vector.broadcast %eq3A_283 : i32 to vector<1x128xi32>
      %eq3A_285 = arith.cmpi eq, %transpose3A_274, %eq3A_284 : vector<1x128xi32>
      %jit3A_286 = arith.constant 1.000000e+00 : f32
      %jit3A_287 = arith.constant 0.000000e+00 : f32
      %broadcast_in_dim3A_288 = vector.broadcast %jit3A_286 : f32 to vector<1x128xf32>
      %broadcast_in_dim3A_289 = vector.broadcast %jit3A_287 : f32 to vector<1x128xf32>
      %select_n3A_290 = arith.select %eq3A_285, %broadcast_in_dim3A_288, %broadcast_in_dim3A_289 : vector<1x128xi1>, vector<1x128xf32>
      %dot_general3A = arith.constant dense<0.000000e+00> : vector<1x128xf32>
      %dot_general3A_291 = tpu.matmul %select_n3A_290, %convert_element_type3A_133, %dot_general3A {dimension_numbers = #tpu.dot_dimension_numbers<[1], [0], [0], [1], [0, 0, 1, 1], [], []>, precision = #tpu.contract_precision<fp32>, transpose_lhs_hint = false} : vector<1x128xf32>, vector<128x128xf32>, vector<1x128xf32> -> vector<1x128xf32>
      %reduce_sum3A = vector.shape_cast %select_n3A_290 : vector<1x128xf32> to vector<1x1x128xf32>
      %reduce_sum3A_292 = arith.constant dense<0.000000e+00> : vector<1xf32>
      %reduce_sum3A_293 = vector.multi_reduction <add>, %reduce_sum3A, %reduce_sum3A_292 [1, 2] : vector<1x1x128xf32> to vector<1xf32>
      %reduce_sum3A_294 = vector.shape_cast %reduce_sum3A_293 : vector<1xf32> to vector<1x1x1xf32>
      %reduce_sum3A_295 = vector.extract %reduce_sum3A_294[0, 0, 0] : f32 from vector<1x1x1xf32>
      %convert_element_type3A_296 = arith.fptosi %reduce_sum3A_295 : f32 to i32
      %transpose3A_297 = tpu.transpose %dot_general3A_291, [1, 0] : vector<1x128xf32> -> vector<128x1xf32>
      %transpose3A_298 = tpu.transpose %select_n3A_290, [1, 0] : vector<1x128xf32> -> vector<128x1xf32>
      %sub3A_299 = arith.constant 1.000000e+00 : f32
      %sub3A_300 = vector.broadcast %sub3A_299 : f32 to vector<128x1xf32>
      %sub3A_301 = arith.subf %transpose3A_297, %sub3A_300 : vector<128x1xf32>
      %convert_element_type3A_302 = arith.sitofp %iota3A : vector<1x128xi32> to vector<1x128xf32>
      %eq3A_303 = vector.broadcast %sub3A_301 : vector<128x1xf32> to vector<128x128xf32>
      %eq3A_304 = vector.broadcast %convert_element_type3A_302 : vector<1x128xf32> to vector<128x128xf32>
      %eq3A_305 = arith.cmpf oeq, %eq3A_303, %eq3A_304 : vector<128x128xf32>
      %gt3A_306 = arith.constant 0.000000e+00 : f32
      %gt3A_307 = vector.broadcast %gt3A_306 : f32 to vector<128x1xf32>
      %gt3A_308 = arith.cmpf ogt, %transpose3A_298, %gt3A_307 : vector<128x1xf32>
      %and3A_309 = vector.broadcast %gt3A_308 : vector<128x1xi1> to vector<128x128xi1>
      %and3A_310 = arith.andi %eq3A_305, %and3A_309 : vector<128x128xi1>
      %jit3A_311 = arith.constant 1.000000e+00 : f32
      %jit3A_312 = arith.constant 0.000000e+00 : f32
      %broadcast_in_dim3A_313 = vector.broadcast %jit3A_311 : f32 to vector<128x128xf32>
      %broadcast_in_dim3A_314 = vector.broadcast %jit3A_312 : f32 to vector<128x128xf32>
      %select_n3A_315 = arith.select %and3A_310, %broadcast_in_dim3A_313, %broadcast_in_dim3A_314 : vector<128x128xi1>, vector<128x128xf32>
      %concatenate3A = tpu.concatenate %get3A_194, %get3A_197, %get3A_200, %get3A_203, %get3A_206, %broadcast_in_dim3A_134, %broadcast_in_dim3A_134, %broadcast_in_dim3A_134 in 0 : vector<1x128xf32>, vector<1x128xf32>, vector<1x128xf32>, vector<1x128xf32>, vector<1x128xf32>, vector<1x128xf32>, vector<1x128xf32>, vector<1x128xf32> -> vector<8x128xf32>
      %dot_general3A_316 = arith.constant dense<0.000000e+00> : vector<8x128xf32>
      %dot_general3A_317 = tpu.matmul %concatenate3A, %select_n3A_315, %dot_general3A_316 {dimension_numbers = #tpu.dot_dimension_numbers<[1], [0], [0], [1], [0, 0, 1, 1], [], []>, precision = #tpu.contract_precision<fp32>, transpose_lhs_hint = false} : vector<8x128xf32>, vector<128x128xf32>, vector<8x128xf32> -> vector<8x128xf32>
      %lt3A = vector.broadcast %convert_element_type3A_296 : i32 to vector<1x128xi32>
      %lt3A_318 = arith.cmpi slt, %iota3A, %lt3A : vector<1x128xi32>
      %slice3A = vector.extract_strided_slice %dot_general3A_317 {offsets = [0, 0], sizes = [1, 128], strides = [1, 1]} : vector<8x128xf32> to vector<1x128xf32>
      %select_n3A_319 = arith.select %lt3A_318, %slice3A, %broadcast_in_dim3A_134 : vector<1x128xi1>, vector<1x128xf32>
      %slice3A_320 = vector.extract_strided_slice %dot_general3A_317 {offsets = [1, 0], sizes = [1, 128], strides = [1, 1]} : vector<8x128xf32> to vector<1x128xf32>
      %select_n3A_321 = arith.select %lt3A_318, %slice3A_320, %broadcast_in_dim3A_134 : vector<1x128xi1>, vector<1x128xf32>
      %slice3A_322 = vector.extract_strided_slice %dot_general3A_317 {offsets = [2, 0], sizes = [1, 128], strides = [1, 1]} : vector<8x128xf32> to vector<1x128xf32>
      %select_n3A_323 = arith.select %lt3A_318, %slice3A_322, %broadcast_in_dim3A_134 : vector<1x128xi1>, vector<1x128xf32>
      %slice3A_324 = vector.extract_strided_slice %dot_general3A_317 {offsets = [3, 0], sizes = [1, 128], strides = [1, 1]} : vector<8x128xf32> to vector<1x128xf32>
      %select_n3A_325 = arith.select %lt3A_318, %slice3A_324, %broadcast_in_dim3A_134 : vector<1x128xi1>, vector<1x128xf32>
      %slice3A_326 = vector.extract_strided_slice %dot_general3A_317 {offsets = [4, 0], sizes = [1, 128], strides = [1, 1]} : vector<8x128xf32> to vector<1x128xf32>
      %select_n3A_327 = arith.select %lt3A_318, %slice3A_326, %broadcast_in_dim3A_136 : vector<1x128xi1>, vector<1x128xf32>
      %roll3A = tpu.dynamic_rotate %select_n3A_319 by %scan3A_171 dim 1 : vector<1x128xf32>, i32 -> vector<1x128xf32>
      %roll3A_328 = tpu.dynamic_rotate %select_n3A_321 by %scan3A_171 dim 1 : vector<1x128xf32>, i32 -> vector<1x128xf32>
      %roll3A_329 = tpu.dynamic_rotate %select_n3A_323 by %scan3A_171 dim 1 : vector<1x128xf32>, i32 -> vector<1x128xf32>
      %roll3A_330 = tpu.dynamic_rotate %select_n3A_325 by %scan3A_171 dim 1 : vector<1x128xf32>, i32 -> vector<1x128xf32>
      %roll3A_331 = tpu.dynamic_rotate %select_n3A_327 by %scan3A_171 dim 1 : vector<1x128xf32>, i32 -> vector<1x128xf32>
      %ge3A_332 = vector.broadcast %scan3A_171 : i32 to vector<1x128xi32>
      %ge3A_333 = arith.cmpi sge, %iota3A, %ge3A_332 : vector<1x128xi32>
      %select_n3A_334 = arith.select %ge3A_333, %roll3A, %scan3A_172 : vector<1x128xi1>, vector<1x128xf32>
      %select_n3A_335 = arith.select %ge3A_333, %roll3A_328, %scan3A_173 : vector<1x128xi1>, vector<1x128xf32>
      %select_n3A_336 = arith.select %ge3A_333, %roll3A_329, %scan3A_174 : vector<1x128xi1>, vector<1x128xf32>
      %select_n3A_337 = arith.select %ge3A_333, %roll3A_330, %scan3A_175 : vector<1x128xi1>, vector<1x128xf32>
      %select_n3A_338 = arith.select %ge3A_333, %roll3A_331, %scan3A_176 : vector<1x128xi1>, vector<1x128xf32>
      %add3A_339 = arith.addi %scan3A_171, %convert_element_type3A_296 : i32
      %ge3A_340 = arith.constant 128 : i32
      %ge3A_341 = arith.cmpi sge, %add3A_339, %ge3A_340 : i32
      %add3A_342 = arith.addi %scan3A_171, %convert_element_type3A_296 : i32
      %sub3A_343 = arith.constant 128 : i32
      %sub3A_344 = arith.subi %add3A_342, %sub3A_343 : i32
      %add3A_345 = arith.addi %scan3A_171, %convert_element_type3A_296 : i32
      %select_n3A_346 = arith.select %ge3A_341, %sub3A_344, %add3A_345 : i32
      %convert_element_type3A_347 = arith.extui %ge3A_341 : i1 to i32
      %cond3A = arith.constant 0 : i32
      %cond3A_348 = arith.cmpi ne, %convert_element_type3A_347, %cond3A : i32
      scf.if %cond3A_348 {
        %swap3A_365 = arith.index_cast %scan3A_170 : i32 to index
        %swap3A_366 = arith.constant 0 : index
        %swap3A_367 = vector.load %arg9[%swap3A_365, %swap3A_366] : memref<160x128xf32, #tpu.memory_space<vmem>>, vector<1x128xf32>
        tpu.vector_store %arg9[%swap3A_365, %swap3A_366], %select_n3A_334 {strides = array<i32>} : memref<160x128xf32, #tpu.memory_space<vmem>>, vector<1x128xf32>,
        %swap3A_368 = arith.index_cast %scan3A_170 : i32 to index
        %swap3A_369 = arith.constant 0 : index
        %swap3A_370 = vector.load %arg10[%swap3A_368, %swap3A_369] : memref<160x128xf32, #tpu.memory_space<vmem>>, vector<1x128xf32>
        tpu.vector_store %arg10[%swap3A_368, %swap3A_369], %select_n3A_335 {strides = array<i32>} : memref<160x128xf32, #tpu.memory_space<vmem>>, vector<1x128xf32>,
        %swap3A_371 = arith.index_cast %scan3A_170 : i32 to index
        %swap3A_372 = arith.constant 0 : index
        %swap3A_373 = vector.load %arg11[%swap3A_371, %swap3A_372] : memref<160x128xf32, #tpu.memory_space<vmem>>, vector<1x128xf32>
        tpu.vector_store %arg11[%swap3A_371, %swap3A_372], %select_n3A_336 {strides = array<i32>} : memref<160x128xf32, #tpu.memory_space<vmem>>, vector<1x128xf32>,
        %swap3A_374 = arith.index_cast %scan3A_170 : i32 to index
        %swap3A_375 = arith.constant 0 : index
        %swap3A_376 = vector.load %arg12[%swap3A_374, %swap3A_375] : memref<160x128xf32, #tpu.memory_space<vmem>>, vector<1x128xf32>
        tpu.vector_store %arg12[%swap3A_374, %swap3A_375], %select_n3A_337 {strides = array<i32>} : memref<160x128xf32, #tpu.memory_space<vmem>>, vector<1x128xf32>,
        %swap3A_377 = arith.index_cast %scan3A_170 : i32 to index
        %swap3A_378 = arith.constant 0 : index
        %swap3A_379 = vector.load %arg13[%swap3A_377, %swap3A_378] : memref<160x128xf32, #tpu.memory_space<vmem>>, vector<1x128xf32>
        tpu.vector_store %arg13[%swap3A_377, %swap3A_378], %select_n3A_338 {strides = array<i32>} : memref<160x128xf32, #tpu.memory_space<vmem>>, vector<1x128xf32>,
      } else {
      }
      %jit3A_349 = arith.constant 1 : i32
      %jit3A_350 = arith.constant 0 : i32
      %select_n3A_351 = arith.select %ge3A_341, %jit3A_349, %jit3A_350 : i32
      %add3A_352 = arith.addi %scan3A_170, %select_n3A_351 : i32
      %lt3A_353 = vector.broadcast %select_n3A_346 : i32 to vector<1x128xi32>
      %lt3A_354 = arith.cmpi slt, %iota3A, %lt3A_353 : vector<1x128xi32>
      %select_n3A_355 = arith.select %lt3A_354, %roll3A, %broadcast_in_dim3A_134 : vector<1x128xi1>, vector<1x128xf32>
      %select_n3A_356 = arith.select %ge3A_341, %select_n3A_355, %select_n3A_334 : vector<1x128xf32>
      %select_n3A_357 = arith.select %lt3A_354, %roll3A_328, %broadcast_in_dim3A_134 : vector<1x128xi1>, vector<1x128xf32>
      %select_n3A_358 = arith.select %ge3A_341, %select_n3A_357, %select_n3A_335 : vector<1x128xf32>
      %select_n3A_359 = arith.select %lt3A_354, %roll3A_329, %broadcast_in_dim3A_134 : vector<1x128xi1>, vector<1x128xf32>
      %select_n3A_360 = arith.select %ge3A_341, %select_n3A_359, %select_n3A_336 : vector<1x128xf32>
      %select_n3A_361 = arith.select %lt3A_354, %roll3A_330, %broadcast_in_dim3A_134 : vector<1x128xi1>, vector<1x128xf32>
      %select_n3A_362 = arith.select %ge3A_341, %select_n3A_361, %select_n3A_337 : vector<1x128xf32>
      %select_n3A_363 = arith.select %lt3A_354, %roll3A_331, %broadcast_in_dim3A_136 : vector<1x128xi1>, vector<1x128xf32>
      %select_n3A_364 = arith.select %ge3A_341, %select_n3A_363, %select_n3A_338 : vector<1x128xf32>
      scf.yield %add3A_352, %select_n3A_346, %select_n3A_356, %select_n3A_358, %select_n3A_360, %select_n3A_362, %select_n3A_364 : i32, i32, vector<1x128xf32>, vector<1x128xf32>, vector<1x128xf32>, vector<1x128xf32>, vector<1x128xf32>
    }
    %scan3A_168 = arith.constant 157 : i32
    return
  }
}

</mosaic_0001>

<sc_bundles>
// kernel: gather_offload_async_start.1
scs
__scs_entry_jumppad:
0x0: {  	(pc) =	sbr.rel $0x88, $3  }
0x1: {  	(tag) =	ssettag $0x0;
	lr =	simm.s32 $0x1  }
0x2: {  	[smem:$0x3F9E] =	sst lr;
	_ =	strace $0xD0000000  }
0x3: {  	_ = 	snop  }
0x4: {  	_ = 	snop  }
0x5: {  	_ = 	snop  }
0x6: {  	_ = 	snop  }
0x7: {  	_ = 	snop  }
__scs_overlays_trampoline_lowered:
0x8: {  	[smem:$0x3FAD] =	sst s0  }
0x9: {  	[smem:$0x3FAE] =	sst s1  }
0xa: {  	[smem:$0x3FAF] =	sst s2  }
0xb: {  	[smem:$0x3FB0] =	sst s3  }
0xc: {  	[smem:$0x3FB1] =	sst s4  }
0xd: {  	[smem:$0x3FB2] =	sst s5  }
0xe: {  	[smem:$0x3FB3] =	sst s6  }
0xf: {  	[smem:$0x3FB4] =	sst s7  }
0x10: {  	[smem:$0x3FB5] =	sst s8  }
0x11: {  	[smem:$0x3FB6] =	sst s9;
	s0 =	simm.s32 @!p0 $0x0  }
0x12: {  	s1 =	sld [smem:$0x3F9C];
	s0 =	simm.s32 @p0 $0x1  }
0x13: {  	[smem:$0x3FB7] =	sst s0;
	s0 =	simm.s32 @!p1 $0x0  }
0x14: {  	s2 =	sld [smem:$0x3F9B];
	s0 =	simm.s32 @p1 $0x1  }
0x15: {  	[smem:$0x3FB8] =	sst s0;
	s0 =	simm.s32 @!p2 $0x0  }
0x16: {  	s3 =	sld [smem:$0x3FDB];
	s0 =	simm.s32 @p2 $0x1  }
0x17: {  	s4 =	simm.s32 $0x1BF5;
	[smem:$0x3FBA] =	sst s0  }
0x18: {  	s0 =	sld [smem:$0x3F9D];
	_ =	swait.ge [sflag:s4], $0x0  }
0x19: {  	s7 =	sld [smem:$0x3F9E]  }
0x1a: {  	s8 =	sadd.s32 $0xFFFFE003, lr  }
0x1b: {  	s9 =	sadd.s32 $0xFFFFFEF7, lr;
	s5 =	simm.s32 $0xFFFFFFFF;
	p2 =	slt.u32 s8, $0xFFFFF086  }
0x1c: {  	p1 =	slt.u32 s9, $0xF7A;
	s5 =	simm.s32 @!p2 $0x0  }
0x1d: {  	s5 =	simm.s32 @p1 $0x1;
	p0 =	seq.s32 s7, s2  }
0x1e: {  	s7 =	smul.u32 @!p0 $0xF7A, s2;
	p2 =	seq.s32 @!p0 s5, $0x0  }
0x1f: {  	s9 =	smul.u32 $0xF7A, s1;
	s8 =	simm.s32 @!p0 $0x1BF5;
	p2 =	por !p2, p0  }
0x20: {  	[sflag:s8] =	ssyncset.s32 @!p0 $0xFFFFF086;
	s6 =	sadd.s32 @!p0 s3, s7;
	s7 =	simm.s32 @!p0 $0x108  }
0x21: {  	s3 =	sadd.s32 s3, s9;
	s6 =	sadd.s32 @!p0 $0x88, s6;
	s7 =	simm.s32 @p2 $0x1082  }
0x22: {  	[simem:s7], [sflag:s8] =	dma.local @!p0 [hbm:s6], $0xF7A  }
0x23: {  	s9 =	sor.u32 $0xD0000000, s2;
	s6 =	simm.s32 $0x108;
	_ =	swait.ge @!p0 [sflag:s8], $0x0  }
0x24: {  	s3 =	sadd.s32 $0x88, s3;
	s6 =	simm.s32 @!p1 $0x1082;
	[sflag:s4] =	ssyncset.s32 $0xFFFFF086  }
0x25: {  	[simem:s6], [sflag:s4] =	dma.local [hbm:s3], $0xF7A  }
0x26: {  	[smem:$0x3F9E] =	sst s1;
	(tag) =	ssettag s2;
	_ =	strace s9  }
0x27: {  	s1 =	sld [smem:$0x3FAE]  }
0x28: {  	s2 =	sld [smem:$0x3FAF]  }
0x29: {  	s4 =	sld [smem:$0x3FB1]  }
0x2a: {  	p0 =	seq.s32 s5, $0x0;
	s5 =	sld [smem:$0x3FB2]  }
0x2b: {  	s6 =	sld [smem:$0x3FB3]  }
0x2c: {  	s7 =	sld [smem:$0x3FB4]  }
0x2d: {  	s3 =	simm.s32 $0x108;
	s8 =	sld [smem:$0x3FB5]  }
0x2e: {  	s3 =	simm.s32 @!p0 $0x1082;
	s9 =	sld [smem:$0x3FB6]  }
0x2f: {  	lr =	sadd.s32 s0, s3;
	s0 =	sld [smem:$0x3FAD]  }
0x30: {  	s3 =	sld [smem:$0x3FB0]  }
0x31: {  	[smem:$0x3FB9] =	sst s10  }
0x32: {  	s10 =	sld [smem:$0x3FB7];
	_ =	sdelay $0x3  }
0x33: {  	p0 =	seq.s32 s10, $0x1;
	s10 =	sld [smem:$0x3FB9];
	_ =	sdelay $0x3  }
0x34: {  	[smem:$0x3FB9] =	sst s10  }
0x35: {  	s10 =	sld [smem:$0x3FB8];
	_ =	sdelay $0x3  }
0x36: {  	p1 =	seq.s32 s10, $0x1;
	s10 =	sld [smem:$0x3FB9];
	_ =	sdelay $0x3  }
0x37: {  	[smem:$0x3FB9] =	sst s10  }
0x38: {  	s10 =	sld [smem:$0x3FBA]  }
0x39: {  	_ = 	snop;
	(pc) =	sbr.ind lr, $3  }
0x3a: {  	_ = 	snop  }
0x3b: {  	_ = 	snop  }
0x3c: {  	p2 =	seq.s32 s10, $0x1;
	s10 =	sld [smem:$0x3FB9]  }
0x3d: {  	_ =	shalt  }
0x3e: {  	_ =	shalt  }
0x3f: {  	_ =	shalt  }
0x40: {  	_ =	shalt  }
0x41: {  	_ =	shalt  }
0x42: {  	_ =	shalt  }
0x43: {  	_ =	shalt  }
0x44: {  	_ =	shalt  }
0x45: {  	_ =	shalt  }
0x46: {  	_ =	shalt  }
0x47: {  	_ =	shalt  }
0x48: {  	_ =	shalt  }
0x49: {  	_ =	shalt  }
0x4a: {  	_ =	shalt  }
0x4b: {  	_ =	shalt  }
0x4c: {  	_ =	shalt  }
0x4d: {  	_ =	shalt  }
0x4e: {  	_ =	shalt  }
0x4f: {  	_ =	shalt  }
0x50: {  	_ =	shalt  }
0x51: {  	_ =	shalt  }
0x52: {  	_ =	shalt  }
0x53: {  	_ =	shalt  }
0x54: {  	_ =	shalt  }
0x55: {  	_ =	shalt  }
0x56: {  	_ =	shalt  }
0x57: {  	_ =	shalt  }
0x58: {  	_ =	shalt  }
0x59: {  	_ =	shalt  }
0x5a: {  	_ =	shalt  }
0x5b: {  	_ =	shalt  }
0x5c: {  	_ =	shalt  }
0x5d: {  	_ =	shalt  }
0x5e: {  	_ =	shalt  }
0x5f: {  	_ =	shalt  }
0x60: {  	_ =	shalt  }
0x61: {  	_ =	shalt  }
0x62: {  	_ =	shalt  }
0x63: {  	_ =	shalt  }
0x64: {  	_ =	shalt  }
0x65: {  	_ =	shalt  }
0x66: {  	_ =	shalt  }
0x67: {  	_ =	shalt  }
0x68: {  	_ =	shalt  }
0x69: {  	_ =	shalt  }
0x6a: {  	_ =	shalt  }
0x6b: {  	_ =	shalt  }
0x6c: {  	_ =	shalt  }
0x6d: {  	_ =	shalt  }
0x6e: {  	_ =	shalt  }
0x6f: {  	_ =	shalt  }
0x70: {  	_ =	shalt  }
0x71: {  	_ =	shalt  }
0x72: {  	_ =	shalt  }
0x73: {  	_ =	shalt  }
0x74: {  	_ =	shalt  }
0x75: {  	_ =	shalt  }
0x76: {  	_ =	shalt  }
0x77: {  	_ =	shalt  }
0x78: {  	_ =	shalt  }
0x79: {  	_ =	shalt  }
0x7a: {  	_ =	shalt  }
0x7b: {  	_ =	shalt  }
0x7c: {  	_ =	shalt  }
0x7d: {  	_ =	shalt  }
0x7e: {  	_ =	shalt  }
0x7f: {  	_ =	shalt  }
0x80: {  	_ =	shalt  }
0x81: {  	_ =	shalt  }
0x82: {  	_ =	shalt  }
0x83: {  	_ =	shalt  }
0x84: {  	_ =	shalt  }
0x85: {  	_ =	shalt  }
0x86: {  	_ =	shalt  }
0x87: {  	_ =	shalt  }
.Lfunc_end0:
.L_simem_size_0:
called_computation.2_lowered:
.L_overlay_start_0:
0x88: {  	s2 =	sld [smem:$0x3FD9]  }
0x89: {  	s3 =	sld [smem:$0x3FFE];
	_ =	sdelay $0x1  }
0x8a: {  	s1 =	srdreg.scid  }
0x8b: {  	s0 =	sand.u32 $0x1, s1  }
0x8c: {  	s17 =	sshll.u32 s0, $0xA;
	s2 =	sadd.s32 s3, s2  }
0x8d: {  	s2 =	sadd.s32 s2, s17  }
0x8e: {  	[smem:$0x3FC5] =	sst s2  }
0x8f: {  	_ = 	snop  }
0x90: {  	(tm) =	ssettm $0x1  }
0x91: {  	s18 =	sld [smem:$0x3FFB];
	_ =	sdelay $0x3  }
0x92: {  	_ =	strace s18  }
0x93: {  	s2 =	sld [smem:$0x3FFC];
	_ =	sdelay $0x3  }
0x94: {  	_ =	strace s2  }
0x95: {  	s2 =	sld [smem:$0x3FFD];
	_ =	sdelay $0x3  }
0x96: {  	_ =	strace s2  }
0x97: {  	_ =	strace $0x8FFFFFFF  }
0x98: {  	s19 =	sld [smem:$0x3FDB];
	_ =	sdelay $0x1  }
0x99: {  	s20 =	simm.s32 $_scs_section_size  }
0x9a: {  	s4 =	simm.s32 $_size__tile_overlayer_lowered;
	s5 =	simm.s32 $_tile_overlayer_lowered  }
0x9b: {  	s6 =	simm.s32 $0x1BFF;
	s21 =	sshll.u32 s5, $0x1;
	s3 =	sadd.s32 s20, s19  }
0x9c: {  	s22 =	simm.s32 $0x0;
	s4 =	sshll.u32 s4, $0x1;
	s5 =	sadd.s32 s21, s3  }
0x9d: {  	[timem:s22], [sflag:s6] =	dma.local [hbm:s5], s4  }
0x9e: {  	_ =	swait.ge [sflag:s6], s4  }
0x9f: {  	s4 =	ssub.s32 $0x0, s4;
	[sflag:s6] =	ssyncset.done $0x0  }
0xa0: {  	[sflag:s6] =	ssyncadd.s32 s4;
	_ =	sdelay $0x1  }
0xa1: {  	s23 =	simm.s32 $0x1B8B  }
0xa2: {  	_ =	swait.ge [sflag:s23], $0x1  }
0xa3: {  	[sflag:s23] =	ssyncset.done $0x0  }
0xa4: {  	[sflag:s23] =	ssyncadd.s32 $0xFFFFFFFF  }
0xa5: {  	s4 =	sld [smem:$0x0]  }
0xa6: {  	s5 =	sand.u32 $0xFFFFFFFE, s1  }
0xa7: {  	p0 =	sne.s32 s1, s5  }
0xa8: {  	s5 =	sshll.u32 @p0 s5, $0xE  }
0xa9: {  	s5 =	sadd.s32 @p0 $0x11B8D, s5;
	s6 =	sshll.u32 @p0 s4, $0x11  }
0xaa: {  	s5 =	sor.u32 @p0 s6, s5  }
0xab: {  	[sflag:s5] =	ssyncadd.remote.s32 @p0 $0x1;
	_ =	sdelay $0x1  }
0xac: {  	s5 =	simm.s32 @p0 $0x1B8D  }
0xad: {  	_ =	swait.eq @p0 [sflag:s5], $0x1  }
0xae: {  	[sflag:s5] =	ssyncadd.s32 @p0 $0xFFFFFFFF  }
0xaf: {  	s6 =	sshll.u32 @!p0 s1, $0xE  }
0xb0: {  	s6 =	sor.u32 @!p0 $0x4000, s6;
	s5 =	simm.s32 @!p0 $0x1B8D  }
0xb1: {  	s4 =	sshll.u32 @!p0 s4, $0x11;
	s6 =	sadd.s32 @!p0 $0x11B8D, s6;
	_ =	swait.eq @!p0 [sflag:s5], $0x1  }
0xb2: {  	s4 =	sor.u32 @!p0 s4, s6;
	[sflag:s5] =	ssyncadd.s32 @!p0 $0xFFFFFFFF  }
0xb3: {  	s25 =	simm.s32 $0x1B8E;
	s24 =	sld [smem:$0x3FFE];
	[sflag:s4] =	ssyncadd.remote.s32 @!p0 $0x1  }
0xb4: {  	s26 =	simm.s32 $execute0_lowered;
	[smem:$0x3FD2] =	sst s25  }
0xb5: {  	s5 =	sshll.u32 s26, $0x1;
	_ =	strace $0x8000004C;
	[dreg:$0x1] =	wrdreg $0xFFFFFFFF  }
0xb6: {  	s28 =	simm.s32 $_size_execute0_lowered;
	s3 =	sadd.s32 s3, s5;
	[dreg:$0x0] =	wrdreg $0x0  }
0xb7: {  	s5 =	sshll.u32 s28, $0x1;
	[dreg:$0x2] =	wrdreg s3  }
0xb8: {  	[dreg:$0x3] =	wrdreg s5  }
0xb9: {  	[dreg:$0x4] =	wrdreg $0xC0  }
0xba: {  	_ =	task [dreg:s22], $0x5FFFF  }
0xbb: {  	[dreg:$0x1] =	wrdreg $0xFFFFFFFF  }
0xbc: {  	[dreg:$0x0] =	wrdreg $0x60  }
0xbd: {  	[dreg:$0x2] =	wrdreg s24  }
0xbe: {  	[dreg:$0x3] =	wrdreg $0xA  }
0xbf: {  	_ =	task.clear_ibuf [dreg:s22], $0x4FFFF;
	_ =	strace $0x9000004C  }
0xc0: {  	s29 =	simm.s32 $0xA;
	_ =	strace $0x8000004E  }
0xc1: {  	_ =	swait.ge [sflag:s29], $0x1  }
0xc2: {  	[sflag:s29] =	ssyncadd.s32 $0xFFFFFFFF  }
0xc3: {  	_ =	strace $0x9000004E  }
0xc4: {  	_ =	sfence  }
0xc5: {  	s30 =	sld [smem:$0x0];
	_ =	sdelay $0x2  }
0xc6: {  	s31 =	sshll.u32 s1, $0xD;
	s1 =	sshrl.u32 s1, $0x2  }
0xc7: {  	s4 =	sand.u32 $0x4000, s31;
	s1 =	sadd.s32 s1, s30  }
0xc8: {  	s0 =	sor.u32 s4, s0;
	s1 =	sshll.u32 s1, $0x11  }
0xc9: {  	s0 =	sor.u32 s1, s0  }
0xca: {  	s0 =	sadd.s32 $0x8F2B, s0  }
0xcb: {  	[sflag:s0] =	ssyncadd.remote.s32 $0x1  }
0xcc: {  	_ =	sfence.sel $0xFFFF  }
0xcd: {  	[dreg:$0x0] =	wrdreg $0xFFFFFFFF;
	(pc) =	sbr.abs _section_cstart, $3  }
0xce: {  	[dreg:$0x1] =	wrdreg $0xFFFFFFFF  }
0xcf: {  	_ =	task.clear_ibuf [dreg:s22], $0x2FFFF;
	_ =	strace $0x9FFFFFFF  }
0xd0: {  	(tm) =	ssettm $0x7FFFFFFF  }
0xd1: {  	_ =	shalt  }
tec
execute0_lowered:
.L_overlay_start_1:
0x0: {  	(tag) =	ssettag $0x1  }
0x1: {  	s0 =	srdreg.scid  }
0x2: {  	s1 =	sshll.u32 s0, $0x4  }
0x3: {  	s0 =	stileid.u32;
	s1 =	sand.u32 $0x10, s1  }
0x4: {  	s2 =	sor.u32 s0, s1  }
0x5: {  	s1 =	smin.u32 s2, $0x12  }
0x6: {  	s1 =	sadd.s32 s2, s1  }
0x7: {  	p0 =	slt.u32 s2, $0x12;
	s2 =	simm.s32 $0x320;
	s1 =	smul.u32 $0x190, s1  }
0x8: {  	s2 =	simm.s32 @!p0 $0x190  }
0x9: {  	s2 =	sadd.s32 s2, s1  }
0xa: {  	s3 =	smin.u32 s2, $0x4E20  }
0xb: {  	s7 =	ssub.s32 s3, s1  }
0xc: {  	p0 =	sgt.s32 s7, $0x0  }
0xd: {  	s7 =	simm.s32 @!p0 $0x0  }
0xe: {  	s31 =	sand.u32 $0xFFF0, s7  }
0xf: {  	s2 =	sshrl.u32 s31, $0x4  }
0x10: {  	s2 =	smul.u32 $0xA3E, s2  }
0x11: {  	s4 =	rddreg [dreg:$0x0];
	s6 =	simm.s32 $0x1  }
0x12: {  	s10 =	simm.s32 $0x3;
	s13 =	simm.s32 $0x0;
	s8 =	sshrl.u32 s2, $0x10  }
0x13: {  	s12 =	simm.s32 $0x0;
	s5 =	sadd.s32 $0x9D800, s4;
	s9 =	smul.u32 $0x190, s8  }
.Ltmp0:
0x14: {  	s11 =	smov.u32 s1;
	s2 =	rddreg [dreg:$0x1];
	(pc) =	sbr.rel .LBB2_1-.Ltmp0, $4  }
0x15: {  	_ =	strace $0x8000004D;
	p0 =	sne.s32 s7, s9;
	s9 =	simm.s32 $0x1  }
0x16: {  	[sflag:s6] =	ssyncpa.u1 $0x0;
	s7 =	simm.s32 $0x2;
	s9 =	simm.s32 @!p0 $0x0  }
0x17: {  	[sflag:s7] =	ssyncpa.u1 $0x0;
	p0 =	por $0x0, $0x0;
	s8 =	sadd.s32 s8, s9  }
0x18: {  	vm0 =	vmmov $0xff;
	vm1 =	vcmask $0x3F20;
	s9 =	sadd.s32 $0xEBA00, s4;
	[sflag:s10] =	ssyncpa.u1 $0x0;
	s10 =	sadd.s32 $0x1, s8  }
.LBB2_6:
0x19: {  	[hbm:s17] =	stream.linear.scatter [tilespmem:s14], [sflag:$0x3], $0x400, $0x38;
	[tilespmem:$0x19320] =	vst v63  }
.LBB2_7:
0x1a: {  	s13 =	sadd.s32 $0x190, s11  }
0x1b: {  	s15 =	smov.u32 s1;
	p2 =	slt.s32 s13, s3  }
0x1c: {  	s15 =	smov.u32 @p2 s13;
	p2 =	sne.s32 s12, s10  }
.Ltmp1:
0x1d: {  	p1 =	slt.u32 s12, $0x2;
	(pc) =	sbr.rel @!p2 .LBB2_8-.Ltmp1, $4  }
0x1e: {  	s14 =	simm.s32 @!p1 $0x3  }
0x1f: {  	s16 =	sadd.s32 $0x1, s12;
	_ =	swait.ge @!p1 [sflag:s14], $0xC800  }
0x20: {  	p0 =	por !p0, !p0;
	s13 =	smov.u32 s11;
	[sflag:s14] =	ssyncset.done @!p1 $0x0  }
0x21: {  	s12 =	smov.u32 s16;
	s11 =	smov.u32 s15;
	[sflag:s14] =	ssyncadd.s32 @!p1 $0xFFFF3800  }
.LBB2_1:
0x22: {  	p1 =	sge.u32 s12, s8  }
0x23: {  	s14 =	sxor.u32 @!p1 $0xFFFFFFFF, s12  }
0x24: {  	s14 =	sand.u32 @!p1 $0x1, s14  }
0x25: {  	s14 =	smul.u32 @!p1 $0x640, s14  }
0x26: {  	s31 =	sadd.s32 $0xFFFFFFFF, s12;
	s15 =	sshrl.u32 @!p1 s11, $0x3  }
0x27: {  	s16 =	sand.u32 @!p1 $0x7, s11;
	s15 =	sadd.s32 @!p1 s4, s15;
	s14 =	sshrl.u32 @!p1 s14, $0x2  }
0x28: {  	[tilespmem:s14], [sflag:$0x2] =	stream.linear.gather @!p1 [hbm4b:s15+s16], $0x190, $0x38;
	[tilespmem:$0x19320] =	vst v63  }
0x29: {  	p1 =	sge.u32 s31, s8  }
.Ltmp2:
0x2a: {  	_ = 	snop;
	(pc) =	sbr.rel @p1 .LBB2_7-.Ltmp2, $1  }
0x2b: {  	_ =	sdelay $0x3  }
0x2c: {  	s14 =	simm.s32 $0x1  }
0x2d: {  	s14 =	simm.s32 @!p0 $0x0  }
0x2e: {  	s15 =	smul.u32 $0x640, s14  }
0x2f: {  	_ =	swait.ge [sflag:s7], $0x190  }
0x30: {  	[sflag:s7] =	ssyncset.done $0x0;
	s16 =	sshrl.u32 s15, $0x2  }
0x31: {  	[sflag:s7] =	ssyncadd.s32 $0xFFFFFE70;
	s15 =	sadd.s32 $0x0, s16  }
0x32: {  	v0 =	vld.msk [tilespmem:s15+$0x0 ss:$0x1], $0xffff;
	_ =	sdelay $0x4  }
0x33: {  	vm2 =	vgt.s32 v0, $0x0  }
0x34: {  	v0 =	vnsel vm2, $0x0, v0  }
0x35: {  	v0 =	vmin.u32 v0, $0x4E1F  }
0x36: {  	v0 =	vshll.u32 v0, $0x4  }
0x37: {  	s14 =	smul.u32 $0x32000, s14;
	_ =	sdelay $0x1  }
0x38: {  	s14 =	sshrl.u32 s14, $0x2  }
0x39: {  	s14 =	sor.u32 $0x320, s14  }
0x3a: {  	[tilespmem:s14], [sflag:$0x1] =	stream.indirect_vreg.gather [hbm:s5], $0x80, v0, vm0, $0x38;
	[tilespmem:$0x19320] =	vst v63  }
0x3b: {  	s17 =	sadd.s32 $0x10, s16;
	s15 =	sadd.s32 $0x400, s14  }
0x3c: {  	[tilespmem:s15], [sflag:$0x1] =	stream.indirect_vreg.gather [hbm:s5], $0x80, v0, vm1, $0x38;
	[tilespmem:$0x19320] =	vst v63  }
0x3d: {  	s18 =	simm.s32 $0x80;
	v0 =	vld.msk [tilespmem:s17+$0x0 ss:$0x1], $0xffff;
	s17 =	smov.u32 s14  }
.LBB2_3:
0x3e: {  	p1 =	sne.s32 s18, $0x600;
	_ =	sdelay $0x4  }
0x3f: {  	vm2 =	vgt.s32 v0, $0x0  }
0x40: {  	v0 =	vnsel vm2, $0x0, v0  }
0x41: {  	v0 =	vmin.u32 v0, $0x4E1F  }
0x42: {  	v0 =	vshll.u32 v0, $0x4;
	_ =	sdelay $0x3  }
.Ltmp3:
0x43: {  	s19 =	sshra.s32 s18, $0x2;
	s17 =	sadd.s32 $0x800, s17;
	(pc) =	sbr.rel @p1 .LBB2_3-.Ltmp3, $4  }
0x44: {  	[tilespmem:s17], [sflag:$0x1] =	stream.indirect_vreg.gather [hbm:s5], $0x80, v0, vm0, $0x38;
	[tilespmem:$0x19320] =	vst v63  }
0x45: {  	s19 =	sadd.s32 s19, s16;
	s20 =	sadd.s32 $0x400, s17  }
0x46: {  	[tilespmem:s20], [sflag:$0x1] =	stream.indirect_vreg.gather [hbm:s5], $0x80, v0, vm1, $0x38;
	[tilespmem:$0x19320] =	vst v63  }
0x47: {  	s18 =	sadd.s32 $0x40, s18;
	v0 =	vld.msk [tilespmem:s19+$0x0 ss:$0x1], $0xffff  }
0x48: {  	_ =	sdelay $0x3  }
0x49: {  	vm2 =	vgt.s32 v0, $0x0  }
0x4a: {  	v0 =	vnsel vm2, $0x0, v0  }
0x4b: {  	v0 =	vmin.u32 v0, $0x4E1F  }
0x4c: {  	v0 =	vshll.u32 v0, $0x4;
	_ =	sdelay $0x3  }
0x4d: {  	s16 =	sadd.s32 $0x800, s17  }
0x4e: {  	[tilespmem:s16], [sflag:$0x1] =	stream.indirect_vreg.gather [hbm:s5], $0x80, v0, vm0, $0x38;
	[tilespmem:$0x19320] =	vst v63  }
0x4f: {  	s16 =	sadd.s32 $0x400, s16  }
0x50: {  	[tilespmem:s16], [sflag:$0x1] =	stream.indirect_vreg.gather [hbm:s5], $0x80, v0, vm1, $0x38;
	[tilespmem:$0x19320] =	vst v63  }
0x51: {  	s13 =	sshll.u32 s13, $0x4;
	_ =	swait.ge [sflag:s6], $0xC800  }
0x52: {  	s13 =	sadd.s32 s13, s9;
	[sflag:s6] =	ssyncset.done $0x0  }
0x53: {  	s17 =	sadd.s32 $0x0, s13;
	s16 =	simm.s32 $0x80;
	[sflag:s6] =	ssyncadd.s32 $0xFFFF3800  }
.LBB2_5:
0x54: {  	[hbm:s17] =	stream.linear.scatter [tilespmem:s14], [sflag:$0x3], $0x400, $0x38;
	[tilespmem:$0x19320] =	vst v63  }
0x55: {  	s17 =	smov.u32 s16;
	s14 =	smov.u32 s15;
	p1 =	sne.s32 s16, $0x1880  }
.Ltmp4:
0x56: {  	s16 =	sadd.s32 $0x80, s16;
	(pc) =	sbr.rel @p1 .LBB2_5-.Ltmp4, $2  }
0x57: {  	_ =	sdelay $0x2  }
0x58: {  	s15 =	sadd.s32 $0x400, s15;
	s17 =	sadd.s32 s17, s13  }
.Ltmp5:
0x59: {  	_ = 	snop;
	(pc) =	sbr.rel .LBB2_6-.Ltmp5, $1  }
0x5a: {  	_ =	sdelay $0x3  }
.LBB2_8:
0x5b: {  	_ =	sfence.sel $0x180000  }
0x5c: {  	s1 =	simm.s32 $0x2;
	[bflag:$0x0] =	sbarrier.arrive $0xFFFF  }
0x5d: {  	s30 =	simm.s32 $0x3;
	[sflag:s1] =	ssyncpa.u1 $0x1  }
0x5e: {  	s31 =	simm.s32 $0x1;
	[sflag:s30] =	ssyncpa.u1 $0x1  }
0x5f: {  	[sflag:s31] =	ssyncpa.u1 $0x1  }
0x60: {  	p0 =	sne.s32 s0, $0x0;
	_ =	strace $0x9000004D  }
0x61: {  	s0 =	sadd.s32 @!p0 $0x100000, s2;
	[bflag:$0x2] =	sbarrier.arrive $0xFFFF  }
0x62: {  	[sflag:s0] =	ssyncadd.tile.s32 @!p0 $0x1;
	_ =	shalt  }
.Lfunc_end2:
_tile_overlayer_lowered:
.L_overlay_start_2:
0x63: {  	(tag) =	ssettag $0x2  }
0x64: {  	s0 =	rddreg [dreg:$0x0];
	s2 =	stileid.u32  }
0x65: {  	s1 =	rddreg [dreg:$0x1];
	p0 =	sne.s32 s2, $0x0  }
0x66: {  	s3 =	rddreg [dreg:$0x2];
	[bflag:$0x3] =	sbarrier.arrive $0xFFFF;
	s2 =	simm.s32 @!p0 $0x1C01  }
0x67: {  	[timem:s3], [sflag:s2] =	dma.local @!p0 [hbm:s0], s1  }
0x68: {  	s0 =	simm.s32 @!p0 $0x1  }
0x69: {  	_ =	swait.ge @!p0 [sflag:s0], s1  }
0x6a: {  	s1 =	ssub.s32 @!p0 $0x0, s1;
	[sflag:s0] =	ssyncset.done @!p0 $0x0  }
0x6b: {  	[sflag:s0] =	ssyncadd.s32 @!p0 s1  }
0x6c: {  	[bflag:$0x3] =	sbarrier.arrive $0xFFFF  }
0x6d: {  	_ =	shalt  }

// kernel: gather_offload_async_start.2
scs
__scs_entry_jumppad:
0x0: {  	(pc) =	sbr.rel $0x88, $3  }
0x1: {  	(tag) =	ssettag $0x0;
	lr =	simm.s32 $0x1  }
0x2: {  	[smem:$0x3F9E] =	sst lr;
	_ =	strace $0xD0000000  }
0x3: {  	_ = 	snop  }
0x4: {  	_ = 	snop  }
0x5: {  	_ = 	snop  }
0x6: {  	_ = 	snop  }
0x7: {  	_ = 	snop  }
__scs_overlays_trampoline_lowered:
0x8: {  	[smem:$0x3FAD] =	sst s0  }
0x9: {  	[smem:$0x3FAE] =	sst s1  }
0xa: {  	[smem:$0x3FAF] =	sst s2  }
0xb: {  	[smem:$0x3FB0] =	sst s3  }
0xc: {  	[smem:$0x3FB1] =	sst s4  }
0xd: {  	[smem:$0x3FB2] =	sst s5  }
0xe: {  	[smem:$0x3FB3] =	sst s6  }
0xf: {  	[smem:$0x3FB4] =	sst s7  }
0x10: {  	[smem:$0x3FB5] =	sst s8  }
0x11: {  	[smem:$0x3FB6] =	sst s9;
	s0 =	simm.s32 @!p0 $0x0  }
0x12: {  	s1 =	sld [smem:$0x3F9C];
	s0 =	simm.s32 @p0 $0x1  }
0x13: {  	[smem:$0x3FB7] =	sst s0;
	s0 =	simm.s32 @!p1 $0x0  }
0x14: {  	s2 =	sld [smem:$0x3F9B];
	s0 =	simm.s32 @p1 $0x1  }
0x15: {  	[smem:$0x3FB8] =	sst s0;
	s0 =	simm.s32 @!p2 $0x0  }
0x16: {  	s3 =	sld [smem:$0x3FDB];
	s0 =	simm.s32 @p2 $0x1  }
0x17: {  	s4 =	simm.s32 $0x1BF5;
	[smem:$0x3FBA] =	sst s0  }
0x18: {  	s0 =	sld [smem:$0x3F9D];
	_ =	swait.ge [sflag:s4], $0x0  }
0x19: {  	s7 =	sld [smem:$0x3F9E]  }
0x1a: {  	s8 =	sadd.s32 $0xFFFFE003, lr  }
0x1b: {  	s9 =	sadd.s32 $0xFFFFFEF7, lr;
	s5 =	simm.s32 $0xFFFFFFFF;
	p2 =	slt.u32 s8, $0xFFFFF086  }
0x1c: {  	p1 =	slt.u32 s9, $0xF7A;
	s5 =	simm.s32 @!p2 $0x0  }
0x1d: {  	s5 =	simm.s32 @p1 $0x1;
	p0 =	seq.s32 s7, s2  }
0x1e: {  	s7 =	smul.u32 @!p0 $0xF7A, s2;
	p2 =	seq.s32 @!p0 s5, $0x0  }
0x1f: {  	s9 =	smul.u32 $0xF7A, s1;
	s8 =	simm.s32 @!p0 $0x1BF5;
	p2 =	por !p2, p0  }
0x20: {  	[sflag:s8] =	ssyncset.s32 @!p0 $0xFFFFF086;
	s6 =	sadd.s32 @!p0 s3, s7;
	s7 =	simm.s32 @!p0 $0x108  }
0x21: {  	s3 =	sadd.s32 s3, s9;
	s6 =	sadd.s32 @!p0 $0x88, s6;
	s7 =	simm.s32 @p2 $0x1082  }
0x22: {  	[simem:s7], [sflag:s8] =	dma.local @!p0 [hbm:s6], $0xF7A  }
0x23: {  	s9 =	sor.u32 $0xD0000000, s2;
	s6 =	simm.s32 $0x108;
	_ =	swait.ge @!p0 [sflag:s8], $0x0  }
0x24: {  	s3 =	sadd.s32 $0x88, s3;
	s6 =	simm.s32 @!p1 $0x1082;
	[sflag:s4] =	ssyncset.s32 $0xFFFFF086  }
0x25: {  	[simem:s6], [sflag:s4] =	dma.local [hbm:s3], $0xF7A  }
0x26: {  	[smem:$0x3F9E] =	sst s1;
	(tag) =	ssettag s2;
	_ =	strace s9  }
0x27: {  	s1 =	sld [smem:$0x3FAE]  }
0x28: {  	s2 =	sld [smem:$0x3FAF]  }
0x29: {  	s4 =	sld [smem:$0x3FB1]  }
0x2a: {  	p0 =	seq.s32 s5, $0x0;
	s5 =	sld [smem:$0x3FB2]  }
0x2b: {  	s6 =	sld [smem:$0x3FB3]  }
0x2c: {  	s7 =	sld [smem:$0x3FB4]  }
0x2d: {  	s3 =	simm.s32 $0x108;
	s8 =	sld [smem:$0x3FB5]  }
0x2e: {  	s3 =	simm.s32 @!p0 $0x1082;
	s9 =	sld [smem:$0x3FB6]  }
0x2f: {  	lr =	sadd.s32 s0, s3;
	s0 =	sld [smem:$0x3FAD]  }
0x30: {  	s3 =	sld [smem:$0x3FB0]  }
0x31: {  	[smem:$0x3FB9] =	sst s10  }
0x32: {  	s10 =	sld [smem:$0x3FB7];
	_ =	sdelay $0x3  }
0x33: {  	p0 =	seq.s32 s10, $0x1;
	s10 =	sld [smem:$0x3FB9];
	_ =	sdelay $0x3  }
0x34: {  	[smem:$0x3FB9] =	sst s10  }
0x35: {  	s10 =	sld [smem:$0x3FB8];
	_ =	sdelay $0x3  }
0x36: {  	p1 =	seq.s32 s10, $0x1;
	s10 =	sld [smem:$0x3FB9];
	_ =	sdelay $0x3  }
0x37: {  	[smem:$0x3FB9] =	sst s10  }
0x38: {  	s10 =	sld [smem:$0x3FBA]  }
0x39: {  	_ = 	snop;
	(pc) =	sbr.ind lr, $3  }
0x3a: {  	_ = 	snop  }
0x3b: {  	_ = 	snop  }
0x3c: {  	p2 =	seq.s32 s10, $0x1;
	s10 =	sld [smem:$0x3FB9]  }
0x3d: {  	_ =	shalt  }
0x3e: {  	_ =	shalt  }
0x3f: {  	_ =	shalt  }
0x40: {  	_ =	shalt  }
0x41: {  	_ =	shalt  }
0x42: {  	_ =	shalt  }
0x43: {  	_ =	shalt  }
0x44: {  	_ =	shalt  }
0x45: {  	_ =	shalt  }
0x46: {  	_ =	shalt  }
0x47: {  	_ =	shalt  }
0x48: {  	_ =	shalt  }
0x49: {  	_ =	shalt  }
0x4a: {  	_ =	shalt  }
0x4b: {  	_ =	shalt  }
0x4c: {  	_ =	shalt  }
0x4d: {  	_ =	shalt  }
0x4e: {  	_ =	shalt  }
0x4f: {  	_ =	shalt  }
0x50: {  	_ =	shalt  }
0x51: {  	_ =	shalt  }
0x52: {  	_ =	shalt  }
0x53: {  	_ =	shalt  }
0x54: {  	_ =	shalt  }
0x55: {  	_ =	shalt  }
0x56: {  	_ =	shalt  }
0x57: {  	_ =	shalt  }
0x58: {  	_ =	shalt  }
0x59: {  	_ =	shalt  }
0x5a: {  	_ =	shalt  }
0x5b: {  	_ =	shalt  }
0x5c: {  	_ =	shalt  }
0x5d: {  	_ =	shalt  }
0x5e: {  	_ =	shalt  }
0x5f: {  	_ =	shalt  }
0x60: {  	_ =	shalt  }
0x61: {  	_ =	shalt  }
0x62: {  	_ =	shalt  }
0x63: {  	_ =	shalt  }
0x64: {  	_ =	shalt  }
0x65: {  	_ =	shalt  }
0x66: {  	_ =	shalt  }
0x67: {  	_ =	shalt  }
0x68: {  	_ =	shalt  }
0x69: {  	_ =	shalt  }
0x6a: {  	_ =	shalt  }
0x6b: {  	_ =	shalt  }
0x6c: {  	_ =	shalt  }
0x6d: {  	_ =	shalt  }
0x6e: {  	_ =	shalt  }
0x6f: {  	_ =	shalt  }
0x70: {  	_ =	shalt  }
0x71: {  	_ =	shalt  }
0x72: {  	_ =	shalt  }
0x73: {  	_ =	shalt  }
0x74: {  	_ =	shalt  }
0x75: {  	_ =	shalt  }
0x76: {  	_ =	shalt  }
0x77: {  	_ =	shalt  }
0x78: {  	_ =	shalt  }
0x79: {  	_ =	shalt  }
0x7a: {  	_ =	shalt  }
0x7b: {  	_ =	shalt  }
0x7c: {  	_ =	shalt  }
0x7d: {  	_ =	shalt  }
0x7e: {  	_ =	shalt  }
0x7f: {  	_ =	shalt  }
0x80: {  	_ =	shalt  }
0x81: {  	_ =	shalt  }
0x82: {  	_ =	shalt  }
0x83: {  	_ =	shalt  }
0x84: {  	_ =	shalt  }
0x85: {  	_ =	shalt  }
0x86: {  	_ =	shalt  }
0x87: {  	_ =	shalt  }
.Lfunc_end0:
.L_simem_size_0:
called_computation.3_lowered:
.L_overlay_start_0:
0x88: {  	s2 =	sld [smem:$0x3FD9]  }
0x89: {  	s3 =	sld [smem:$0x3FFE];
	_ =	sdelay $0x1  }
0x8a: {  	s1 =	srdreg.scid  }
0x8b: {  	s0 =	sand.u32 $0x1, s1  }
0x8c: {  	s17 =	sshll.u32 s0, $0xA;
	s2 =	sadd.s32 s3, s2  }
0x8d: {  	s2 =	sadd.s32 s2, s17  }
0x8e: {  	[smem:$0x3FC5] =	sst s2  }
0x8f: {  	_ = 	snop  }
0x90: {  	s2 =	sld [smem:$0x3FC7];
	(tm) =	ssettm $0x1  }
0x91: {  	s18 =	sld [smem:$0x3FFB];
	_ =	sdelay $0x3  }
0x92: {  	_ =	strace s18  }
0x93: {  	s3 =	sld [smem:$0x3FFC];
	_ =	sdelay $0x3  }
0x94: {  	_ =	strace s3  }
0x95: {  	s3 =	sld [smem:$0x3FFD];
	_ =	sdelay $0x3  }
0x96: {  	_ =	strace s3  }
0x97: {  	_ =	strace $0x8FFFFFFF  }
0x98: {  	s19 =	sld [smem:$0x3FDB];
	_ =	sdelay $0x1  }
0x99: {  	s4 =	simm.s32 $_scs_section_size  }
0x9a: {  	s5 =	simm.s32 $_size__tile_overlayer_lowered;
	s6 =	simm.s32 $_tile_overlayer_lowered  }
0x9b: {  	s22 =	simm.s32 $0x1BFF;
	s21 =	sshll.u32 s6, $0x1;
	s3 =	sadd.s32 s4, s19  }
0x9c: {  	s7 =	simm.s32 $0x0;
	s20 =	sshll.u32 s5, $0x1;
	s5 =	sadd.s32 s21, s3  }
0x9d: {  	[timem:s7], [sflag:s22] =	dma.local [hbm:s5], s20  }
0x9e: {  	_ =	swait.ge [sflag:s22], s20  }
0x9f: {  	s4 =	ssub.s32 $0x0, s20;
	[sflag:s22] =	ssyncset.done $0x0  }
0xa0: {  	[sflag:s22] =	ssyncadd.s32 s4;
	_ =	sdelay $0x1  }
0xa1: {  	s23 =	simm.s32 $0x1B8B  }
0xa2: {  	_ =	swait.ge [sflag:s23], $0x1  }
0xa3: {  	[sflag:s23] =	ssyncset.done $0x0  }
0xa4: {  	s25 =	simm.s32 $0x1B8E;
	s24 =	sld [smem:$0x3FFE];
	[sflag:s23] =	ssyncadd.s32 $0xFFFFFFFF  }
0xa5: {  	s26 =	simm.s32 $execute0_lowered;
	[smem:$0x3FD2] =	sst s25  }
0xa6: {  	s5 =	sshll.u32 s26, $0x1;
	_ =	strace $0x80000046;
	[dreg:$0x1] =	wrdreg $0xFFFFFFFF  }
0xa7: {  	s28 =	simm.s32 $_size_execute0_lowered;
	s3 =	sadd.s32 s3, s5;
	[dreg:$0x0] =	wrdreg $0x0  }
0xa8: {  	s5 =	sshll.u32 s28, $0x1;
	[dreg:$0x2] =	wrdreg s3  }
0xa9: {  	[dreg:$0x3] =	wrdreg s5  }
0xaa: {  	[dreg:$0x4] =	wrdreg $0xC0  }
0xab: {  	_ =	task [dreg:s7], $0x5FFFF  }
0xac: {  	[dreg:$0x1] =	wrdreg $0xFFFFFFFF  }
0xad: {  	[dreg:$0x0] =	wrdreg $0x60  }
0xae: {  	[dreg:$0x2] =	wrdreg s2  }
0xaf: {  	[dreg:$0x3] =	wrdreg s24  }
0xb0: {  	[dreg:$0x4] =	wrdreg $0xB  }
0xb1: {  	_ =	task.clear_ibuf [dreg:s7], $0x5FFFF;
	_ =	strace $0x90000046  }
0xb2: {  	s29 =	simm.s32 $0xB;
	_ =	strace $0x80000048  }
0xb3: {  	_ =	swait.ge [sflag:s29], $0x1  }
0xb4: {  	[sflag:s29] =	ssyncadd.s32 $0xFFFFFFFF  }
0xb5: {  	_ =	strace $0x90000048  }
0xb6: {  	_ =	sfence  }
0xb7: {  	s30 =	sld [smem:$0x0];
	_ =	sdelay $0x2  }
0xb8: {  	s31 =	sshll.u32 s1, $0xD;
	s1 =	sshrl.u32 s1, $0x2  }
0xb9: {  	s3 =	sand.u32 $0x4000, s31;
	s1 =	sadd.s32 s1, s30  }
0xba: {  	s0 =	sor.u32 s3, s0;
	s1 =	sshll.u32 s1, $0x11  }
0xbb: {  	s0 =	sor.u32 s1, s0  }
0xbc: {  	s0 =	sadd.s32 $0x8F2B, s0  }
0xbd: {  	[sflag:s0] =	ssyncadd.remote.s32 $0x1  }
0xbe: {  	_ =	sfence.sel $0xFFFF  }
0xbf: {  	[dreg:$0x0] =	wrdreg $0xFFFFFFFF;
	(pc) =	sbr.abs _section_cstart, $3  }
0xc0: {  	[dreg:$0x1] =	wrdreg $0xFFFFFFFF  }
0xc1: {  	_ =	task.clear_ibuf [dreg:s7], $0x2FFFF;
	_ =	strace $0x9FFFFFFF  }
0xc2: {  	(tm) =	ssettm $0x7FFFFFFF  }
0xc3: {  	_ =	shalt  }
tec
execute0_lowered:
.L_overlay_start_1:
0x0: {  	(tag) =	ssettag $0x1  }
0x1: {  	s2 =	rddreg [dreg:$0x0]  }
0x2: {  	s3 =	rddreg [dreg:$0x1];
	s1 =	stileid.u32  }
0x3: {  	s4 =	srdreg.scid;
	s0 =	rddreg [dreg:$0x2];
	_ =	strace $0x80000047  }
0x4: {  	s7 =	simm.s32 $0x1;
	s8 =	simm.s32 $0x1;
	s9 =	simm.s32 $0x3  }
0x5: {  	s10 =	simm.s32 $0x0;
	s5 =	sand.u32 $0x1, s4;
	s6 =	sshll.u32 s1, $0x1  }
0x6: {  	s13 =	simm.s32 $0x0;
	s4 =	simm.s32 $0x1;
	s5 =	sor.u32 s6, s5  }
.Ltmp0:
0x7: {  	[sflag:s4] =	ssyncpa.u1 $0x0;
	p0 =	slt.u32 s5, $0x13;
	(pc) =	sbr.rel .LBB2_1-.Ltmp0, $4  }
0x8: {  	s6 =	simm.s32 $0x2;
	s7 =	simm.s32 @!p0 $0x0;
	p0 =	sne.s32 s5, $0x12  }
0x9: {  	[sflag:s6] =	ssyncpa.u1 $0x0;
	s5 =	smul.u32 $0x190, s5;
	s8 =	simm.s32 @!p0 $0x0  }
0xa: {  	s12 =	simm.s32 $0x0;
	[sflag:s9] =	ssyncpa.u1 $0x0;
	s7 =	sadd.s32 s8, s7  }
0xb: {  	vm0 =	vmmov $0xffff;
	s8 =	sadd.s32 $0xA00, s3;
	s11 =	smov.u32 s5;
	s9 =	sadd.s32 $0x1, s7  }
.LBB2_4:
0xc: {  	v2 =	vnsel vm1, $0x0, v2  }
0xd: {  	vm1 =	vgt.s32 v0, $0x0;
	v2 =	vmin.u32 v2, $0x4E1F  }
0xe: {  	v0 =	vnsel vm1, $0x0, v0  }
0xf: {  	v0 =	vmin.u32 v0, $0x4E1F  }
0x10: {  	[tilespmem:s18], [sflag:$0x1] =	stream.indirect_vreg.gather [hbm4b:s2+s10], $0x1, v1, vm0, $0x4038;
	[tilespmem:$0x640] =	vst v63  }
0x11: {  	(ifvalue) =	ssetifvalue $0x7FFFFFFF  }
0x12: {  	[tilespmem:s15], [sflag:$0x1] =	stream.indirect_vreg.gather [hbm4b:s2+s10], $0x1, v2, vm0, $0x4038;
	[tilespmem:$0x640] =	vst v63  }
0x13: {  	s29 =	sadd.s32 $0x10, s15;
	(ifvalue) =	ssetifvalue $0x7FFFFFFF  }
0x14: {  	[tilespmem:s29], [sflag:$0x1] =	stream.indirect_vreg.gather [hbm4b:s2+s10], $0x1, v0, vm0, $0x4038;
	[tilespmem:$0x640] =	vst v63  }
0x15: {  	_ =	swait.ge [sflag:s4], $0x190  }
0x16: {  	s30 =	sshrl.u32 s13, $0x3;
	[sflag:s4] =	ssyncset.done $0x0  }
0x17: {  	s31 =	sand.u32 $0x7, s13;
	s15 =	sadd.s32 s8, s30;
	[sflag:s4] =	ssyncadd.s32 $0xFFFFFE70  }
0x18: {  	[hbm4b:s15+s31] =	stream.linear.scatter [tilespmem:s14], [sflag:$0x3], $0x190, $0x38;
	[tilespmem:$0x640] =	vst v63  }
.LBB2_5:
0x19: {  	s15 =	sadd.s32 $0x3200, s11  }
0x1a: {  	p1 =	sgt.s32 s15, $0x4E1F  }
0x1b: {  	s15 =	smov.u32 @p1 s5;
	p1 =	sne.s32 s12, s9  }
.Ltmp1:
0x1c: {  	p0 =	slt.u32 s12, $0x2;
	(pc) =	sbr.rel @!p1 .LBB2_6-.Ltmp1, $4  }
0x1d: {  	s14 =	simm.s32 @!p0 $0x3  }
0x1e: {  	_ =	swait.ge @!p0 [sflag:s14], $0x190  }
0x1f: {  	s16 =	sadd.s32 $0x1, s12;
	s13 =	smov.u32 s11;
	[sflag:s14] =	ssyncset.done @!p0 $0x0  }
0x20: {  	s12 =	smov.u32 s16;
	s11 =	smov.u32 s15;
	[sflag:s14] =	ssyncadd.s32 @!p0 $0xFFFFFE70  }
.LBB2_1:
0x21: {  	p0 =	sge.u32 s12, s7  }
0x22: {  	s14 =	sxor.u32 @!p0 $0x1, s12  }
0x23: {  	s14 =	smul.u32 @!p0 $0x640, s14  }
0x24: {  	s31 =	sadd.s32 $0xFFFFFFFF, s12;
	s15 =	sshrl.u32 @!p0 s11, $0x3  }
0x25: {  	s16 =	sand.u32 @!p0 $0x7, s11;
	s15 =	sadd.s32 @!p0 s3, s15;
	s14 =	sshra.s32 @!p0 s14, $0x2  }
0x26: {  	[tilespmem:s14], [sflag:$0x2] =	stream.linear.gather @!p0 [hbm4b:s15+s16], $0x190, $0x38;
	[tilespmem:$0x640] =	vst v63  }
0x27: {  	p0 =	sge.u32 s31, s7  }
.Ltmp2:
0x28: {  	_ = 	snop;
	(pc) =	sbr.rel @p0 .LBB2_5-.Ltmp2, $1  }
0x29: {  	_ =	sdelay $0x3  }
0x2a: {  	s14 =	sand.u32 $0x1, s12  }
0x2b: {  	_ =	swait.ge [sflag:s6], $0x190;
	p0 =	seq.s32 s14, $0x1;
	s14 =	simm.s32 $0x190  }
0x2c: {  	[sflag:s6] =	ssyncset.done $0x0;
	s14 =	simm.s32 @!p0 $0x0  }
0x2d: {  	[sflag:s6] =	ssyncadd.s32 $0xFFFFFE70;
	(ifvalue) =	ssetifvalue $0x7FFFFFFF;
	v0 =	vld.msk [tilespmem:s14+$0x0 ss:$0x1], $0xffff;
	_ =	sdelay $0x4  }
0x2e: {  	s15 =	sadd.s32 $0x10, s14;
	vm1 =	vgt.s32 v0, $0x0  }
0x2f: {  	v2 =	vld.msk [tilespmem:s15+$0x0 ss:$0x1], $0xffff;
	v1 =	vnsel vm1, $0x0, v0  }
0x30: {  	v1 =	vmin.u32 v1, $0x4E1F;
	_ =	sdelay $0x2  }
0x31: {  	s17 =	simm.s32 $0x20;
	s14 =	sadd.s32 $0x320, s14;
	s16 =	sadd.s32 $0x10, s15  }
0x32: {  	s15 =	sadd.s32 $0x10, s14;
	s18 =	smov.u32 s14;
	v0 =	vld.msk [tilespmem:s16+$0x0 ss:$0x1], $0xffff;
	vm1 =	vgt.s32 v2, $0x0;
	(ifvalue) =	ssetifvalue $0x7FFFFFFF  }
.LBB2_3:
0x33: {  	[tilespmem:s18], [sflag:$0x1] =	stream.indirect_vreg.gather [hbm4b:s2+s10], $0x1, v1, vm0, $0x4038;
	[tilespmem:$0x640] =	vst v63  }
0x34: {  	s17 =	sadd.s32 $0x10, s17  }
0x35: {  	v2 =	vnsel vm1, $0x0, v2;
	p0 =	slt.u32 s17, $0x180  }
.Ltmp3:
0x36: {  	s18 =	smov.u32 s15;
	v1 =	vmin.u32 v2, $0x4E1F;
	(pc) =	sbr.rel @p0 .LBB2_3-.Ltmp3, $3  }
0x37: {  	_ =	sdelay $0x1  }
0x38: {  	s16 =	sadd.s32 $0x10, s16  }
0x39: {  	vm1 =	vgt.s32 v0, $0x0;
	s15 =	sadd.s32 $0x10, s15;
	v2 =	vmov v0;
	(ifvalue) =	ssetifvalue $0x7FFFFFFF;
	v0 =	vld.msk [tilespmem:s16+$0x0 ss:$0x1], $0xffff  }
.Ltmp4:
0x3a: {  	_ = 	snop;
	(pc) =	sbr.rel .LBB2_4-.Ltmp4, $1  }
0x3b: {  	_ =	sdelay $0x3  }
.LBB2_6:
0x3c: {  	_ =	sfence.sel $0x180000  }
0x3d: {  	s2 =	simm.s32 $0x2;
	[bflag:$0x0] =	sbarrier.arrive $0xFFFF  }
0x3e: {  	s30 =	simm.s32 $0x3;
	[sflag:s2] =	ssyncpa.u1 $0x1  }
0x3f: {  	s31 =	simm.s32 $0x1;
	[sflag:s30] =	ssyncpa.u1 $0x1  }
0x40: {  	[sflag:s31] =	ssyncpa.u1 $0x1  }
0x41: {  	p0 =	sne.s32 s1, $0x0;
	_ =	strace $0x90000047  }
0x42: {  	s0 =	sadd.s32 @!p0 $0x100000, s0;
	[bflag:$0x2] =	sbarrier.arrive $0xFFFF  }
0x43: {  	[sflag:s0] =	ssyncadd.tile.s32 @!p0 $0x1;
	_ =	shalt  }
.Lfunc_end2:
_tile_overlayer_lowered:
.L_overlay_start_2:
0x44: {  	(tag) =	ssettag $0x2  }
0x45: {  	s0 =	rddreg [dreg:$0x0];
	s2 =	stileid.u32  }
0x46: {  	s1 =	rddreg [dreg:$0x1];
	p0 =	sne.s32 s2, $0x0  }
0x47: {  	s3 =	rddreg [dreg:$0x2];
	[bflag:$0x3] =	sbarrier.arrive $0xFFFF;
	s2 =	simm.s32 @!p0 $0x1C01  }
0x48: {  	[timem:s3], [sflag:s2] =	dma.local @!p0 [hbm:s0], s1  }
0x49: {  	s0 =	simm.s32 @!p0 $0x1  }
0x4a: {  	_ =	swait.ge @!p0 [sflag:s0], s1  }
0x4b: {  	s1 =	ssub.s32 @!p0 $0x0, s1;
	[sflag:s0] =	ssyncset.done @!p0 $0x0  }
0x4c: {  	[sflag:s0] =	ssyncadd.s32 @!p0 s1  }
0x4d: {  	[bflag:$0x3] =	sbarrier.arrive $0xFFFF  }
0x4e: {  	_ =	shalt  }

// kernel: gather_offload_async_start
scs
__scs_entry_jumppad:
0x0: {  	(pc) =	sbr.rel $0x88, $3  }
0x1: {  	(tag) =	ssettag $0x0;
	lr =	simm.s32 $0x1  }
0x2: {  	[smem:$0x3F9E] =	sst lr;
	_ =	strace $0xD0000000  }
0x3: {  	_ = 	snop  }
0x4: {  	_ = 	snop  }
0x5: {  	_ = 	snop  }
0x6: {  	_ = 	snop  }
0x7: {  	_ = 	snop  }
__scs_overlays_trampoline_lowered:
0x8: {  	[smem:$0x3FAD] =	sst s0  }
0x9: {  	[smem:$0x3FAE] =	sst s1  }
0xa: {  	[smem:$0x3FAF] =	sst s2  }
0xb: {  	[smem:$0x3FB0] =	sst s3  }
0xc: {  	[smem:$0x3FB1] =	sst s4  }
0xd: {  	[smem:$0x3FB2] =	sst s5  }
0xe: {  	[smem:$0x3FB3] =	sst s6  }
0xf: {  	[smem:$0x3FB4] =	sst s7  }
0x10: {  	[smem:$0x3FB5] =	sst s8  }
0x11: {  	[smem:$0x3FB6] =	sst s9;
	s0 =	simm.s32 @!p0 $0x0  }
0x12: {  	s1 =	sld [smem:$0x3F9C];
	s0 =	simm.s32 @p0 $0x1  }
0x13: {  	[smem:$0x3FB7] =	sst s0;
	s0 =	simm.s32 @!p1 $0x0  }
0x14: {  	s2 =	sld [smem:$0x3F9B];
	s0 =	simm.s32 @p1 $0x1  }
0x15: {  	[smem:$0x3FB8] =	sst s0;
	s0 =	simm.s32 @!p2 $0x0  }
0x16: {  	s3 =	sld [smem:$0x3FDB];
	s0 =	simm.s32 @p2 $0x1  }
0x17: {  	s4 =	simm.s32 $0x1BF5;
	[smem:$0x3FBA] =	sst s0  }
0x18: {  	s0 =	sld [smem:$0x3F9D];
	_ =	swait.ge [sflag:s4], $0x0  }
0x19: {  	s7 =	sld [smem:$0x3F9E]  }
0x1a: {  	s8 =	sadd.s32 $0xFFFFE003, lr  }
0x1b: {  	s9 =	sadd.s32 $0xFFFFFEF7, lr;
	s5 =	simm.s32 $0xFFFFFFFF;
	p2 =	slt.u32 s8, $0xFFFFF086  }
0x1c: {  	p1 =	slt.u32 s9, $0xF7A;
	s5 =	simm.s32 @!p2 $0x0  }
0x1d: {  	s5 =	simm.s32 @p1 $0x1;
	p0 =	seq.s32 s7, s2  }
0x1e: {  	s7 =	smul.u32 @!p0 $0xF7A, s2;
	p2 =	seq.s32 @!p0 s5, $0x0  }
0x1f: {  	s9 =	smul.u32 $0xF7A, s1;
	s8 =	simm.s32 @!p0 $0x1BF5;
	p2 =	por !p2, p0  }
0x20: {  	[sflag:s8] =	ssyncset.s32 @!p0 $0xFFFFF086;
	s6 =	sadd.s32 @!p0 s3, s7;
	s7 =	simm.s32 @!p0 $0x108  }
0x21: {  	s3 =	sadd.s32 s3, s9;
	s6 =	sadd.s32 @!p0 $0x88, s6;
	s7 =	simm.s32 @p2 $0x1082  }
0x22: {  	[simem:s7], [sflag:s8] =	dma.local @!p0 [hbm:s6], $0xF7A  }
0x23: {  	s9 =	sor.u32 $0xD0000000, s2;
	s6 =	simm.s32 $0x108;
	_ =	swait.ge @!p0 [sflag:s8], $0x0  }
0x24: {  	s3 =	sadd.s32 $0x88, s3;
	s6 =	simm.s32 @!p1 $0x1082;
	[sflag:s4] =	ssyncset.s32 $0xFFFFF086  }
0x25: {  	[simem:s6], [sflag:s4] =	dma.local [hbm:s3], $0xF7A  }
0x26: {  	[smem:$0x3F9E] =	sst s1;
	(tag) =	ssettag s2;
	_ =	strace s9  }
0x27: {  	s1 =	sld [smem:$0x3FAE]  }
0x28: {  	s2 =	sld [smem:$0x3FAF]  }
0x29: {  	s4 =	sld [smem:$0x3FB1]  }
0x2a: {  	p0 =	seq.s32 s5, $0x0;
	s5 =	sld [smem:$0x3FB2]  }
0x2b: {  	s6 =	sld [smem:$0x3FB3]  }
0x2c: {  	s7 =	sld [smem:$0x3FB4]  }
0x2d: {  	s3 =	simm.s32 $0x108;
	s8 =	sld [smem:$0x3FB5]  }
0x2e: {  	s3 =	simm.s32 @!p0 $0x1082;
	s9 =	sld [smem:$0x3FB6]  }
0x2f: {  	lr =	sadd.s32 s0, s3;
	s0 =	sld [smem:$0x3FAD]  }
0x30: {  	s3 =	sld [smem:$0x3FB0]  }
0x31: {  	[smem:$0x3FB9] =	sst s10  }
0x32: {  	s10 =	sld [smem:$0x3FB7];
	_ =	sdelay $0x3  }
0x33: {  	p0 =	seq.s32 s10, $0x1;
	s10 =	sld [smem:$0x3FB9];
	_ =	sdelay $0x3  }
0x34: {  	[smem:$0x3FB9] =	sst s10  }
0x35: {  	s10 =	sld [smem:$0x3FB8];
	_ =	sdelay $0x3  }
0x36: {  	p1 =	seq.s32 s10, $0x1;
	s10 =	sld [smem:$0x3FB9];
	_ =	sdelay $0x3  }
0x37: {  	[smem:$0x3FB9] =	sst s10  }
0x38: {  	s10 =	sld [smem:$0x3FBA]  }
0x39: {  	_ = 	snop;
	(pc) =	sbr.ind lr, $3  }
0x3a: {  	_ = 	snop  }
0x3b: {  	_ = 	snop  }
0x3c: {  	p2 =	seq.s32 s10, $0x1;
	s10 =	sld [smem:$0x3FB9]  }
0x3d: {  	_ =	shalt  }
0x3e: {  	_ =	shalt  }
0x3f: {  	_ =	shalt  }
0x40: {  	_ =	shalt  }
0x41: {  	_ =	shalt  }
0x42: {  	_ =	shalt  }
0x43: {  	_ =	shalt  }
0x44: {  	_ =	shalt  }
0x45: {  	_ =	shalt  }
0x46: {  	_ =	shalt  }
0x47: {  	_ =	shalt  }
0x48: {  	_ =	shalt  }
0x49: {  	_ =	shalt  }
0x4a: {  	_ =	shalt  }
0x4b: {  	_ =	shalt  }
0x4c: {  	_ =	shalt  }
0x4d: {  	_ =	shalt  }
0x4e: {  	_ =	shalt  }
0x4f: {  	_ =	shalt  }
0x50: {  	_ =	shalt  }
0x51: {  	_ =	shalt  }
0x52: {  	_ =	shalt  }
0x53: {  	_ =	shalt  }
0x54: {  	_ =	shalt  }
0x55: {  	_ =	shalt  }
0x56: {  	_ =	shalt  }
0x57: {  	_ =	shalt  }
0x58: {  	_ =	shalt  }
0x59: {  	_ =	shalt  }
0x5a: {  	_ =	shalt  }
0x5b: {  	_ =	shalt  }
0x5c: {  	_ =	shalt  }
0x5d: {  	_ =	shalt  }
0x5e: {  	_ =	shalt  }
0x5f: {  	_ =	shalt  }
0x60: {  	_ =	shalt  }
0x61: {  	_ =	shalt  }
0x62: {  	_ =	shalt  }
0x63: {  	_ =	shalt  }
0x64: {  	_ =	shalt  }
0x65: {  	_ =	shalt  }
0x66: {  	_ =	shalt  }
0x67: {  	_ =	shalt  }
0x68: {  	_ =	shalt  }
0x69: {  	_ =	shalt  }
0x6a: {  	_ =	shalt  }
0x6b: {  	_ =	shalt  }
0x6c: {  	_ =	shalt  }
0x6d: {  	_ =	shalt  }
0x6e: {  	_ =	shalt  }
0x6f: {  	_ =	shalt  }
0x70: {  	_ =	shalt  }
0x71: {  	_ =	shalt  }
0x72: {  	_ =	shalt  }
0x73: {  	_ =	shalt  }
0x74: {  	_ =	shalt  }
0x75: {  	_ =	shalt  }
0x76: {  	_ =	shalt  }
0x77: {  	_ =	shalt  }
0x78: {  	_ =	shalt  }
0x79: {  	_ =	shalt  }
0x7a: {  	_ =	shalt  }
0x7b: {  	_ =	shalt  }
0x7c: {  	_ =	shalt  }
0x7d: {  	_ =	shalt  }
0x7e: {  	_ =	shalt  }
0x7f: {  	_ =	shalt  }
0x80: {  	_ =	shalt  }
0x81: {  	_ =	shalt  }
0x82: {  	_ =	shalt  }
0x83: {  	_ =	shalt  }
0x84: {  	_ =	shalt  }
0x85: {  	_ =	shalt  }
0x86: {  	_ =	shalt  }
0x87: {  	_ =	shalt  }
.Lfunc_end0:
.L_simem_size_0:
called_computation.1_lowered:
.L_overlay_start_0:
0x88: {  	s2 =	sld [smem:$0x3FD9]  }
0x89: {  	s3 =	sld [smem:$0x3FFE];
	_ =	sdelay $0x1  }
0x8a: {  	s1 =	srdreg.scid  }
0x8b: {  	s0 =	sand.u32 $0x1, s1  }
0x8c: {  	s17 =	sshll.u32 s0, $0xA;
	s2 =	sadd.s32 s3, s2  }
0x8d: {  	s2 =	sadd.s32 s2, s17  }
0x8e: {  	[smem:$0x3FC5] =	sst s2  }
0x8f: {  	_ = 	snop  }
0x90: {  	(tm) =	ssettm $0x1  }
0x91: {  	s18 =	sld [smem:$0x3FFB];
	_ =	sdelay $0x3  }
0x92: {  	_ =	strace s18  }
0x93: {  	s2 =	sld [smem:$0x3FFC];
	_ =	sdelay $0x3  }
0x94: {  	_ =	strace s2  }
0x95: {  	s2 =	sld [smem:$0x3FFD];
	_ =	sdelay $0x3  }
0x96: {  	_ =	strace s2  }
0x97: {  	_ =	strace $0x8FFFFFFF  }
0x98: {  	s19 =	sld [smem:$0x3FDB];
	_ =	sdelay $0x1  }
0x99: {  	s20 =	simm.s32 $_scs_section_size  }
0x9a: {  	s4 =	simm.s32 $_size__tile_overlayer_lowered;
	s5 =	simm.s32 $_tile_overlayer_lowered  }
0x9b: {  	s6 =	simm.s32 $0x1BFF;
	s21 =	sshll.u32 s5, $0x1;
	s3 =	sadd.s32 s20, s19  }
0x9c: {  	s22 =	simm.s32 $0x0;
	s4 =	sshll.u32 s4, $0x1;
	s5 =	sadd.s32 s21, s3  }
0x9d: {  	[timem:s22], [sflag:s6] =	dma.local [hbm:s5], s4  }
0x9e: {  	_ =	swait.ge [sflag:s6], s4  }
0x9f: {  	s4 =	ssub.s32 $0x0, s4;
	[sflag:s6] =	ssyncset.done $0x0  }
0xa0: {  	[sflag:s6] =	ssyncadd.s32 s4;
	_ =	sdelay $0x1  }
0xa1: {  	s23 =	simm.s32 $0x1B8B  }
0xa2: {  	_ =	swait.ge [sflag:s23], $0x1  }
0xa3: {  	[sflag:s23] =	ssyncset.done $0x0  }
0xa4: {  	[sflag:s23] =	ssyncadd.s32 $0xFFFFFFFF  }
0xa5: {  	s4 =	sld [smem:$0x0]  }
0xa6: {  	s5 =	sand.u32 $0xFFFFFFFE, s1  }
0xa7: {  	p0 =	sne.s32 s1, s5  }
0xa8: {  	s5 =	sshll.u32 @p0 s5, $0xE  }
0xa9: {  	s5 =	sadd.s32 @p0 $0x11B8D, s5;
	s6 =	sshll.u32 @p0 s4, $0x11  }
0xaa: {  	s5 =	sor.u32 @p0 s6, s5  }
0xab: {  	[sflag:s5] =	ssyncadd.remote.s32 @p0 $0x1;
	_ =	sdelay $0x1  }
0xac: {  	s5 =	simm.s32 @p0 $0x1B8D  }
0xad: {  	_ =	swait.eq @p0 [sflag:s5], $0x1  }
0xae: {  	[sflag:s5] =	ssyncadd.s32 @p0 $0xFFFFFFFF  }
0xaf: {  	s6 =	sshll.u32 @!p0 s1, $0xE  }
0xb0: {  	s6 =	sor.u32 @!p0 $0x4000, s6;
	s5 =	simm.s32 @!p0 $0x1B8D  }
0xb1: {  	s4 =	sshll.u32 @!p0 s4, $0x11;
	s6 =	sadd.s32 @!p0 $0x11B8D, s6;
	_ =	swait.eq @!p0 [sflag:s5], $0x1  }
0xb2: {  	s4 =	sor.u32 @!p0 s4, s6;
	[sflag:s5] =	ssyncadd.s32 @!p0 $0xFFFFFFFF  }
0xb3: {  	s25 =	simm.s32 $0x1B8E;
	s24 =	sld [smem:$0x3FFE];
	[sflag:s4] =	ssyncadd.remote.s32 @!p0 $0x1  }
0xb4: {  	s26 =	simm.s32 $execute0_lowered;
	[smem:$0x3FD2] =	sst s25  }
0xb5: {  	s5 =	sshll.u32 s26, $0x1;
	_ =	strace $0x80000049;
	[dreg:$0x1] =	wrdreg $0xFFFFFFFF  }
0xb6: {  	s28 =	simm.s32 $_size_execute0_lowered;
	s3 =	sadd.s32 s3, s5;
	[dreg:$0x0] =	wrdreg $0x0  }
0xb7: {  	s5 =	sshll.u32 s28, $0x1;
	[dreg:$0x2] =	wrdreg s3  }
0xb8: {  	[dreg:$0x3] =	wrdreg s5  }
0xb9: {  	[dreg:$0x4] =	wrdreg $0xC0  }
0xba: {  	_ =	task [dreg:s22], $0x5FFFF  }
0xbb: {  	[dreg:$0x1] =	wrdreg $0xFFFFFFFF  }
0xbc: {  	[dreg:$0x0] =	wrdreg $0x60  }
0xbd: {  	[dreg:$0x2] =	wrdreg s24  }
0xbe: {  	[dreg:$0x3] =	wrdreg $0x9  }
0xbf: {  	_ =	task.clear_ibuf [dreg:s22], $0x4FFFF;
	_ =	strace $0x90000049  }
0xc0: {  	s29 =	simm.s32 $0x9;
	_ =	strace $0x8000004B  }
0xc1: {  	_ =	swait.ge [sflag:s29], $0x1  }
0xc2: {  	[sflag:s29] =	ssyncadd.s32 $0xFFFFFFFF  }
0xc3: {  	_ =	strace $0x9000004B  }
0xc4: {  	_ =	sfence  }
0xc5: {  	s30 =	sld [smem:$0x0];
	_ =	sdelay $0x2  }
0xc6: {  	s31 =	sshll.u32 s1, $0xD;
	s1 =	sshrl.u32 s1, $0x2  }
0xc7: {  	s4 =	sand.u32 $0x4000, s31;
	s1 =	sadd.s32 s1, s30  }
0xc8: {  	s0 =	sor.u32 s4, s0;
	s1 =	sshll.u32 s1, $0x11  }
0xc9: {  	s0 =	sor.u32 s1, s0  }
0xca: {  	s0 =	sadd.s32 $0x8F2B, s0  }
0xcb: {  	[sflag:s0] =	ssyncadd.remote.s32 $0x1  }
0xcc: {  	_ =	sfence.sel $0xFFFF  }
0xcd: {  	[dreg:$0x0] =	wrdreg $0xFFFFFFFF;
	(pc) =	sbr.abs _section_cstart, $3  }
0xce: {  	[dreg:$0x1] =	wrdreg $0xFFFFFFFF  }
0xcf: {  	_ =	task.clear_ibuf [dreg:s22], $0x2FFFF;
	_ =	strace $0x9FFFFFFF  }
0xd0: {  	(tm) =	ssettm $0x7FFFFFFF  }
0xd1: {  	_ =	shalt  }
tec
execute0_lowered:
.L_overlay_start_1:
0x0: {  	(tag) =	ssettag $0x1  }
0x1: {  	s0 =	srdreg.scid  }
0x2: {  	s1 =	sshll.u32 s0, $0x4  }
0x3: {  	s0 =	stileid.u32;
	s1 =	sand.u32 $0x10, s1  }
0x4: {  	s2 =	sor.u32 s0, s1  }
0x5: {  	s1 =	smin.u32 s2, $0x12  }
0x6: {  	s1 =	sadd.s32 s2, s1  }
0x7: {  	p0 =	slt.u32 s2, $0x12;
	s2 =	simm.s32 $0x320;
	s1 =	smul.u32 $0x190, s1  }
0x8: {  	s2 =	simm.s32 @!p0 $0x190  }
0x9: {  	s2 =	sadd.s32 s2, s1  }
0xa: {  	s3 =	smin.u32 s2, $0x4E20  }
0xb: {  	s7 =	ssub.s32 s3, s1  }
0xc: {  	p0 =	sgt.s32 s7, $0x0  }
0xd: {  	s7 =	simm.s32 @!p0 $0x0  }
0xe: {  	s31 =	sand.u32 $0xFFF0, s7  }
0xf: {  	s2 =	sshrl.u32 s31, $0x4  }
0x10: {  	s2 =	smul.u32 $0xA3E, s2  }
0x11: {  	s4 =	rddreg [dreg:$0x0];
	s6 =	simm.s32 $0x1  }
0x12: {  	s10 =	simm.s32 $0x3;
	s13 =	simm.s32 $0x0;
	s8 =	sshrl.u32 s2, $0x10  }
0x13: {  	s12 =	simm.s32 $0x0;
	s5 =	sadd.s32 $0x1400, s4;
	s9 =	smul.u32 $0x190, s8  }
.Ltmp0:
0x14: {  	s11 =	smov.u32 s1;
	s2 =	rddreg [dreg:$0x1];
	(pc) =	sbr.rel .LBB2_1-.Ltmp0, $4  }
0x15: {  	_ =	strace $0x8000004A;
	p0 =	sne.s32 s7, s9;
	s9 =	simm.s32 $0x1  }
0x16: {  	[sflag:s6] =	ssyncpa.u1 $0x0;
	s7 =	simm.s32 $0x2;
	s9 =	simm.s32 @!p0 $0x0  }
0x17: {  	[sflag:s7] =	ssyncpa.u1 $0x0;
	p0 =	por $0x0, $0x0;
	s8 =	sadd.s32 s8, s9  }
0x18: {  	vm0 =	vmmov $0xff;
	vm1 =	vcmask $0x3F20;
	s9 =	sadd.s32 $0x4F600, s4;
	[sflag:s10] =	ssyncpa.u1 $0x0;
	s10 =	sadd.s32 $0x1, s8  }
.LBB2_6:
0x19: {  	[hbm:s17] =	stream.linear.scatter [tilespmem:s14], [sflag:$0x3], $0x400, $0x38;
	[tilespmem:$0x19320] =	vst v63  }
.LBB2_7:
0x1a: {  	s13 =	sadd.s32 $0x190, s11  }
0x1b: {  	s15 =	smov.u32 s1;
	p2 =	slt.s32 s13, s3  }
0x1c: {  	s15 =	smov.u32 @p2 s13;
	p2 =	sne.s32 s12, s10  }
.Ltmp1:
0x1d: {  	p1 =	slt.u32 s12, $0x2;
	(pc) =	sbr.rel @!p2 .LBB2_8-.Ltmp1, $4  }
0x1e: {  	s14 =	simm.s32 @!p1 $0x3  }
0x1f: {  	s16 =	sadd.s32 $0x1, s12;
	_ =	swait.ge @!p1 [sflag:s14], $0xC800  }
0x20: {  	p0 =	por !p0, !p0;
	s13 =	smov.u32 s11;
	[sflag:s14] =	ssyncset.done @!p1 $0x0  }
0x21: {  	s12 =	smov.u32 s16;
	s11 =	smov.u32 s15;
	[sflag:s14] =	ssyncadd.s32 @!p1 $0xFFFF3800  }
.LBB2_1:
0x22: {  	p1 =	sge.u32 s12, s8  }
0x23: {  	s14 =	sxor.u32 @!p1 $0xFFFFFFFF, s12  }
0x24: {  	s14 =	sand.u32 @!p1 $0x1, s14  }
0x25: {  	s14 =	smul.u32 @!p1 $0x640, s14  }
0x26: {  	s31 =	sadd.s32 $0xFFFFFFFF, s12;
	s15 =	sshrl.u32 @!p1 s11, $0x3  }
0x27: {  	s16 =	sand.u32 @!p1 $0x7, s11;
	s15 =	sadd.s32 @!p1 s4, s15;
	s14 =	sshrl.u32 @!p1 s14, $0x2  }
0x28: {  	[tilespmem:s14], [sflag:$0x2] =	stream.linear.gather @!p1 [hbm4b:s15+s16], $0x190, $0x38;
	[tilespmem:$0x19320] =	vst v63  }
0x29: {  	p1 =	sge.u32 s31, s8  }
.Ltmp2:
0x2a: {  	_ = 	snop;
	(pc) =	sbr.rel @p1 .LBB2_7-.Ltmp2, $1  }
0x2b: {  	_ =	sdelay $0x3  }
0x2c: {  	s14 =	simm.s32 $0x1  }
0x2d: {  	s14 =	simm.s32 @!p0 $0x0  }
0x2e: {  	s15 =	smul.u32 $0x640, s14  }
0x2f: {  	_ =	swait.ge [sflag:s7], $0x190  }
0x30: {  	[sflag:s7] =	ssyncset.done $0x0;
	s16 =	sshrl.u32 s15, $0x2  }
0x31: {  	[sflag:s7] =	ssyncadd.s32 $0xFFFFFE70;
	s15 =	sadd.s32 $0x0, s16  }
0x32: {  	v0 =	vld.msk [tilespmem:s15+$0x0 ss:$0x1], $0xffff;
	_ =	sdelay $0x4  }
0x33: {  	vm2 =	vgt.s32 v0, $0x0  }
0x34: {  	v0 =	vnsel vm2, $0x0, v0  }
0x35: {  	v0 =	vmin.u32 v0, $0x4E1F  }
0x36: {  	v0 =	vshll.u32 v0, $0x4  }
0x37: {  	s14 =	smul.u32 $0x32000, s14;
	_ =	sdelay $0x1  }
0x38: {  	s14 =	sshrl.u32 s14, $0x2  }
0x39: {  	s14 =	sor.u32 $0x320, s14  }
0x3a: {  	[tilespmem:s14], [sflag:$0x1] =	stream.indirect_vreg.gather [hbm:s5], $0x80, v0, vm0, $0x38;
	[tilespmem:$0x19320] =	vst v63  }
0x3b: {  	s17 =	sadd.s32 $0x10, s16;
	s15 =	sadd.s32 $0x400, s14  }
0x3c: {  	[tilespmem:s15], [sflag:$0x1] =	stream.indirect_vreg.gather [hbm:s5], $0x80, v0, vm1, $0x38;
	[tilespmem:$0x19320] =	vst v63  }
0x3d: {  	s18 =	simm.s32 $0x80;
	v0 =	vld.msk [tilespmem:s17+$0x0 ss:$0x1], $0xffff;
	s17 =	smov.u32 s14  }
.LBB2_3:
0x3e: {  	p1 =	sne.s32 s18, $0x600;
	_ =	sdelay $0x4  }
0x3f: {  	vm2 =	vgt.s32 v0, $0x0  }
0x40: {  	v0 =	vnsel vm2, $0x0, v0  }
0x41: {  	v0 =	vmin.u32 v0, $0x4E1F  }
0x42: {  	v0 =	vshll.u32 v0, $0x4;
	_ =	sdelay $0x3  }
.Ltmp3:
0x43: {  	s19 =	sshra.s32 s18, $0x2;
	s17 =	sadd.s32 $0x800, s17;
	(pc) =	sbr.rel @p1 .LBB2_3-.Ltmp3, $4  }
0x44: {  	[tilespmem:s17], [sflag:$0x1] =	stream.indirect_vreg.gather [hbm:s5], $0x80, v0, vm0, $0x38;
	[tilespmem:$0x19320] =	vst v63  }
0x45: {  	s19 =	sadd.s32 s19, s16;
	s20 =	sadd.s32 $0x400, s17  }
0x46: {  	[tilespmem:s20], [sflag:$0x1] =	stream.indirect_vreg.gather [hbm:s5], $0x80, v0, vm1, $0x38;
	[tilespmem:$0x19320] =	vst v63  }
0x47: {  	s18 =	sadd.s32 $0x40, s18;
	v0 =	vld.msk [tilespmem:s19+$0x0 ss:$0x1], $0xffff  }
0x48: {  	_ =	sdelay $0x3  }
0x49: {  	vm2 =	vgt.s32 v0, $0x0  }
0x4a: {  	v0 =	vnsel vm2, $0x0, v0  }
0x4b: {  	v0 =	vmin.u32 v0, $0x4E1F  }
0x4c: {  	v0 =	vshll.u32 v0, $0x4;
	_ =	sdelay $0x3  }
0x4d: {  	s16 =	sadd.s32 $0x800, s17  }
0x4e: {  	[tilespmem:s16], [sflag:$0x1] =	stream.indirect_vreg.gather [hbm:s5], $0x80, v0, vm0, $0x38;
	[tilespmem:$0x19320] =	vst v63  }
0x4f: {  	s16 =	sadd.s32 $0x400, s16  }
0x50: {  	[tilespmem:s16], [sflag:$0x1] =	stream.indirect_vreg.gather [hbm:s5], $0x80, v0, vm1, $0x38;
	[tilespmem:$0x19320] =	vst v63  }
0x51: {  	s13 =	sshll.u32 s13, $0x4;
	_ =	swait.ge [sflag:s6], $0xC800  }
0x52: {  	s13 =	sadd.s32 s13, s9;
	[sflag:s6] =	ssyncset.done $0x0  }
0x53: {  	s17 =	sadd.s32 $0x0, s13;
	s16 =	simm.s32 $0x80;
	[sflag:s6] =	ssyncadd.s32 $0xFFFF3800  }
.LBB2_5:
0x54: {  	[hbm:s17] =	stream.linear.scatter [tilespmem:s14], [sflag:$0x3], $0x400, $0x38;
	[tilespmem:$0x19320] =	vst v63  }
0x55: {  	s17 =	smov.u32 s16;
	s14 =	smov.u32 s15;
	p1 =	sne.s32 s16, $0x1880  }
.Ltmp4:
0x56: {  	s16 =	sadd.s32 $0x80, s16;
	(pc) =	sbr.rel @p1 .LBB2_5-.Ltmp4, $2  }
0x57: {  	_ =	sdelay $0x2  }
0x58: {  	s15 =	sadd.s32 $0x400, s15;
	s17 =	sadd.s32 s17, s13  }
.Ltmp5:
0x59: {  	_ = 	snop;
	(pc) =	sbr.rel .LBB2_6-.Ltmp5, $1  }
0x5a: {  	_ =	sdelay $0x3  }
.LBB2_8:
0x5b: {  	_ =	sfence.sel $0x180000  }
0x5c: {  	s1 =	simm.s32 $0x2;
	[bflag:$0x0] =	sbarrier.arrive $0xFFFF  }
0x5d: {  	s30 =	simm.s32 $0x3;
	[sflag:s1] =	ssyncpa.u1 $0x1  }
0x5e: {  	s31 =	simm.s32 $0x1;
	[sflag:s30] =	ssyncpa.u1 $0x1  }
0x5f: {  	[sflag:s31] =	ssyncpa.u1 $0x1  }
0x60: {  	p0 =	sne.s32 s0, $0x0;
	_ =	strace $0x9000004A  }
0x61: {  	s0 =	sadd.s32 @!p0 $0x100000, s2;
	[bflag:$0x2] =	sbarrier.arrive $0xFFFF  }
0x62: {  	[sflag:s0] =	ssyncadd.tile.s32 @!p0 $0x1;
	_ =	shalt  }
.Lfunc_end2:
_tile_overlayer_lowered:
.L_overlay_start_2:
0x63: {  	(tag) =	ssettag $0x2  }
0x64: {  	s0 =	rddreg [dreg:$0x0];
	s2 =	stileid.u32  }
0x65: {  	s1 =	rddreg [dreg:$0x1];
	p0 =	sne.s32 s2, $0x0  }
0x66: {  	s3 =	rddreg [dreg:$0x2];
	[bflag:$0x3] =	sbarrier.arrive $0xFFFF;
	s2 =	simm.s32 @!p0 $0x1C01  }
0x67: {  	[timem:s3], [sflag:s2] =	dma.local @!p0 [hbm:s0], s1  }
0x68: {  	s0 =	simm.s32 @!p0 $0x1  }
0x69: {  	_ =	swait.ge @!p0 [sflag:s0], s1  }
0x6a: {  	s1 =	ssub.s32 @!p0 $0x0, s1;
	[sflag:s0] =	ssyncset.done @!p0 $0x0  }
0x6b: {  	[sflag:s0] =	ssyncadd.s32 @!p0 s1  }
0x6c: {  	[bflag:$0x3] =	sbarrier.arrive $0xFFFF  }
0x6d: {  	_ =	shalt  }

// kernel: scatter_offload_async_start
scs
__scs_entry_jumppad:
0x0: {  	(pc) =	sbr.rel $0x88, $3  }
0x1: {  	(tag) =	ssettag $0x0;
	lr =	simm.s32 $0x1  }
0x2: {  	[smem:$0x3F9E] =	sst lr;
	_ =	strace $0xD0000000  }
0x3: {  	_ = 	snop  }
0x4: {  	_ = 	snop  }
0x5: {  	_ = 	snop  }
0x6: {  	_ = 	snop  }
0x7: {  	_ = 	snop  }
__scs_overlays_trampoline_lowered:
0x8: {  	[smem:$0x3FAD] =	sst s0  }
0x9: {  	[smem:$0x3FAE] =	sst s1  }
0xa: {  	[smem:$0x3FAF] =	sst s2  }
0xb: {  	[smem:$0x3FB0] =	sst s3  }
0xc: {  	[smem:$0x3FB1] =	sst s4  }
0xd: {  	[smem:$0x3FB2] =	sst s5  }
0xe: {  	[smem:$0x3FB3] =	sst s6  }
0xf: {  	[smem:$0x3FB4] =	sst s7  }
0x10: {  	[smem:$0x3FB5] =	sst s8  }
0x11: {  	[smem:$0x3FB6] =	sst s9;
	s0 =	simm.s32 @!p0 $0x0  }
0x12: {  	s1 =	sld [smem:$0x3F9C];
	s0 =	simm.s32 @p0 $0x1  }
0x13: {  	[smem:$0x3FB7] =	sst s0;
	s0 =	simm.s32 @!p1 $0x0  }
0x14: {  	s2 =	sld [smem:$0x3F9B];
	s0 =	simm.s32 @p1 $0x1  }
0x15: {  	[smem:$0x3FB8] =	sst s0;
	s0 =	simm.s32 @!p2 $0x0  }
0x16: {  	s3 =	sld [smem:$0x3FDB];
	s0 =	simm.s32 @p2 $0x1  }
0x17: {  	s4 =	simm.s32 $0x1BF5;
	[smem:$0x3FBA] =	sst s0  }
0x18: {  	s0 =	sld [smem:$0x3F9D];
	_ =	swait.ge [sflag:s4], $0x0  }
0x19: {  	s7 =	sld [smem:$0x3F9E]  }
0x1a: {  	s8 =	sadd.s32 $0xFFFFE003, lr  }
0x1b: {  	s9 =	sadd.s32 $0xFFFFFEF7, lr;
	s5 =	simm.s32 $0xFFFFFFFF;
	p2 =	slt.u32 s8, $0xFFFFF086  }
0x1c: {  	p1 =	slt.u32 s9, $0xF7A;
	s5 =	simm.s32 @!p2 $0x0  }
0x1d: {  	s5 =	simm.s32 @p1 $0x1;
	p0 =	seq.s32 s7, s2  }
0x1e: {  	s7 =	smul.u32 @!p0 $0xF7A, s2;
	p2 =	seq.s32 @!p0 s5, $0x0  }
0x1f: {  	s9 =	smul.u32 $0xF7A, s1;
	s8 =	simm.s32 @!p0 $0x1BF5;
	p2 =	por !p2, p0  }
0x20: {  	[sflag:s8] =	ssyncset.s32 @!p0 $0xFFFFF086;
	s6 =	sadd.s32 @!p0 s3, s7;
	s7 =	simm.s32 @!p0 $0x108  }
0x21: {  	s3 =	sadd.s32 s3, s9;
	s6 =	sadd.s32 @!p0 $0x88, s6;
	s7 =	simm.s32 @p2 $0x1082  }
0x22: {  	[simem:s7], [sflag:s8] =	dma.local @!p0 [hbm:s6], $0xF7A  }
0x23: {  	s9 =	sor.u32 $0xD0000000, s2;
	s6 =	simm.s32 $0x108;
	_ =	swait.ge @!p0 [sflag:s8], $0x0  }
0x24: {  	s3 =	sadd.s32 $0x88, s3;
	s6 =	simm.s32 @!p1 $0x1082;
	[sflag:s4] =	ssyncset.s32 $0xFFFFF086  }
0x25: {  	[simem:s6], [sflag:s4] =	dma.local [hbm:s3], $0xF7A  }
0x26: {  	[smem:$0x3F9E] =	sst s1;
	(tag) =	ssettag s2;
	_ =	strace s9  }
0x27: {  	s1 =	sld [smem:$0x3FAE]  }
0x28: {  	s2 =	sld [smem:$0x3FAF]  }
0x29: {  	s4 =	sld [smem:$0x3FB1]  }
0x2a: {  	p0 =	seq.s32 s5, $0x0;
	s5 =	sld [smem:$0x3FB2]  }
0x2b: {  	s6 =	sld [smem:$0x3FB3]  }
0x2c: {  	s7 =	sld [smem:$0x3FB4]  }
0x2d: {  	s3 =	simm.s32 $0x108;
	s8 =	sld [smem:$0x3FB5]  }
0x2e: {  	s3 =	simm.s32 @!p0 $0x1082;
	s9 =	sld [smem:$0x3FB6]  }
0x2f: {  	lr =	sadd.s32 s0, s3;
	s0 =	sld [smem:$0x3FAD]  }
0x30: {  	s3 =	sld [smem:$0x3FB0]  }
0x31: {  	[smem:$0x3FB9] =	sst s10  }
0x32: {  	s10 =	sld [smem:$0x3FB7];
	_ =	sdelay $0x3  }
0x33: {  	p0 =	seq.s32 s10, $0x1;
	s10 =	sld [smem:$0x3FB9];
	_ =	sdelay $0x3  }
0x34: {  	[smem:$0x3FB9] =	sst s10  }
0x35: {  	s10 =	sld [smem:$0x3FB8];
	_ =	sdelay $0x3  }
0x36: {  	p1 =	seq.s32 s10, $0x1;
	s10 =	sld [smem:$0x3FB9];
	_ =	sdelay $0x3  }
0x37: {  	[smem:$0x3FB9] =	sst s10  }
0x38: {  	s10 =	sld [smem:$0x3FBA]  }
0x39: {  	_ = 	snop;
	(pc) =	sbr.ind lr, $3  }
0x3a: {  	_ = 	snop  }
0x3b: {  	_ = 	snop  }
0x3c: {  	p2 =	seq.s32 s10, $0x1;
	s10 =	sld [smem:$0x3FB9]  }
0x3d: {  	_ =	shalt  }
0x3e: {  	_ =	shalt  }
0x3f: {  	_ =	shalt  }
0x40: {  	_ =	shalt  }
0x41: {  	_ =	shalt  }
0x42: {  	_ =	shalt  }
0x43: {  	_ =	shalt  }
0x44: {  	_ =	shalt  }
0x45: {  	_ =	shalt  }
0x46: {  	_ =	shalt  }
0x47: {  	_ =	shalt  }
0x48: {  	_ =	shalt  }
0x49: {  	_ =	shalt  }
0x4a: {  	_ =	shalt  }
0x4b: {  	_ =	shalt  }
0x4c: {  	_ =	shalt  }
0x4d: {  	_ =	shalt  }
0x4e: {  	_ =	shalt  }
0x4f: {  	_ =	shalt  }
0x50: {  	_ =	shalt  }
0x51: {  	_ =	shalt  }
0x52: {  	_ =	shalt  }
0x53: {  	_ =	shalt  }
0x54: {  	_ =	shalt  }
0x55: {  	_ =	shalt  }
0x56: {  	_ =	shalt  }
0x57: {  	_ =	shalt  }
0x58: {  	_ =	shalt  }
0x59: {  	_ =	shalt  }
0x5a: {  	_ =	shalt  }
0x5b: {  	_ =	shalt  }
0x5c: {  	_ =	shalt  }
0x5d: {  	_ =	shalt  }
0x5e: {  	_ =	shalt  }
0x5f: {  	_ =	shalt  }
0x60: {  	_ =	shalt  }
0x61: {  	_ =	shalt  }
0x62: {  	_ =	shalt  }
0x63: {  	_ =	shalt  }
0x64: {  	_ =	shalt  }
0x65: {  	_ =	shalt  }
0x66: {  	_ =	shalt  }
0x67: {  	_ =	shalt  }
0x68: {  	_ =	shalt  }
0x69: {  	_ =	shalt  }
0x6a: {  	_ =	shalt  }
0x6b: {  	_ =	shalt  }
0x6c: {  	_ =	shalt  }
0x6d: {  	_ =	shalt  }
0x6e: {  	_ =	shalt  }
0x6f: {  	_ =	shalt  }
0x70: {  	_ =	shalt  }
0x71: {  	_ =	shalt  }
0x72: {  	_ =	shalt  }
0x73: {  	_ =	shalt  }
0x74: {  	_ =	shalt  }
0x75: {  	_ =	shalt  }
0x76: {  	_ =	shalt  }
0x77: {  	_ =	shalt  }
0x78: {  	_ =	shalt  }
0x79: {  	_ =	shalt  }
0x7a: {  	_ =	shalt  }
0x7b: {  	_ =	shalt  }
0x7c: {  	_ =	shalt  }
0x7d: {  	_ =	shalt  }
0x7e: {  	_ =	shalt  }
0x7f: {  	_ =	shalt  }
0x80: {  	_ =	shalt  }
0x81: {  	_ =	shalt  }
0x82: {  	_ =	shalt  }
0x83: {  	_ =	shalt  }
0x84: {  	_ =	shalt  }
0x85: {  	_ =	shalt  }
0x86: {  	_ =	shalt  }
0x87: {  	_ =	shalt  }
.Lfunc_end0:
.L_simem_size_0:
called_computation_lowered:
.L_overlay_start_0:
0x88: {  	s2 =	sld [smem:$0x3FD9]  }
0x89: {  	s3 =	sld [smem:$0x3FFE];
	_ =	sdelay $0x1  }
0x8a: {  	s1 =	srdreg.scid  }
0x8b: {  	s0 =	sand.u32 $0x1, s1  }
0x8c: {  	s16 =	sshll.u32 s0, $0xA;
	s2 =	sadd.s32 s3, s2  }
0x8d: {  	s2 =	sadd.s32 s2, s16  }
0x8e: {  	[smem:$0x3FC5] =	sst s2  }
0x8f: {  	_ = 	snop  }
0x90: {  	s2 =	sld [smem:$0x3FD0];
	(tm) =	ssettm $0x1  }
0x91: {  	s17 =	sld [smem:$0x3FFB];
	_ =	sdelay $0x3  }
0x92: {  	_ =	strace s17  }
0x93: {  	s3 =	sld [smem:$0x3FFC];
	_ =	sdelay $0x3  }
0x94: {  	_ =	strace s3  }
0x95: {  	s3 =	sld [smem:$0x3FFD];
	_ =	sdelay $0x3  }
0x96: {  	_ =	strace s3  }
0x97: {  	_ =	strace $0x8FFFFFFF  }
0x98: {  	s18 =	sld [smem:$0x3FDB];
	_ =	sdelay $0x1  }
0x99: {  	s4 =	simm.s32 $_scs_section_size  }
0x9a: {  	s5 =	simm.s32 $_size__tile_overlayer_lowered;
	s6 =	simm.s32 $_tile_overlayer_lowered  }
0x9b: {  	s21 =	simm.s32 $0x1BFF;
	s20 =	sshll.u32 s6, $0x1;
	s3 =	sadd.s32 s4, s18  }
0x9c: {  	s7 =	simm.s32 $0x0;
	s19 =	sshll.u32 s5, $0x1;
	s5 =	sadd.s32 s20, s3  }
0x9d: {  	[timem:s7], [sflag:s21] =	dma.local [hbm:s5], s19  }
0x9e: {  	_ =	swait.ge [sflag:s21], s19  }
0x9f: {  	s4 =	ssub.s32 $0x0, s19;
	[sflag:s21] =	ssyncset.done $0x0  }
0xa0: {  	[sflag:s21] =	ssyncadd.s32 s4;
	_ =	sdelay $0x1  }
0xa1: {  	s22 =	simm.s32 $0x1B8B  }
0xa2: {  	_ =	swait.ge [sflag:s22], $0x1  }
0xa3: {  	[sflag:s22] =	ssyncset.done $0x0  }
0xa4: {  	s23 =	sld [smem:$0x3FFE];
	[sflag:s22] =	ssyncadd.s32 $0xFFFFFFFF  }
0xa5: {  	s25 =	simm.s32 $0x1B8E;
	s24 =	sld [smem:$0x0]  }
0xa6: {  	s26 =	simm.s32 $execute0_lowered;
	[smem:$0x3FD2] =	sst s25  }
0xa7: {  	s6 =	sshll.u32 s26, $0x1;
	_ =	strace $0x8000004F;
	[dreg:$0x1] =	wrdreg $0xFFFFFFFF  }
0xa8: {  	s28 =	simm.s32 $_size_execute0_lowered;
	s3 =	sadd.s32 s3, s6;
	[dreg:$0x0] =	wrdreg $0x0  }
0xa9: {  	s6 =	sshll.u32 s28, $0x1;
	[dreg:$0x2] =	wrdreg s3  }
0xaa: {  	[dreg:$0x3] =	wrdreg s6  }
0xab: {  	[dreg:$0x4] =	wrdreg $0xC0  }
0xac: {  	_ =	task [dreg:s7], $0x5FFFF  }
0xad: {  	[dreg:$0x1] =	wrdreg $0xFFFFFFFF  }
0xae: {  	[dreg:$0x0] =	wrdreg $0x60  }
0xaf: {  	[dreg:$0x2] =	wrdreg s23  }
0xb0: {  	[dreg:$0x3] =	wrdreg s2  }
0xb1: {  	[dreg:$0x4] =	wrdreg s1  }
0xb2: {  	[dreg:$0x5] =	wrdreg s24  }
0xb3: {  	[dreg:$0x6] =	wrdreg $0x9  }
0xb4: {  	_ =	task.clear_ibuf [dreg:s7], $0x7FFFF;
	_ =	strace $0x9000004F  }
0xb5: {  	s29 =	simm.s32 $0x9;
	_ =	strace $0x80000051  }
0xb6: {  	_ =	swait.ge [sflag:s29], $0x1  }
0xb7: {  	[sflag:s29] =	ssyncadd.s32 $0xFFFFFFFF  }
0xb8: {  	_ =	strace $0x90000051  }
0xb9: {  	_ =	sfence  }
0xba: {  	s30 =	sld [smem:$0x0];
	_ =	sdelay $0x2  }
0xbb: {  	s31 =	sshll.u32 s1, $0xD;
	s1 =	sshrl.u32 s1, $0x2  }
0xbc: {  	s3 =	sand.u32 $0x4000, s31;
	s1 =	sadd.s32 s1, s30  }
0xbd: {  	s0 =	sor.u32 s3, s0;
	s1 =	sshll.u32 s1, $0x11  }
0xbe: {  	s0 =	sor.u32 s1, s0  }
0xbf: {  	s0 =	sadd.s32 $0x8F2B, s0  }
0xc0: {  	[sflag:s0] =	ssyncadd.remote.s32 $0x1  }
0xc1: {  	_ =	sfence.sel $0xFFFF  }
0xc2: {  	[dreg:$0x0] =	wrdreg $0xFFFFFFFF;
	(pc) =	sbr.abs _section_cstart, $3  }
0xc3: {  	[dreg:$0x1] =	wrdreg $0xFFFFFFFF  }
0xc4: {  	_ =	task.clear_ibuf [dreg:s7], $0x2FFFF;
	_ =	strace $0x9FFFFFFF  }
0xc5: {  	(tm) =	ssettm $0x7FFFFFFF  }
tec
execute0_lowered:
.L_overlay_start_1:
0x0: {  	(tag) =	ssettag $0x1  }
0x1: {  	s4 =	rddreg [dreg:$0x0]  }
0x2: {  	s14 =	rddreg [dreg:$0x1]  }
0x3: {  	s2 =	rddreg [dreg:$0x2];
	_ =	strace $0x80000050;
	s12 =	simm.s32 $0x1  }
0x4: {  	v0 =	vimm.s32 $0x0;
	[sflag:s12] =	ssyncpa.u1 $0x0  }
0x5: {  	[tilespmem:$0x28] =	vst v0  }
0x6: {  	[tilespmem:$0x38] =	vst v0  }
0x7: {  	[tilespmem:$0x48] =	vst v0  }
0x8: {  	[tilespmem:$0x58] =	vst v0  }
0x9: {  	[tilespmem:$0x68] =	vst v0  }
0xa: {  	[tilespmem:$0x78] =	vst v0  }
0xb: {  	[tilespmem:$0x88] =	vst v0  }
0xc: {  	[tilespmem:$0x98] =	vst v0  }
0xd: {  	[tilespmem:$0xA8] =	vst v0  }
0xe: {  	[tilespmem:$0xB8] =	vst v0  }
0xf: {  	[tilespmem:$0xC8] =	vst v0  }
0x10: {  	[tilespmem:$0xD8] =	vst v0  }
0x11: {  	[tilespmem:$0xE8] =	vst v0  }
0x12: {  	[tilespmem:$0xF8] =	vst v0  }
0x13: {  	[tilespmem:$0x108] =	vst v0  }
0x14: {  	[tilespmem:$0x118] =	vst v0  }
0x15: {  	[tilespmem:$0x128] =	vst v0  }
0x16: {  	[tilespmem:$0x138] =	vst v0  }
0x17: {  	[tilespmem:$0x148] =	vst v0  }
0x18: {  	[tilespmem:$0x158] =	vst v0  }
0x19: {  	[tilespmem:$0x168] =	vst v0  }
0x1a: {  	[tilespmem:$0x178] =	vst v0  }
0x1b: {  	[tilespmem:$0x188] =	vst v0  }
0x1c: {  	[tilespmem:$0x198] =	vst v0  }
0x1d: {  	[tilespmem:$0x1A8] =	vst v0  }
0x1e: {  	[tilespmem:$0x1B8] =	vst v0  }
0x1f: {  	[tilespmem:$0x1C8] =	vst v0  }
0x20: {  	[tilespmem:$0x1D8] =	vst v0  }
0x21: {  	[tilespmem:$0x1E8] =	vst v0  }
0x22: {  	[tilespmem:$0x1F8] =	vst v0  }
0x23: {  	[tilespmem:$0x208] =	vst v0  }
0x24: {  	[tilespmem:$0x218] =	vst v0  }
0x25: {  	[tilespmem:$0x228] =	vst v0  }
0x26: {  	[tilespmem:$0x238] =	vst v0  }
0x27: {  	[tilespmem:$0x248] =	vst v0  }
0x28: {  	[tilespmem:$0x258] =	vst v0  }
0x29: {  	[tilespmem:$0x268] =	vst v0  }
0x2a: {  	[tilespmem:$0x278] =	vst v0  }
0x2b: {  	[tilespmem:$0x288] =	vst v0  }
0x2c: {  	[tilespmem:$0x298] =	vst v0  }
0x2d: {  	[tilespmem:$0x2A8] =	vst v0  }
0x2e: {  	[tilespmem:$0x2B8] =	vst v0  }
0x2f: {  	[tilespmem:$0x2C8] =	vst v0  }
0x30: {  	[tilespmem:$0x2D8] =	vst v0  }
0x31: {  	[tilespmem:$0x2E8] =	vst v0  }
0x32: {  	[tilespmem:$0x2F8] =	vst v0  }
0x33: {  	[tilespmem:$0x308] =	vst v0  }
0x34: {  	[tilespmem:$0x318] =	vst v0  }
0x35: {  	[tilespmem:$0x328] =	vst v0  }
0x36: {  	[tilespmem:$0x338] =	vst v0  }
0x37: {  	[tilespmem:$0x348] =	vst v0  }
0x38: {  	[tilespmem:$0x358] =	vst v0  }
0x39: {  	[tilespmem:$0x368] =	vst v0  }
0x3a: {  	[tilespmem:$0x378] =	vst v0  }
0x3b: {  	[tilespmem:$0x388] =	vst v0  }
0x3c: {  	[tilespmem:$0x398] =	vst v0  }
0x3d: {  	[tilespmem:$0x3A8] =	vst v0  }
0x3e: {  	[tilespmem:$0x3B8] =	vst v0  }
0x3f: {  	[tilespmem:$0x3C8] =	vst v0  }
0x40: {  	[tilespmem:$0x3D8] =	vst v0  }
0x41: {  	[tilespmem:$0x3E8] =	vst v0  }
0x42: {  	[tilespmem:$0x3F8] =	vst v0  }
0x43: {  	[tilespmem:$0x408] =	vst v0  }
0x44: {  	[tilespmem:$0x418] =	vst v0  }
0x45: {  	[tilespmem:$0x428] =	vst v0  }
0x46: {  	[tilespmem:$0x438] =	vst v0  }
0x47: {  	[tilespmem:$0x448] =	vst v0  }
0x48: {  	[tilespmem:$0x458] =	vst v0  }
0x49: {  	[tilespmem:$0x468] =	vst v0  }
0x4a: {  	[tilespmem:$0x478] =	vst v0  }
0x4b: {  	[tilespmem:$0x488] =	vst v0  }
0x4c: {  	[tilespmem:$0x498] =	vst v0  }
0x4d: {  	[tilespmem:$0x4A8] =	vst v0  }
0x4e: {  	[tilespmem:$0x4B8] =	vst v0  }
0x4f: {  	[tilespmem:$0x4C8] =	vst v0  }
0x50: {  	[tilespmem:$0x4D8] =	vst v0  }
0x51: {  	[tilespmem:$0x4E8] =	vst v0  }
0x52: {  	[tilespmem:$0x4F8] =	vst v0  }
0x53: {  	[tilespmem:$0x508] =	vst v0  }
0x54: {  	[tilespmem:$0x518] =	vst v0  }
0x55: {  	[tilespmem:$0x528] =	vst v0  }
0x56: {  	[tilespmem:$0x538] =	vst v0  }
0x57: {  	[tilespmem:$0x548] =	vst v0  }
0x58: {  	[tilespmem:$0x558] =	vst v0  }
0x59: {  	[tilespmem:$0x568] =	vst v0  }
0x5a: {  	[tilespmem:$0x578] =	vst v0  }
0x5b: {  	[tilespmem:$0x588] =	vst v0  }
0x5c: {  	[tilespmem:$0x598] =	vst v0  }
0x5d: {  	[tilespmem:$0x5A8] =	vst v0  }
0x5e: {  	[tilespmem:$0x5B8] =	vst v0  }
0x5f: {  	[tilespmem:$0x5C8] =	vst v0  }
0x60: {  	[tilespmem:$0x5D8] =	vst v0  }
0x61: {  	[tilespmem:$0x5E8] =	vst v0  }
0x62: {  	[tilespmem:$0x5F8] =	vst v0  }
0x63: {  	[tilespmem:$0x608] =	vst v0  }
0x64: {  	[tilespmem:$0x618] =	vst v0  }
0x65: {  	[tilespmem:$0x628] =	vst v0  }
0x66: {  	[tilespmem:$0x638] =	vst v0  }
0x67: {  	[tilespmem:$0x648] =	vst v0  }
0x68: {  	[tilespmem:$0x658] =	vst v0  }
0x69: {  	[tilespmem:$0x668] =	vst v0  }
0x6a: {  	[tilespmem:$0x678] =	vst v0  }
0x6b: {  	[tilespmem:$0x688] =	vst v0  }
0x6c: {  	[tilespmem:$0x698] =	vst v0  }
0x6d: {  	[tilespmem:$0x6A8] =	vst v0  }
0x6e: {  	[tilespmem:$0x6B8] =	vst v0  }
0x6f: {  	[tilespmem:$0x6C8] =	vst v0  }
0x70: {  	[tilespmem:$0x6D8] =	vst v0  }
0x71: {  	[tilespmem:$0x6E8] =	vst v0  }
0x72: {  	[tilespmem:$0x6F8] =	vst v0  }
0x73: {  	[tilespmem:$0x708] =	vst v0  }
0x74: {  	[tilespmem:$0x718] =	vst v0  }
0x75: {  	[tilespmem:$0x728] =	vst v0  }
0x76: {  	[tilespmem:$0x738] =	vst v0  }
0x77: {  	[tilespmem:$0x748] =	vst v0  }
0x78: {  	[tilespmem:$0x758] =	vst v0  }
0x79: {  	[tilespmem:$0x768] =	vst v0  }
0x7a: {  	[tilespmem:$0x778] =	vst v0  }
0x7b: {  	[tilespmem:$0x788] =	vst v0  }
0x7c: {  	[tilespmem:$0x798] =	vst v0  }
0x7d: {  	[tilespmem:$0x7A8] =	vst v0  }
0x7e: {  	[tilespmem:$0x7B8] =	vst v0  }
0x7f: {  	[tilespmem:$0x7C8] =	vst v0  }
0x80: {  	[tilespmem:$0x7D8] =	vst v0  }
0x81: {  	[tilespmem:$0x7E8] =	vst v0  }
0x82: {  	[tilespmem:$0x7F8] =	vst v0  }
0x83: {  	[tilespmem:$0x808] =	vst v0  }
0x84: {  	[tilespmem:$0x818] =	vst v0  }
0x85: {  	[tilespmem:$0x828] =	vst v0  }
0x86: {  	[tilespmem:$0x838] =	vst v0  }
0x87: {  	[tilespmem:$0x848] =	vst v0  }
0x88: {  	[tilespmem:$0x858] =	vst v0  }
0x89: {  	[tilespmem:$0x868] =	vst v0  }
0x8a: {  	[tilespmem:$0x878] =	vst v0  }
0x8b: {  	[tilespmem:$0x888] =	vst v0  }
0x8c: {  	[tilespmem:$0x898] =	vst v0  }
0x8d: {  	[tilespmem:$0x8A8] =	vst v0  }
0x8e: {  	[tilespmem:$0x8B8] =	vst v0  }
0x8f: {  	[tilespmem:$0x8C8] =	vst v0  }
0x90: {  	[tilespmem:$0x8D8] =	vst v0  }
0x91: {  	[tilespmem:$0x8E8] =	vst v0  }
0x92: {  	[tilespmem:$0x8F8] =	vst v0  }
0x93: {  	[tilespmem:$0x908] =	vst v0  }
0x94: {  	[tilespmem:$0x918] =	vst v0  }
0x95: {  	[tilespmem:$0x928] =	vst v0  }
0x96: {  	[tilespmem:$0x938] =	vst v0  }
0x97: {  	[tilespmem:$0x948] =	vst v0  }
0x98: {  	[tilespmem:$0x958] =	vst v0  }
0x99: {  	[tilespmem:$0x968] =	vst v0  }
0x9a: {  	[tilespmem:$0x978] =	vst v0  }
0x9b: {  	[tilespmem:$0x988] =	vst v0  }
0x9c: {  	[tilespmem:$0x998] =	vst v0  }
0x9d: {  	[tilespmem:$0x9A8] =	vst v0  }
0x9e: {  	[tilespmem:$0x9B8] =	vst v0  }
0x9f: {  	[tilespmem:$0x9C8] =	vst v0  }
0xa0: {  	[tilespmem:$0x9D8] =	vst v0  }
0xa1: {  	[tilespmem:$0x9E8] =	vst v0  }
0xa2: {  	[tilespmem:$0x9F8] =	vst v0  }
0xa3: {  	[tilespmem:$0xA08] =	vst v0  }
0xa4: {  	[tilespmem:$0xA18] =	vst v0  }
0xa5: {  	[tilespmem:$0xA28] =	vst v0  }
0xa6: {  	[tilespmem:$0xA38] =	vst v0  }
0xa7: {  	[tilespmem:$0xA48] =	vst v0  }
0xa8: {  	[tilespmem:$0xA58] =	vst v0  }
0xa9: {  	[tilespmem:$0xA68] =	vst v0  }
0xaa: {  	[tilespmem:$0xA78] =	vst v0  }
0xab: {  	[tilespmem:$0xA88] =	vst v0  }
0xac: {  	[tilespmem:$0xA98] =	vst v0  }
0xad: {  	[tilespmem:$0xAA8] =	vst v0  }
0xae: {  	[tilespmem:$0xAB8] =	vst v0  }
0xaf: {  	[tilespmem:$0xAC8] =	vst v0  }
0xb0: {  	[tilespmem:$0xAD8] =	vst v0  }
0xb1: {  	[tilespmem:$0xAE8] =	vst v0  }
0xb2: {  	[tilespmem:$0xAF8] =	vst v0  }
0xb3: {  	[tilespmem:$0xB08] =	vst v0  }
0xb4: {  	[tilespmem:$0xB18] =	vst v0  }
0xb5: {  	[tilespmem:$0xB28] =	vst v0  }
0xb6: {  	[tilespmem:$0xB38] =	vst v0  }
0xb7: {  	[tilespmem:$0xB48] =	vst v0  }
0xb8: {  	[tilespmem:$0xB58] =	vst v0  }
0xb9: {  	[tilespmem:$0xB68] =	vst v0  }
0xba: {  	[tilespmem:$0xB78] =	vst v0  }
0xbb: {  	[tilespmem:$0xB88] =	vst v0  }
0xbc: {  	[tilespmem:$0xB98] =	vst v0  }
0xbd: {  	[tilespmem:$0xBA8] =	vst v0  }
0xbe: {  	[tilespmem:$0xBB8] =	vst v0  }
0xbf: {  	[tilespmem:$0xBC8] =	vst v0  }
0xc0: {  	[tilespmem:$0xBD8] =	vst v0  }
0xc1: {  	[tilespmem:$0xBE8] =	vst v0  }
0xc2: {  	[tilespmem:$0xBF8] =	vst v0  }
0xc3: {  	[tilespmem:$0xC08] =	vst v0  }
0xc4: {  	[tilespmem:$0xC18] =	vst v0  }
0xc5: {  	[tilespmem:$0xC28] =	vst v0  }
0xc6: {  	[tilespmem:$0xC38] =	vst v0  }
0xc7: {  	[tilespmem:$0xC48] =	vst v0  }
0xc8: {  	[tilespmem:$0xC58] =	vst v0  }
0xc9: {  	[tilespmem:$0xC68] =	vst v0  }
0xca: {  	[tilespmem:$0xC78] =	vst v0  }
0xcb: {  	[tilespmem:$0xC88] =	vst v0  }
0xcc: {  	[tilespmem:$0xC98] =	vst v0  }
0xcd: {  	[tilespmem:$0xCA8] =	vst v0  }
0xce: {  	[tilespmem:$0xCB8] =	vst v0  }
0xcf: {  	[tilespmem:$0xCC8] =	vst v0  }
0xd0: {  	[tilespmem:$0xCD8] =	vst v0  }
0xd1: {  	[tilespmem:$0xCE8] =	vst v0  }
0xd2: {  	[tilespmem:$0xCF8] =	vst v0  }
0xd3: {  	[tilespmem:$0xD08] =	vst v0  }
0xd4: {  	[tilespmem:$0xD18] =	vst v0  }
0xd5: {  	[tilespmem:$0xD28] =	vst v0  }
0xd6: {  	[tilespmem:$0xD38] =	vst v0  }
0xd7: {  	[tilespmem:$0xD48] =	vst v0  }
0xd8: {  	[tilespmem:$0xD58] =	vst v0  }
0xd9: {  	[tilespmem:$0xD68] =	vst v0  }
0xda: {  	[tilespmem:$0xD78] =	vst v0  }
0xdb: {  	[tilespmem:$0xD88] =	vst v0  }
0xdc: {  	[tilespmem:$0xD98] =	vst v0  }
0xdd: {  	[tilespmem:$0xDA8] =	vst v0  }
0xde: {  	[tilespmem:$0xDB8] =	vst v0  }
0xdf: {  	[tilespmem:$0xDC8] =	vst v0  }
0xe0: {  	[tilespmem:$0xDD8] =	vst v0  }
0xe1: {  	[tilespmem:$0xDE8] =	vst v0  }
0xe2: {  	[tilespmem:$0xDF8] =	vst v0  }
0xe3: {  	[tilespmem:$0xE08] =	vst v0  }
0xe4: {  	[tilespmem:$0xE18] =	vst v0  }
0xe5: {  	[tilespmem:$0xE28] =	vst v0  }
0xe6: {  	[tilespmem:$0xE38] =	vst v0  }
0xe7: {  	[tilespmem:$0xE48] =	vst v0  }
0xe8: {  	[tilespmem:$0xE58] =	vst v0  }
0xe9: {  	[tilespmem:$0xE68] =	vst v0  }
0xea: {  	[tilespmem:$0xE78] =	vst v0  }
0xeb: {  	[tilespmem:$0xE88] =	vst v0  }
0xec: {  	[tilespmem:$0xE98] =	vst v0  }
0xed: {  	[tilespmem:$0xEA8] =	vst v0  }
0xee: {  	[tilespmem:$0xEB8] =	vst v0  }
0xef: {  	[tilespmem:$0xEC8] =	vst v0  }
0xf0: {  	[tilespmem:$0xED8] =	vst v0  }
0xf1: {  	[tilespmem:$0xEE8] =	vst v0  }
0xf2: {  	[tilespmem:$0xEF8] =	vst v0  }
0xf3: {  	[tilespmem:$0xF08] =	vst v0  }
0xf4: {  	[tilespmem:$0xF18] =	vst v0  }
0xf5: {  	[tilespmem:$0xF28] =	vst v0  }
0xf6: {  	[tilespmem:$0xF38] =	vst v0  }
0xf7: {  	[tilespmem:$0xF48] =	vst v0  }
0xf8: {  	[tilespmem:$0xF58] =	vst v0  }
0xf9: {  	[tilespmem:$0xF68] =	vst v0  }
0xfa: {  	[tilespmem:$0xF78] =	vst v0  }
0xfb: {  	[tilespmem:$0xF88] =	vst v0  }
0xfc: {  	[tilespmem:$0xF98] =	vst v0  }
0xfd: {  	[tilespmem:$0xFA8] =	vst v0  }
0xfe: {  	[tilespmem:$0xFB8] =	vst v0  }
0xff: {  	[tilespmem:$0xFC8] =	vst v0  }
0x100: {  	[tilespmem:$0xFD8] =	vst v0  }
0x101: {  	[tilespmem:$0xFE8] =	vst v0  }
0x102: {  	[tilespmem:$0xFF8] =	vst v0  }
0x103: {  	[tilespmem:$0x1008] =	vst v0  }
0x104: {  	[tilespmem:$0x10D8] =	vst v0  }
0x105: {  	[tilespmem:$0x1048] =	vst v0  }
0x106: {  	[tilespmem:$0x1B28] =	vst v0  }
0x107: {  	[tilespmem:$0x1B18] =	vst v0  }
0x108: {  	[tilespmem:$0x1B08] =	vst v0  }
0x109: {  	[tilespmem:$0x1AF8] =	vst v0  }
0x10a: {  	[tilespmem:$0x1AE8] =	vst v0  }
0x10b: {  	[tilespmem:$0x1AD8] =	vst v0  }
0x10c: {  	[tilespmem:$0x1AC8] =	vst v0  }
0x10d: {  	[tilespmem:$0x1AB8] =	vst v0  }
0x10e: {  	[tilespmem:$0x1AA8] =	vst v0  }
0x10f: {  	[tilespmem:$0x1A98] =	vst v0  }
0x110: {  	[tilespmem:$0x1A88] =	vst v0  }
0x111: {  	[tilespmem:$0x1A78] =	vst v0  }
0x112: {  	[tilespmem:$0x1A68] =	vst v0  }
0x113: {  	[tilespmem:$0x1A58] =	vst v0  }
0x114: {  	[tilespmem:$0x1A48] =	vst v0  }
0x115: {  	[tilespmem:$0x1A38] =	vst v0  }
0x116: {  	[tilespmem:$0x1A28] =	vst v0  }
0x117: {  	[tilespmem:$0x1A18] =	vst v0  }
0x118: {  	[tilespmem:$0x1A08] =	vst v0  }
0x119: {  	[tilespmem:$0x19F8] =	vst v0  }
0x11a: {  	[tilespmem:$0x19E8] =	vst v0  }
0x11b: {  	[tilespmem:$0x19D8] =	vst v0  }
0x11c: {  	[tilespmem:$0x19C8] =	vst v0  }
0x11d: {  	[tilespmem:$0x19B8] =	vst v0  }
0x11e: {  	[tilespmem:$0x19A8] =	vst v0  }
0x11f: {  	[tilespmem:$0x1998] =	vst v0  }
0x120: {  	[tilespmem:$0x1988] =	vst v0  }
0x121: {  	[tilespmem:$0x1978] =	vst v0  }
0x122: {  	[tilespmem:$0x1968] =	vst v0  }
0x123: {  	[tilespmem:$0x1958] =	vst v0  }
0x124: {  	[tilespmem:$0x1948] =	vst v0  }
0x125: {  	[tilespmem:$0x1938] =	vst v0  }
0x126: {  	[tilespmem:$0x1928] =	vst v0  }
0x127: {  	[tilespmem:$0x1918] =	vst v0  }
0x128: {  	[tilespmem:$0x1908] =	vst v0  }
0x129: {  	[tilespmem:$0x18F8] =	vst v0  }
0x12a: {  	[tilespmem:$0x18E8] =	vst v0  }
0x12b: {  	[tilespmem:$0x18D8] =	vst v0  }
0x12c: {  	[tilespmem:$0x18C8] =	vst v0  }
0x12d: {  	[tilespmem:$0x18B8] =	vst v0  }
0x12e: {  	[tilespmem:$0x18A8] =	vst v0  }
0x12f: {  	[tilespmem:$0x1898] =	vst v0  }
0x130: {  	[tilespmem:$0x1888] =	vst v0  }
0x131: {  	[tilespmem:$0x1878] =	vst v0  }
0x132: {  	[tilespmem:$0x1868] =	vst v0  }
0x133: {  	[tilespmem:$0x1858] =	vst v0  }
0x134: {  	[tilespmem:$0x1848] =	vst v0  }
0x135: {  	[tilespmem:$0x1838] =	vst v0  }
0x136: {  	[tilespmem:$0x1828] =	vst v0  }
0x137: {  	[tilespmem:$0x1818] =	vst v0  }
0x138: {  	[tilespmem:$0x1808] =	vst v0  }
0x139: {  	[tilespmem:$0x17F8] =	vst v0  }
0x13a: {  	[tilespmem:$0x17E8] =	vst v0  }
0x13b: {  	[tilespmem:$0x17D8] =	vst v0  }
0x13c: {  	[tilespmem:$0x17C8] =	vst v0  }
0x13d: {  	[tilespmem:$0x17B8] =	vst v0  }
0x13e: {  	[tilespmem:$0x17A8] =	vst v0  }
0x13f: {  	[tilespmem:$0x1798] =	vst v0  }
0x140: {  	[tilespmem:$0x1788] =	vst v0  }
0x141: {  	[tilespmem:$0x1778] =	vst v0  }
0x142: {  	[tilespmem:$0x1768] =	vst v0  }
0x143: {  	[tilespmem:$0x1758] =	vst v0  }
0x144: {  	[tilespmem:$0x1748] =	vst v0  }
0x145: {  	[tilespmem:$0x1738] =	vst v0  }
0x146: {  	[tilespmem:$0x1728] =	vst v0  }
0x147: {  	[tilespmem:$0x1718] =	vst v0  }
0x148: {  	[tilespmem:$0x1708] =	vst v0  }
0x149: {  	[tilespmem:$0x16F8] =	vst v0  }
0x14a: {  	[tilespmem:$0x16E8] =	vst v0  }
0x14b: {  	[tilespmem:$0x16D8] =	vst v0  }
0x14c: {  	[tilespmem:$0x16C8] =	vst v0  }
0x14d: {  	[tilespmem:$0x16B8] =	vst v0  }
0x14e: {  	[tilespmem:$0x16A8] =	vst v0  }
0x14f: {  	[tilespmem:$0x1698] =	vst v0  }
0x150: {  	[tilespmem:$0x1688] =	vst v0  }
0x151: {  	[tilespmem:$0x1678] =	vst v0  }
0x152: {  	[tilespmem:$0x1668] =	vst v0  }
0x153: {  	[tilespmem:$0x1658] =	vst v0  }
0x154: {  	[tilespmem:$0x1648] =	vst v0  }
0x155: {  	[tilespmem:$0x1638] =	vst v0  }
0x156: {  	[tilespmem:$0x1628] =	vst v0  }
0x157: {  	[tilespmem:$0x1618] =	vst v0  }
0x158: {  	[tilespmem:$0x1608] =	vst v0  }
0x159: {  	[tilespmem:$0x15F8] =	vst v0  }
0x15a: {  	[tilespmem:$0x15E8] =	vst v0  }
0x15b: {  	[tilespmem:$0x15D8] =	vst v0  }
0x15c: {  	[tilespmem:$0x15C8] =	vst v0  }
0x15d: {  	[tilespmem:$0x15B8] =	vst v0  }
0x15e: {  	[tilespmem:$0x15A8] =	vst v0  }
0x15f: {  	[tilespmem:$0x1598] =	vst v0  }
0x160: {  	[tilespmem:$0x1588] =	vst v0  }
0x161: {  	[tilespmem:$0x1578] =	vst v0  }
0x162: {  	[tilespmem:$0x1568] =	vst v0  }
0x163: {  	[tilespmem:$0x1558] =	vst v0  }
0x164: {  	[tilespmem:$0x1548] =	vst v0  }
0x165: {  	[tilespmem:$0x1538] =	vst v0  }
0x166: {  	[tilespmem:$0x1528] =	vst v0  }
0x167: {  	[tilespmem:$0x1518] =	vst v0  }
0x168: {  	[tilespmem:$0x1508] =	vst v0  }
0x169: {  	[tilespmem:$0x14F8] =	vst v0  }
0x16a: {  	[tilespmem:$0x14E8] =	vst v0  }
0x16b: {  	[tilespmem:$0x14D8] =	vst v0  }
0x16c: {  	[tilespmem:$0x14C8] =	vst v0  }
0x16d: {  	[tilespmem:$0x14B8] =	vst v0  }
0x16e: {  	[tilespmem:$0x14A8] =	vst v0  }
0x16f: {  	[tilespmem:$0x1498] =	vst v0  }
0x170: {  	[tilespmem:$0x1488] =	vst v0  }
0x171: {  	[tilespmem:$0x1478] =	vst v0  }
0x172: {  	[tilespmem:$0x1468] =	vst v0  }
0x173: {  	[tilespmem:$0x1458] =	vst v0  }
0x174: {  	[tilespmem:$0x1448] =	vst v0  }
0x175: {  	[tilespmem:$0x1438] =	vst v0  }
0x176: {  	[tilespmem:$0x1428] =	vst v0  }
0x177: {  	[tilespmem:$0x1418] =	vst v0  }
0x178: {  	[tilespmem:$0x1408] =	vst v0  }
0x179: {  	[tilespmem:$0x13F8] =	vst v0  }
0x17a: {  	[tilespmem:$0x13E8] =	vst v0  }
0x17b: {  	[tilespmem:$0x13D8] =	vst v0  }
0x17c: {  	[tilespmem:$0x13C8] =	vst v0  }
0x17d: {  	[tilespmem:$0x13B8] =	vst v0  }
0x17e: {  	[tilespmem:$0x13A8] =	vst v0  }
0x17f: {  	[tilespmem:$0x1398] =	vst v0  }
0x180: {  	[tilespmem:$0x1388] =	vst v0  }
0x181: {  	[tilespmem:$0x1378] =	vst v0  }
0x182: {  	[tilespmem:$0x1368] =	vst v0  }
0x183: {  	[tilespmem:$0x1358] =	vst v0  }
0x184: {  	[tilespmem:$0x1348] =	vst v0  }
0x185: {  	[tilespmem:$0x1338] =	vst v0  }
0x186: {  	[tilespmem:$0x1328] =	vst v0  }
0x187: {  	[tilespmem:$0x1318] =	vst v0  }
0x188: {  	[tilespmem:$0x1308] =	vst v0  }
0x189: {  	[tilespmem:$0x12F8] =	vst v0  }
0x18a: {  	[tilespmem:$0x12E8] =	vst v0  }
0x18b: {  	[tilespmem:$0x12D8] =	vst v0  }
0x18c: {  	[tilespmem:$0x12C8] =	vst v0  }
0x18d: {  	[tilespmem:$0x12B8] =	vst v0  }
0x18e: {  	[tilespmem:$0x12A8] =	vst v0  }
0x18f: {  	[tilespmem:$0x1298] =	vst v0  }
0x190: {  	[tilespmem:$0x1288] =	vst v0  }
0x191: {  	[tilespmem:$0x1278] =	vst v0  }
0x192: {  	[tilespmem:$0x1268] =	vst v0  }
0x193: {  	[tilespmem:$0x1258] =	vst v0  }
0x194: {  	[tilespmem:$0x1248] =	vst v0  }
0x195: {  	[tilespmem:$0x1238] =	vst v0  }
0x196: {  	[tilespmem:$0x1228] =	vst v0  }
0x197: {  	[tilespmem:$0x1218] =	vst v0  }
0x198: {  	[tilespmem:$0x1208] =	vst v0  }
0x199: {  	[tilespmem:$0x11F8] =	vst v0  }
0x19a: {  	[tilespmem:$0x11E8] =	vst v0  }
0x19b: {  	[tilespmem:$0x11D8] =	vst v0  }
0x19c: {  	[tilespmem:$0x11C8] =	vst v0  }
0x19d: {  	[tilespmem:$0x11B8] =	vst v0  }
0x19e: {  	[tilespmem:$0x11A8] =	vst v0  }
0x19f: {  	[tilespmem:$0x1198] =	vst v0  }
0x1a0: {  	[tilespmem:$0x1188] =	vst v0  }
0x1a1: {  	[tilespmem:$0x1178] =	vst v0  }
0x1a2: {  	[tilespmem:$0x1168] =	vst v0  }
0x1a3: {  	[tilespmem:$0x1158] =	vst v0  }
0x1a4: {  	[tilespmem:$0x1148] =	vst v0  }
0x1a5: {  	[tilespmem:$0x1138] =	vst v0  }
0x1a6: {  	s5 =	stileid.u32;
	[tilespmem:$0x1128] =	vst v0  }
0x1a7: {  	s0 =	smin.u32 s5, $0x8;
	[tilespmem:$0x1118] =	vst v0  }
0x1a8: {  	[tilespmem:$0x1108] =	vst v0;
	s0 =	sadd.s32 s5, s0  }
0x1a9: {  	s1 =	simm.s32 $0x360;
	p0 =	slt.u32 s5, $0x8;
	[tilespmem:$0x10F8] =	vst v0;
	s7 =	smul.u32 $0x1B0, s0  }
0x1aa: {  	s1 =	simm.s32 @!p0 $0x1B0;
	[tilespmem:$0x10E8] =	vst v0  }
0x1ab: {  	[tilespmem:$0x10C8] =	vst v0;
	s0 =	sadd.s32 s1, s7  }
0x1ac: {  	[tilespmem:$0x1038] =	vst v0;
	s8 =	smin.u32 s0, $0x2710  }
0x1ad: {  	[tilespmem:$0x10B8] =	vst v0;
	s0 =	ssub.s32 s8, s7  }
0x1ae: {  	s3 =	simm.s32 $0x2;
	[tilespmem:$0x10A8] =	vst v0;
	p0 =	sgt.s32 s0, $0x0  }
0x1af: {  	s9 =	simm.s32 $0x9;
	s11 =	simm.s32 $0xA;
	[tilespmem:$0x1098] =	vst v0;
	s0 =	simm.s32 @!p0 $0x0  }
0x1b0: {  	s29 =	simm.s32 $0xB;
	s16 =	simm.s32 $0x0;
	[tilespmem:$0x1088] =	vst v0;
	s26 =	sand.u32 $0xFFF0, s0  }
0x1b1: {  	p4 =	por $0x0, $0x0;
	s17 =	simm.s32 $0xC;
	[tilespmem:$0x1078] =	vst v0;
	s1 =	sshrl.u32 s26, $0x4  }
0x1b2: {  	s21 =	simm.s32 $0x0;
	s18 =	simm.s32 $0x0;
	[tilespmem:$0x1068] =	vst v0;
	s1 =	smul.u32 $0x12F7, s1  }
0x1b3: {  	s20 =	simm.s32 $0x0;
	s6 =	sand.u32 $0x1, s2;
	s31 =	sshll.u32 s5, $0x5;
	[tilespmem:$0x1058] =	vst v0  }
0x1b4: {  	[dreg:$0x6] =	wrdreg s6;
	s6 =	smul.u32 $0x4E2, s6;
	[tilespmem:$0x1028] =	vst v0;
	s1 =	sshrl.u32 s1, $0x11  }
0x1b5: {  	[tilespmem:$0x1018] =	vst v0;
	[sflag:s3] =	ssyncpa.u1 $0x0;
	v0 =	vimm.s32 $0xFFFFFFFF;
	s3 =	sadd.s32 $0x4E200, s4;
	s28 =	smul.u32 $0x1B0, s1  }
.Ltmp0:
0x1b6: {  	[dreg:$0x5] =	wrdreg s31;
	[tilespmem:$0x3648] =	vst v0;
	[sflag:s9] =	ssyncpa.u1 $0x0;
	(pc) =	sbr.rel .LBB2_1-.Ltmp0, $4  }
0x1b7: {  	[sflag:s11] =	ssyncpa.u1 $0x0;
	s30 =	sadd.s32 s6, s4;
	p0 =	sne.s32 s0, s28  }
0x1b8: {  	s15 =	sadd.s32 s6, s14;
	[sflag:s29] =	ssyncpa.u1 $0x0;
	s12 =	simm.s32 @!p0 $0x0  }
0x1b9: {  	s9 =	sadd.s32 $0x139C00, s30;
	s19 =	smov.u32 s7;
	s12 =	sadd.s32 s1, s12  }
0x1ba: {  	v0 =	vlaneseq.u32;
	[dreg:$0x7] =	wrdreg s7;
	p0 =	por $0x1, $0x1;
	s5 =	sadd.s32 $0x1, s12  }
.LBB2_18:
0x1bb: {  	s0 =	simm.s32 $0x2  }
0x1bc: {  	_ =	swait.ge [sflag:s0], $0x0  }
0x1bd: {  	[sflag:s0] =	ssyncset.done $0x0;
	s0 =	simm.s32 $0x0  }
.LBB2_19:
0x1be: {  	_ =	swait.ge [sflag:s17], s0  }
0x1bf: {  	s31 =	ssub.s32 $0x0, s0;
	v1 =	vmov s23;
	vm0 =	veq.s32 v0, $0x0;
	[sflag:s17] =	ssyncset.done $0x0  }
0x1c0: {  	vm15 =	veq.s32 v0, $0x2;
	v1 =	vsel vm0, s29, v1;
	[sflag:s17] =	ssyncadd.s32 s31  }
0x1c1: {  	v1 =	vsel vm15, s21, v1;
	[sflag:s17] =	ssyncpa.u1 $0x1  }
0x1c2: {  	[tilespmem:$0x3648] =	vst v1  }
.LBB2_20:
0x1c3: {  	s0 =	sadd.s32 $0x1B0, s19  }
0x1c4: {  	s1 =	smov.u32 s7;
	p1 =	slt.s32 s0, s8  }
0x1c5: {  	s1 =	smov.u32 @p1 s0;
	p1 =	sne.s32 s20, s5  }
.Ltmp1:
0x1c6: {  	_ = 	snop;
	(pc) =	sbr.rel @!p1 .LBB2_21-.Ltmp1, $4  }
0x1c7: {  	_ = 	snop  }
0x1c8: {  	s21 =	smov.u32 s18  }
0x1c9: {  	s31 =	sadd.s32 $0x1, s20;
	s18 =	smov.u32 s19;
	p0 =	por !p0, !p0  }
0x1ca: {  	p4 =	por !p4, !p4;
	s20 =	smov.u32 s31;
	s19 =	smov.u32 s1  }
.LBB2_1:
0x1cb: {  	p2 =	sge.u32 s20, s12  }
0x1cc: {  	s0 =	smulhi.u32 @!p2 $0xAAAAAAAB, s20  }
0x1cd: {  	s1 =	smov.u32 s19;
	p3 =	sgt.s32 @!p2 s19, $0x2560  }
0x1ce: {  	s2 =	sshra.s32 @!p2 s19, $0x1F;
	p3 =	por !p3, p2;
	s0 =	sshrl.u32 @!p2 s0, $0x1  }
0x1cf: {  	s2 =	sand.u32 @!p2 s2, s19;
	s1 =	simm.s32 @p3 $0x2560;
	s0 =	smul.u32 @!p2 $0x3, s0  }
0x1d0: {  	s1 =	ssub.s32 @!p2 s1, s2  }
0x1d1: {  	s23 =	sadd.s32 $0xFFFFFFFF, s20;
	s1 =	sadd.s32 @!p2 $0xFFFFDAA0, s1;
	s0 =	ssub.s32 @!p2 s20, s0  }
0x1d2: {  	s2 =	sshll.u32 @!p2 s1, $0x2;
	p3 =	sgt.s32 @!p2 s1, $0x1AF;
	s0 =	smul.u32 @!p2 $0x6C0, s0  }
0x1d3: {  	s6 =	sand.u32 @!p2 $0x7, s19;
	s1 =	ssub.s32 @!p2 $0x6C0, s2;
	p3 =	por !p3, p2  }
0x1d4: {  	s2 =	sshrl.u32 @!p2 s19, $0x3;
	s1 =	sshrl.u32 @!p2 s1, $0x2;
	s0 =	sshrl.u32 @!p2 s0, $0x2  }
0x1d5: {  	s2 =	sadd.s32 @!p2 s2, s9;
	s1 =	simm.s32 @!p3 $0x0;
	s0 =	sadd.s32 @!p2 $0x3888, s0  }
0x1d6: {  	[tilespmem:s0], [sflag:$0xA] =	stream.linear.gather @!p2 [hbm4b:s2+s6], s1, $0x38;
	[tilespmem:$0x1F0F8] =	vst v63  }
0x1d7: {  	p2 =	sge.u32 s23, s12  }
0x1d8: {  	p3 =	sgt.s32 @!p2 s18, $0x2560  }
0x1d9: {  	s0 =	smov.u32 s18;
	s1 =	sshra.s32 @!p2 s18, $0x1F;
	p3 =	por !p3, p2  }
0x1da: {  	s1 =	sand.u32 @!p2 s1, s18;
	s0 =	simm.s32 @p3 $0x2560  }
0x1db: {  	s0 =	ssub.s32 @!p2 s0, s1  }
0x1dc: {  	s0 =	sadd.s32 @!p2 $0xFFFFDAA0, s0  }
0x1dd: {  	s1 =	sshll.u32 @!p2 s0, $0x2  }
0x1de: {  	p3 =	sgt.s32 @!p2 s0, $0x1AF;
	s0 =	ssub.s32 @!p2 $0x6C0, s1  }
0x1df: {  	s22 =	ssub.s32 @!p2 $0x2710, s18;
	p3 =	por !p3, p2;
	s0 =	sshrl.u32 @!p2 s0, $0x2  }
0x1e0: {  	s1 =	sand.u32 @!p2 $0x1, s23;
	s0 =	simm.s32 @!p3 $0x0;
	p3 =	slt.s32 @!p2 s22, $0x1  }
0x1e1: {  	s2 =	simm.s32 @!p2 $0xA;
	s1 =	smul.u32 @!p2 $0x6C0, s1;
	p3 =	por p2, p3  }
.Ltmp2:
0x1e2: {  	_ =	swait.ge @!p2 [sflag:s2], s0;
	(pc) =	sbr.rel @p3 .LBB2_7-.Ltmp2, $4  }
0x1e3: {  	s6 =	ssub.s32 @!p2 $0x0, s0;
	[sflag:s2] =	ssyncset.done @!p2 $0x0  }
0x1e4: {  	s1 =	sshrl.u32 @!p2 s1, $0x2;
	[sflag:s2] =	ssyncadd.s32 @!p2 s6;
	s2 =	sshrl.u32 @!p2 s18, $0x3  }
0x1e5: {  	s1 =	sadd.s32 @!p2 $0x3D98, s1;
	s6 =	sand.u32 @!p2 $0x7, s18;
	s2 =	sadd.s32 @!p2 s2, s15  }
0x1e6: {  	[tilespmem:s1], [sflag:$0xB] =	stream.linear.gather @!p2 [hbm4b:s2+s6], s0, $0x38;
	[tilespmem:$0x1F0F8] =	vst v63  }
0x1e7: {  	s0 =	smulhi.u32 $0xAAAAAAAB, s23;
	_ =	sdelay $0x1  }
0x1e8: {  	s0 =	sshrl.u32 s0, $0x1  }
0x1e9: {  	s0 =	smul.u32 $0x3, s0;
	_ =	sdelay $0x1  }
0x1ea: {  	s0 =	ssub.s32 s23, s0  }
0x1eb: {  	s1 =	simm.s32 $0x1;
	s0 =	smul.u32 $0x6C0, s0  }
.Ltmp3:
0x1ec: {  	s1 =	simm.s32 @!p0 $0x0;
	(pc) =	sbr.rel .LBB2_4-.Ltmp3, $4  }
0x1ed: {  	s1 =	smul.u32 $0x36000, s1  }
0x1ee: {  	p3 =	slt.s32 @!p2 s22, $0x1B0;
	s0 =	sshrl.u32 s0, $0x2  }
0x1ef: {  	p2 =	por !p3, p2;
	s1 =	sshrl.u32 s1, $0x2;
	s0 =	sadd.s32 $0x3888, s0  }
0x1f0: {  	s24 =	simm.s32 $0x0;
	s22 =	simm.s32 @p2 $0x1B0;
	s23 =	sadd.s32 $0x40F8, s1;
	v1 =	vmov s0  }
.LBB2_3:
0x1f1: {  	p2 =	sge.s32 s24, s22  }
.Ltmp4:
0x1f2: {  	_ = 	snop;
	(pc) =	sbr.rel @p2 .LBB2_7-.Ltmp4, $2  }
0x1f3: {  	_ =	sdelay $0x2  }
0x1f4: {  	s23 =	sadd.s32 $0x800, s23  }
.LBB2_4:
0x1f5: {  	p2 =	sle.s32 s22, s24  }
.Ltmp5:
0x1f6: {  	_ = 	snop;
	(pc) =	sbr.rel @p2 .LBB2_3-.Ltmp5, $2  }
0x1f7: {  	_ =	sdelay $0x2  }
0x1f8: {  	s0 =	smov.u32 s24;
	s24 =	sadd.s32 $0x10, s24  }
0x1f9: {  	s1 =	ssub.s32 s22, s0  }
0x1fa: {  	p2 =	slt.s32 s1, $0x10  }
0x1fb: {  	s1 =	simm.s32 @!p2 $0x10  }
0x1fc: {  	v2 =	vmov s1  }
0x1fd: {  	vm0 =	vgt.s32 v2, v0;
	_ =	sdelay $0x5  }
0x1fe: {  	v2 =	vld.idx.msk [tilespmem:v1+s0+$0x0 ss:$0x1], vm0;
	_ =	sdelay $0x2  }
0x1ff: {  	p2 =	slt.s32 s24, s22;
	s1 =	smov.u32 s22  }
0x200: {  	s2 =	smov.u32 s23;
	s25 =	simm.s32 $0x0;
	s1 =	smov.u32 @p2 s24  }
.LBB2_6:
0x201: {  	(v2sf) =	vpush v2, s25;
	_ =	sdelay $0xc  }
0x202: {  	s25 =	sadd.s32 $0x1, s25  }
0x203: {  	s31 =	sadd.s32 s25, s0  }
0x204: {  	p2 =	slt.s32 s31, s1;
	s6 =	spop (v2sf)  }
.Ltmp6:
0x205: {  	s6 =	sshll.u32 s6, $0x4;
	(pc) =	sbr.rel @p2 .LBB2_6-.Ltmp6, $4  }
0x206: {  	s6 =	sand.u32 $0x1FFFFFF0, s6  }
0x207: {  	s6 =	sadd.s32 s4, s6  }
0x208: {  	[tilespmem:s2], [sflag:$0x9] =	stream.linear.gather [hbm4b:s6+s16], $0x5, $0x38;
	[tilespmem:$0x1F0F8] =	vst v63  }
0x209: {  	s2 =	sadd.s32 $0x80, s2  }
.Ltmp7:
0x20a: {  	_ = 	snop;
	(pc) =	sbr.rel .LBB2_3-.Ltmp7, $1  }
0x20b: {  	_ =	sdelay $0x3  }
.LBB2_7:
0x20c: {  	p2 =	slt.u32 s20, $0x2  }
.Ltmp8:
0x20d: {  	_ = 	snop;
	(pc) =	sbr.rel @p2 .LBB2_20-.Ltmp8, $1  }
0x20e: {  	_ =	sdelay $0x3  }
0x20f: {  	s0 =	ssub.s32 $0x2710, s21;
	p2 =	sgt.s32 s21, $0x2560  }
0x210: {  	s1 =	smov.u32 s21;
	s2 =	sshra.s32 s21, $0x1F;
	p3 =	slt.s32 s0, $0x1B0  }
0x211: {  	s1 =	simm.s32 @!p2 $0x2560;
	s2 =	sand.u32 s2, s21;
	s0 =	simm.s32 @!p3 $0x1B0  }
0x212: {  	s1 =	ssub.s32 s1, s2;
	s0 =	smul.u32 $0x14, s0  }
0x213: {  	s1 =	sadd.s32 $0xFFFFDAA0, s1  }
0x214: {  	s26 =	simm.s32 $0x9;
	s24 =	sshll.u32 s1, $0x2;
	s0 =	sshrl.u32 s0, $0x2  }
0x215: {  	p2 =	sgt.s32 s1, $0x1AF;
	s25 =	ssub.s32 $0x6C0, s24;
	_ =	swait.ge [sflag:s26], s0  }
0x216: {  	s0 =	ssub.s32 $0x0, s0;
	s1 =	sshrl.u32 s25, $0x2;
	[sflag:s26] =	ssyncset.done $0x0  }
0x217: {  	s29 =	simm.s32 $0xB;
	s1 =	simm.s32 @p2 $0x0;
	[sflag:s26] =	ssyncadd.s32 s0  }
0x218: {  	_ =	swait.ge [sflag:s29], s1  }
0x219: {  	s30 =	ssub.s32 $0x0, s1;
	[sflag:s29] =	ssyncset.done $0x0  }
0x21a: {  	[sflag:s29] =	ssyncadd.s32 s30  }
0x21b: {  	v1 =	vld [tilespmem:$0x3648];
	_ =	sdelay $0x4  }
0x21c: {  	(v2sf) =	vpush v1, $0x0  }
0x21d: {  	(v2sf) =	vpush v1, $0x1  }
0x21e: {  	(v2sf) =	vpush v1, $0x2;
	_ =	sdelay $0x3  }
0x21f: {  	s0 =	sadd.s32 $0x1B0, s21  }
0x220: {  	p2 =	slt.s32 s8, s0;
	s1 =	ssub.s32 $0x4E20, s21  }
0x221: {  	s0 =	smov.u32 @p2 s8;
	p2 =	sgt.s32 s1, $0x0  }
0x222: {  	s26 =	ssub.s32 s0, s21;
	s1 =	simm.s32 @!p2 $0x0  }
0x223: {  	p2 =	slt.s32 s1, s26  }
0x224: {  	s26 =	smov.u32 @p2 s1  }
0x225: {  	s24 =	simm.s32 $0x1;
	p2 =	slt.s32 s26, $0x1  }
.Ltmp9:
0x226: {  	s24 =	simm.s32 @!p4 $0x0;
	(pc) =	sbr.rel @p2 .LBB2_12-.Ltmp9, $4  }
0x227: {  	s31 =	smul.u32 $0x6C0, s24  }
0x228: {  	s25 =	spop (v2sf)  }
0x229: {  	s0 =	sshrl.u32 s31, $0x2;
	s28 =	spop (v2sf)  }
0x22a: {  	s22 =	sadd.s32 $0x3D98, s0;
	s21 =	spop (v2sf)  }
0x22b: {  	s0 =	smin.u32 s26, $0x10  }
0x22c: {  	v1 =	vmov s0  }
0x22d: {  	p3 =	sgt.s32 s26, $0x10;
	vm1 =	vgt.u32 v1, v0  }
.Ltmp10:
0x22e: {  	_ = 	snop;
	(pc) =	sbr.rel @!p3 .LBB2_11-.Ltmp10, $2  }
0x22f: {  	_ =	sdelay $0x2  }
0x230: {  	s23 =	simm.s32 $0x10;
	s29 =	sadd.s32 $0xFFFFFFF0, s26;
	s0 =	smov.u32 s22;
	vm0 =	vmmov vm1  }
.LBB2_10:
0x231: {  	s1 =	smin.u32 s29, $0x10;
	s23 =	sadd.s32 $0x10, s23;
	v1 =	vld.msk [tilespmem:s0+$0x0 ss:$0x1], vm1  }
0x232: {  	v2 =	vmov s1;
	p3 =	slt.s32 s23, s26  }
0x233: {  	vm1 =	vgt.u32 v2, v0  }
.Ltmp11:
0x234: {  	(pc) =	sbr.rel @p3 .LBB2_10-.Ltmp11, $3  }
0x235: {  	_ =	sdelay $0x1  }
0x236: {  	v1 =	vshll.u32 v1, $0x4  }
0x237: {  	s29 =	sadd.s32 $0xFFFFFFF0, s29;
	[tilespmem:s0+$0x0] =	vst.msk vm0, v1;
	s0 =	sadd.s32 $0x10, s0;
	vm0 =	vmmov vm1  }
.LBB2_11:
0x238: {  	_ =	sdelay $0x4  }
0x239: {  	v1 =	vld.msk [tilespmem:s0+$0x0 ss:$0x1], vm1;
	_ =	sdelay $0x4  }
0x23a: {  	v1 =	vshll.u32 v1, $0x4  }
0x23b: {  	[tilespmem:s0+$0x0] =	vst.msk vm0, v1  }
.LBB2_12:
0x23c: {  	s0 =	sand.u32 $0x1, s20  }
0x23d: {  	s0 =	smul.u32 $0x1B0, s0  }
0x23e: {  	p3 =	sne.s32 s28, $0xFFFFFFFF  }
0x23f: {  	v1 =	vld.msk @!p3 [tilespmem:s0+$0x3D98], $0x1;
	_ =	sdelay $0x4  }
0x240: {  	(v2sf) =	vpush @!p3 v1, $0x0;
	_ =	sdelay $0xc  }
.Ltmp12:
0x241: {  	_ = 	snop;
	(pc) =	sbr.rel @p2 .LBB2_18-.Ltmp12, $4  }
0x242: {  	_ = 	snop  }
0x243: {  	s29 =	spop @!p3 (v2sf)  }
0x244: {  	s21 =	simm.s32 @!p3 $0x0;
	s23 =	smov.u32 s29  }
0x245: {  	[sflag:s17] =	ssyncpa.u1 $0x0;
	s29 =	smov.u32 @p3 s25;
	s23 =	smov.u32 @p3 s28  }
0x246: {  	v1 =	vld.msk [tilespmem:s22+$0x0], $0x1;
	_ =	sdelay $0x4  }
0x247: {  	(v2sf) =	vpush v1, $0x0;
	_ =	sdelay $0xe  }
0x248: {  	s31 =	spop (v2sf)  }
0x249: {  	p2 =	seq.s32 s29, s31  }
0x24a: {  	s0 =	simm.s32 @!p4 $0x0;
	s7 =	smov.u32 s5;
	p3 =	sgt.s32 @!p2 s29, $0x0  }
0x24b: {  	s1 =	smov.u32 s29;
	s28 =	sadd.s32 $0xFFFFFFFF, s26;
	p3 =	por !p3, p2  }
0x24c: {  	s25 =	smul.u32 $0x36000, s24;
	s1 =	simm.s32 @p3 $0x0;
	p3 =	sne.s32 s28, $0x0  }
.Ltmp13:
0x24d: {  	s14 =	smov.u32 s9;
	s0 =	simm.s32 @p4 $0x1;
	(pc) =	sbr.rel @!p3 .LBB2_15-.Ltmp13, $4  }
0x24e: {  	[smem:$0x7FD] =	sst s0;
	s0 =	sshrl.u32 s25, $0x2;
	s25 =	simm.s32 $0x0  }
0x24f: {  	s24 =	sadd.s32 $0x40F8, s0;
	s0 =	simm.s32 @!p2 $0x1;
	s2 =	smin.u32 @!p2 s1, $0x4E1FF  }
0x250: {  	s30 =	sadd.s32 $0x1, s22;
	s0 =	smov.u32 @p2 s25;
	s6 =	sand.u32 @!p2 $0x7FFF8, s2  }
0x251: {  	s1 =	simm.s32 @!p2 $0x1B38;
	s2 =	sand.u32 @!p2 $0x7, s2;
	s6 =	sadd.s32 @!p2 s3, s6  }
.LBB2_14:
0x252: {  	s5 =	smov.u32 s0  }
0x253: {  	[tilespmem:s1], [sflag:$0x2] =	stream.linear.gather @!p2 [hbm4b:s6+s2], $0x5, $0x38;
	[tilespmem:$0x1F0F8] =	vst v63  }
0x254: {  	s28 =	sadd.s32 $0xFFFFFFFF, s28;
	s2 =	smov.u32 s31;
	v1 =	vld.msk [tilespmem:s30+$0x0], $0x1  }
0x255: {  	p3 =	sne.s32 s28, $0x0;
	_ =	sdelay $0x3  }
0x256: {  	(v2sf) =	vpush v1, $0x0;
	_ =	sdelay $0xe  }
0x257: {  	s31 =	spop (v2sf)  }
0x258: {  	p2 =	seq.s32 s2, s31  }
0x259: {  	p4 =	sgt.s32 @!p2 s2, $0x0;
	s1 =	sshll.u32 @!p2 s0, $0x6;
	s0 =	sadd.s32 @!p2 $0x1, s0  }
.Ltmp14:
0x25a: {  	p4 =	por !p4, p2;
	s1 =	sshra.s32 @!p2 s1, $0x2;
	(pc) =	sbr.rel @p3 .LBB2_14-.Ltmp14, $4  }
0x25b: {  	s0 =	smov.u32 @p2 s5;
	s2 =	simm.s32 @p4 $0x0;
	s1 =	sadd.s32 @!p2 $0x1B38, s1  }
0x25c: {  	s2 =	smin.u32 @!p2 s2, $0x4E1FF  }
0x25d: {  	s5 =	sand.u32 @!p2 $0x7FFF8, s2;
	s2 =	sand.u32 @!p2 $0x7, s2  }
0x25e: {  	s30 =	sadd.s32 $0x1, s30;
	s6 =	sadd.s32 @!p2 s3, s5  }
.LBB2_15:
0x25f: {  	s0 =	smul.u32 $0x14, s0  }
0x260: {  	[tilespmem:s1], [sflag:$0x2] =	stream.linear.gather @!p2 [hbm4b:s6+s2], $0x5, $0x38;
	[tilespmem:$0x1F0F8] =	vst v63  }
0x261: {  	s31 =	simm.s32 $0x2;
	s0 =	sshrl.u32 s0, $0x2  }
0x262: {  	_ =	swait.ge [sflag:s31], s0  }
0x263: {  	s0 =	ssub.s32 $0x0, s0;
	[sflag:s31] =	ssyncset.done $0x0  }
0x264: {  	[sflag:s31] =	ssyncadd.s32 s0  }
0x265: {  	v1 =	vld.msk [tilespmem:s22+$0x0], $0x1;
	_ =	sdelay $0x4  }
0x266: {  	(v2sf) =	vpush v1, $0x0;
	_ =	sdelay $0xe  }
0x267: {  	s28 =	spop (v2sf)  }
0x268: {  	p2 =	sne.s32 s29, s28  }
0x269: {  	p4 =	sne.s32 @p2 s29, s23  }
0x26a: {  	p3 =	por !p4, !p2  }
0x26b: {  	s0 =	simm.s32 @!p3 $0x0  }
0x26c: {  	v1 =	vld.msk @!p3 [tilespmem:s0+$0x1B38], $0x1f  }
0x26d: {  	p5 =	sgt.u32 @!p3 s29, $0x4E1FF  }
0x26e: {  	s1 =	sshll.u32 @!p3 s21, $0x6;
	p6 =	por @p2 p5, !p4  }
0x26f: {  	s1 =	sshra.s32 @!p3 s1, $0x2;
	p1 =	por p6, !p2;
	p6 =	por p4, !p2  }
0x270: {  	s2 =	sadd.s32 @!p3 $0x28, s1;
	s5 =	sand.u32 @!p1 $0x7FFF8, s29;
	s6 =	sshll.u32 @!p6 s21, $0x6  }
0x271: {  	s29 =	sand.u32 @!p1 $0x7, s29;
	[tilespmem:s1+$0x28] =	vst.add.f32.msk @!p3 $0x1f, v1;
	s1 =	sadd.s32 @!p1 s3, s5;
	s5 =	sshra.s32 @!p6 s6, $0x2  }
0x272: {  	[hbm4b:s1+s29] =	stream.linear.scatter @!p1 [tilespmem:s2], [sflag:$0xC], $0x5, $0x38;
	[tilespmem:$0x1F0F8] =	vst v63  }
0x273: {  	s0 =	rddreg [dreg:$0x5];
	s1 =	sadd.s32 @!p6 $0x28, s5;
	s2 =	simm.s32 @!p6 $0x1  }
0x274: {  	[spmem:s0] =	stream.linear.scatter @!p6 [tilespmem:s1], [sflag:$0x1], $0x5, $0x38;
	[tilespmem:$0x1F0F8] =	vst v63  }
0x275: {  	s0 =	sadd.s32 @p2 $0x1, s21;
	_ =	swait.ge @!p6 [sflag:s2], $0x5  }
0x276: {  	s1 =	sshrl.u32 @p2 s0, $0x4;
	[sflag:s2] =	ssyncset.done @!p6 $0x0  }
0x277: {  	s1 =	smulhi.u32 @p2 $0x97B425F, s1;
	[sflag:s2] =	ssyncadd.s32 @!p6 $0xFFFFFFFB  }
0x278: {  	s26 =	sadd.s32 $0xFFFFFFFF, s26;
	v1 =	vld.msk @p2 [tilespmem:s24+$0x0], $0x1f  }
0x279: {  	p1 =	por @p2 !p5, !p4;
	p4 =	sne.s32 s26, $0x0;
	s1 =	smul.u32 @p2 $0x1B0, s1  }
.Ltmp15:
0x27a: {  	p1 =	por !p1, !p2;
	s2 =	simm.s32 @!p3 $0x0;
	(pc) =	sbr.rel @!p4 .LBB2_17-.Ltmp15, $4  }
0x27b: {  	s5 =	sshll.u32 @!p2 s21, $0x6;
	s2 =	simm.s32 @!p1 $0x14;
	s0 =	ssub.s32 @p2 s0, s1  }
0x27c: {  	s29 =	simm.s32 $0x0;
	s2 =	sadd.s32 @!p3 $0x0, s2;
	s6 =	sshll.u32 @p2 s0, $0x4  }
0x27d: {  	s30 =	sshra.s32 @!p2 s5, $0x2;
	s1 =	simm.s32 @p2 $0x1;
	s2 =	smov.u32 @p3 s25;
	[tilespmem:s6+$0x28] =	vst.msk @p2 $0x1f, v1  }
0x27e: {  	s21 =	smov.u32 @p2 s0;
	s29 =	smov.u32 @p2 s2;
	s25 =	smov.u32 @p2 s1;
	v1 =	vld.msk @!p2 [tilespmem:s24+$0x0], $0x1f  }
.LBB2_16:
0x27f: {  	_ =	sdelay $0x3  }
0x280: {  	s22 =	sadd.s32 $0x1, s22;
	[tilespmem:s30+$0x28] =	vst.add.f32.msk @!p2 $0x1f, v1  }
0x281: {  	v1 =	vld.msk [tilespmem:s22+$0x0], $0x1;
	_ =	sdelay $0x4  }
0x282: {  	(v2sf) =	vpush v1, $0x0;
	_ =	sdelay $0xe  }
0x283: {  	s0 =	smov.u32 s28;
	s28 =	spop (v2sf)  }
0x284: {  	p2 =	sne.s32 s0, s28  }
0x285: {  	p5 =	sne.s32 @p2 s0, s23  }
0x286: {  	s5 =	sshll.u32 @!p2 s21, $0x6;
	p4 =	por !p5, !p2  }
0x287: {  	s30 =	sshra.s32 @!p2 s5, $0x2;
	s5 =	sshll.u32 @!p4 s25, $0x6  }
0x288: {  	s5 =	sshra.s32 @!p4 s5, $0x2  }
0x289: {  	p1 =	sgt.u32 @!p4 s0, $0x4E1FF;
	v1 =	vld.msk @!p4 [tilespmem:s5+$0x1B38], $0x1f  }
0x28a: {  	s31 =	sshll.u32 @!p4 s21, $0x6;
	p6 =	por @p2 p1, !p5;
	p1 =	por @p2 !p1, !p5  }
0x28b: {  	s9 =	simm.s32 @!p4 $0x0;
	s31 =	sshra.s32 @!p4 s31, $0x2;
	p1 =	por !p1, !p2  }
0x28c: {  	p5 =	por p5, !p2;
	s9 =	simm.s32 @!p1 $0x14;
	p1 =	por p6, !p2  }
0x28d: {  	s5 =	sadd.s32 @!p4 $0x28, s31;
	s13 =	sshll.u32 @!p5 s21, $0x6;
	s11 =	sand.u32 @!p1 $0x7FFF8, s0  }
0x28e: {  	s13 =	sshra.s32 @!p5 s13, $0x2;
	s0 =	sand.u32 @!p1 $0x7, s0;
	s11 =	sadd.s32 @!p1 s3, s11;
	[tilespmem:s31+$0x28] =	vst.add.f32.msk @!p4 $0x1f, v1  }
0x28f: {  	[hbm4b:s11+s0] =	stream.linear.scatter @!p1 [tilespmem:s5], [sflag:$0xC], $0x5, $0x38;
	[tilespmem:$0x1F0F8] =	vst v63  }
0x290: {  	s1 =	rddreg [dreg:$0x5];
	s0 =	sadd.s32 @!p5 $0x28, s13;
	s5 =	simm.s32 @!p5 $0x1  }
0x291: {  	[spmem:s1] =	stream.linear.scatter @!p5 [tilespmem:s0], [sflag:$0x1], $0x5, $0x38;
	[tilespmem:$0x1F0F8] =	vst v63  }
0x292: {  	s2 =	sadd.s32 @p2 $0x1, s21;
	_ =	swait.ge @!p5 [sflag:s5], $0x5  }
0x293: {  	s6 =	sshrl.u32 @p2 s2, $0x4;
	[sflag:s5] =	ssyncset.done @!p5 $0x0  }
0x294: {  	s24 =	sadd.s32 $0x80, s24;
	s6 =	smulhi.u32 @p2 $0x97B425F, s6;
	[sflag:s5] =	ssyncadd.s32 @!p5 $0xFFFFFFFB  }
0x295: {  	s26 =	sadd.s32 $0xFFFFFFFF, s26;
	v1 =	vld.msk @p2 [tilespmem:s24+$0x0], $0x1f  }
0x296: {  	p3 =	sne.s32 s26, $0x0;
	s6 =	smul.u32 @p2 $0x1B0, s6  }
.Ltmp16:
0x297: {  	_ = 	snop;
	(pc) =	sbr.rel @p3 .LBB2_16-.Ltmp16, $4  }
0x298: {  	s2 =	ssub.s32 @p2 s2, s6  }
0x299: {  	s9 =	sadd.s32 @!p4 s9, s29;
	s6 =	sshll.u32 @p2 s2, $0x4  }
0x29a: {  	s10 =	sadd.s32 @p2 $0x1, s25;
	s9 =	smov.u32 @p4 s29;
	[tilespmem:s6+$0x28] =	vst.msk @p2 $0x1f, v1  }
0x29b: {  	s25 =	smov.u32 @p2 s10;
	s21 =	smov.u32 @p2 s2;
	s29 =	smov.u32 @p2 s9;
	v1 =	vld.msk @!p2 [tilespmem:s24+$0x0], $0x1f  }
.LBB2_17:
.Ltmp17:
0x29c: {  	_ = 	snop;
	(pc) =	sbr.rel .LBB2_19-.Ltmp17, $3  }
0x29d: {  	s1 =	sld [smem:$0x7FD];
	_ =	sdelay $0x1  }
0x29e: {  	s0 =	sshrl.u32 s29, $0x2;
	s29 =	smov.u32 s28;
	s9 =	smov.u32 s14  }
0x29f: {  	s5 =	smov.u32 s7;
	s7 =	rddreg [dreg:$0x7];
	p4 =	seq.s32 s1, $0x1;
	[tilespmem:s30+$0x28] =	vst.add.f32.msk @!p2 $0x1f, v1  }
.LBB2_21:
0x2a0: {  	_ =	sfence.sel $0x180000  }
0x2a1: {  	s0 =	simm.s32 $0x9;
	[bflag:$0x0] =	sbarrier.arrive $0xFFFF  }
0x2a2: {  	s24 =	simm.s32 $0xA;
	[sflag:s0] =	ssyncpa.u1 $0x1  }
0x2a3: {  	s25 =	simm.s32 $0xB;
	[sflag:s24] =	ssyncpa.u1 $0x1  }
0x2a4: {  	s26 =	simm.s32 $0x2;
	[sflag:s25] =	ssyncpa.u1 $0x1  }
0x2a5: {  	[sflag:s26] =	ssyncpa.u1 $0x1  }
0x2a6: {  	v0 =	vld [tilespmem:$0x3648];
	_ =	sdelay $0x4  }
0x2a7: {  	(v2sf) =	vpush v0, $0x0  }
0x2a8: {  	(v2sf) =	vpush v0, $0x1;
	_ =	sdelay $0x1  }
0x2a9: {  	(v2sf) =	vpush v0, $0x2;
	_ =	sdelay $0xb  }
0x2aa: {  	s0 =	spop (v2sf)  }
0x2ab: {  	s1 =	spop (v2sf)  }
0x2ac: {  	s2 =	smov.u32 s0;
	p0 =	sne.s32 s0, s1  }
0x2ad: {  	s4 =	spop (v2sf);
	s2 =	simm.s32 @!p0 $0xFFFFFFFF  }
0x2ae: {  	v2 =	vimm.s32 $0x1;
	v3 =	vlaneseq.u32;
	p0 =	seq.s32 s4, $0xFFFFFFFF;
	v1 =	vmov s2  }
0x2af: {  	s16 =	stileid.u32;
	v0 =	vperm.xlane v0, v2;
	p1 =	sne.s32 @!p0 s0, s1;
	v1 =	vperm.xlane v1, v3  }
0x2b0: {  	vm0 =	vcmask $0x3F04;
	s6 =	simm.s32 $0x3648;
	s0 =	simm.s32 @!p0 $0x1;
	p1 =	por !p1, p0  }
0x2b1: {  	s2 =	sshll.u32 s16, $0x1;
	s1 =	sshll.u32 @!p0 s4, $0x6;
	s0 =	simm.s32 @p1 $0x0;
	v0 =	vsel vm0, v1, v0  }
0x2b2: {  	s5 =	sor.u32 $0x200, s2;
	s1 =	sshra.s32 @!p0 s1, $0x2;
	s0 =	sor.u32 @!p0 s0, s2;
	[tilespmem:$0x3648] =	vst v0  }
0x2b3: {  	[spmem:s5] =	stream.linear.scatter [tilespmem:s6], [sflag:$0x1], $0x2, $0x38;
	[tilespmem:$0x1F0F8] =	vst v63  }
0x2b4: {  	s1 =	sadd.s32 @!p0 $0x28, s1;
	s0 =	sshll.u32 @!p0 s0, $0x4  }
0x2b5: {  	[spmem:s0] =	stream.linear.scatter @!p0 [tilespmem:s1], [sflag:$0x1], $0x10, $0x38;
	[tilespmem:$0x1F0F8] =	vst v63  }
0x2b6: {  	s0 =	simm.s32 @!p0 $0x12  }
0x2b7: {  	s28 =	simm.s32 $0x1;
	s0 =	simm.s32 @p0 $0x2  }
0x2b8: {  	_ =	swait.ge [sflag:s28], s0  }
0x2b9: {  	s0 =	ssub.s32 $0x0, s0;
	[sflag:s28] =	ssyncset.done $0x0  }
0x2ba: {  	p0 =	sne.s32 s16, $0x0;
	[sflag:s28] =	ssyncadd.s32 s0  }
.Ltmp18:
0x2bb: {  	_ =	sfence.stream.spmem;
	(pc) =	sbr.rel @p0 .LBB2_38-.Ltmp18, $4  }
0x2bc: {  	s29 =	simm.s32 $0x3;
	[bflag:$0x0] =	sbarrier.arrive $0xFFFF  }
0x2bd: {  	s30 =	simm.s32 $0x4;
	[sflag:s29] =	ssyncpa.u1 $0x1  }
0x2be: {  	s31 =	simm.s32 $0x3C;
	[sflag:s30] =	ssyncpa.u1 $0x1  }
0x2bf: {  	s17 =	rddreg [dreg:$0x6];
	[sflag:s31] =	ssyncpa.u1 $0x1  }
0x2c0: {  	_ =	sfence.stream.spmem;
	s0 =	simm.s32 $0x5  }
0x2c1: {  	s1 =	simm.s32 $0x200;
	s2 =	simm.s32 $0x3658;
	[sflag:s0] =	ssyncpa.u1 $0x0  }
0x2c2: {  	[tilespmem:s2], [sflag:$0x5] =	stream.linear.gather [spmem:s1], $0x20, $0x38;
	[tilespmem:$0x1F0F8] =	vst v63  }
0x2c3: {  	s26 =	simm.s32 $0x0;
	s28 =	simm.s32 $0x3678  }
0x2c4: {  	[tilespmem:s28], [sflag:$0x5] =	stream.linear.gather [spmem:s26], $0x200, $0x38;
	[tilespmem:$0x1F0F8] =	vst v63  }
0x2c5: {  	_ =	swait.ge [sflag:s0], $0x220  }
0x2c6: {  	[sflag:s0] =	ssyncset.done $0x0  }
0x2c7: {  	s29 =	simm.s32 $0x0;
	[sflag:s0] =	ssyncadd.s32 $0xFFFFFDE0  }
0x2c8: {  	v0 =	vld.msk [tilespmem:s29+$0x3658], $0x1;
	_ =	sdelay $0x1  }
0x2c9: {  	s30 =	simm.s32 $0x1  }
0x2ca: {  	v1 =	vld.msk [tilespmem:s30+$0x3658], $0x1;
	_ =	sdelay $0x1  }
0x2cb: {  	(v2sf) =	vpush v0, $0x0;
	_ =	sdelay $0x2  }
0x2cc: {  	(v2sf) =	vpush v1, $0x0;
	_ =	sdelay $0x2  }
0x2cd: {  	s31 =	simm.s32 $0x2  }
0x2ce: {  	v0 =	vld.msk [tilespmem:s31+$0x3658], $0x1;
	_ =	sdelay $0x2  }
0x2cf: {  	s4 =	simm.s32 $0xFFFFFFFF;
	s1 =	simm.s32 $0xFFFFFFFF;
	s0 =	simm.s32 $0xC  }
.LBB2_23:
0x2d0: {  	s2 =	smov.u32 s4;
	s5 =	smov.u32 s1  }
0x2d1: {  	s1 =	sshra.s32 s0, $0x2;
	p1 =	sne.s32 s0, $0x7C;
	s0 =	sadd.s32 $0x4, s0;
	(v2sf) =	vpush v0, $0x0  }
0x2d2: {  	v0 =	vld.msk [tilespmem:s1+$0x3658], $0x1  }
.Ltmp19:
0x2d3: {  	(pc) =	sbr.rel @p1 .LBB2_23-.Ltmp19, $4  }
0x2d4: {  	s4 =	spop (v2sf)  }
0x2d5: {  	p2 =	sne.s32 s5, $0xFFFFFFFF;
	s1 =	smov.u32 s4  }
0x2d6: {  	p3 =	seq.s32 s4, $0xFFFFFFFF;
	s1 =	smov.u32 @p2 s5  }
0x2d7: {  	s4 =	smov.u32 @p3 s2;
	s1 =	smov.u32 @p3 s5  }
0x2d8: {  	(v2sf) =	vpush v0, $0x0;
	_ =	sdelay $0x8  }
0x2d9: {  	s0 =	spop (v2sf)  }
0x2da: {  	p1 =	sne.s32 s1, $0xFFFFFFFF;
	s2 =	smov.u32 s0  }
0x2db: {  	s9 =	simm.s32 $0x6;
	p2 =	seq.s32 s0, $0xFFFFFFFF;
	s2 =	smov.u32 @p1 s1  }
0x2dc: {  	s10 =	simm.s32 $0x3638;
	s2 =	smov.u32 @p2 s1;
	s1 =	spop (v2sf)  }
0x2dd: {  	s0 =	smov.u32 @p2 s4;
	p1 =	sne.s32 s2, $0xFFFFFFFF;
	s5 =	smov.u32 s1  }
.Ltmp20:
0x2de: {  	p2 =	seq.s32 s1, $0xFFFFFFFF;
	s5 =	smov.u32 @p1 s2;
	(pc) =	sbr.rel .LBB2_25-.Ltmp20, $4  }
0x2df: {  	s11 =	simm.s32 $0x0;
	s5 =	smov.u32 @p2 s2;
	s7 =	spop (v2sf)  }
0x2e0: {  	[sflag:s9] =	ssyncpa.u1 $0x0;
	p1 =	sne.s32 s5, $0xFFFFFFFF;
	s8 =	smov.u32 s7  }
0x2e1: {  	s1 =	smov.u32 @p2 s0;
	p2 =	seq.s32 s7, $0xFFFFFFFF;
	s8 =	smov.u32 @p1 s5  }
0x2e2: {  	s4 =	simm.s32 $0x0;
	s7 =	smov.u32 @p2 s1;
	s8 =	smov.u32 @p2 s5  }
.LBB2_30:
0x2e3: {  	p1 =	sgt.u32 s12, $0x4E1FF  }
0x2e4: {  	p2 =	seq.s32 @!p1 s12, s8  }
0x2e5: {  	p1 =	por p1, p2  }
0x2e6: {  	p2 =	sne.s32 @!p1 s12, s7  }
0x2e7: {  	p1 =	por p1, !p2  }
0x2e8: {  	s0 =	sshll.u32 @p1 s11, $0x6  }
0x2e9: {  	s0 =	sand.u32 @!p1 $0x7FFF8, s12  }
0x2ea: {  	s1 =	sand.u32 @!p1 $0x7, s12;
	s0 =	sadd.s32 @!p1 s3, s0  }
0x2eb: {  	[tilespmem:s10], [sflag:$0x6] =	stream.linear.gather @!p1 [hbm4b:s0+s1], $0x5, $0x38;
	[tilespmem:$0x1F0F8] =	vst v63  }
0x2ec: {  	_ =	swait.ge @!p1 [sflag:s9], $0x5  }
0x2ed: {  	[sflag:s9] =	ssyncset.done @!p1 $0x0  }
0x2ee: {  	[sflag:s9] =	ssyncadd.s32 @!p1 $0xFFFFFFFB  }
0x2ef: {  	v1 =	vld @!p1 [tilespmem:$0x3638];
	_ =	sdelay $0x2  }
0x2f0: {  	s0 =	sshll.u32 @!p1 s11, $0x6  }
0x2f1: {  	s1 =	sshrl.u32 @!p1 s0, $0x2  }
0x2f2: {  	[tilespmem:s1+$0x3678] =	vst.add.f32.msk @!p1 $0xffff, v1  }
0x2f3: {  	s0 =	sshrl.u32 s0, $0x2;
	[tilespmem:s4+$0x3658] =	vst.msk $0x1, v0  }
0x2f4: {  	v0 =	vld [tilespmem:s0+$0x3678];
	_ =	sdelay $0x2  }
0x2f5: {  	s31 =	sshll.u32 s4, $0x6  }
0x2f6: {  	s0 =	sshra.s32 s31, $0x2  }
0x2f7: {  	s4 =	sadd.s32 $0x1, s4;
	[tilespmem:s0+$0x3678] =	vst v0  }
.LBB2_32:
0x2f8: {  	s11 =	sadd.s32 $0x1, s11  }
0x2f9: {  	p1 =	sne.s32 s11, $0x20  }
.Ltmp21:
0x2fa: {  	_ = 	snop;
	(pc) =	sbr.rel @!p1 .LBB2_33-.Ltmp21, $1  }
0x2fb: {  	_ =	sdelay $0x3  }
.LBB2_25:
0x2fc: {  	v0 =	vld.msk [tilespmem:s11+$0x3658], $0x1;
	_ =	sdelay $0x4  }
0x2fd: {  	(v2sf) =	vpush v0, $0x0;
	_ =	sdelay $0xe  }
0x2fe: {  	s12 =	spop (v2sf)  }
0x2ff: {  	p1 =	seq.s32 s12, $0xFFFFFFFF  }
.Ltmp22:
0x300: {  	_ = 	snop;
	(pc) =	sbr.rel @p1 .LBB2_32-.Ltmp22, $1  }
0x301: {  	_ =	sdelay $0x3  }
0x302: {  	p1 =	slt.s32 s4, $0x1  }
.Ltmp23:
0x303: {  	_ = 	snop;
	(pc) =	sbr.rel @p1 .LBB2_30-.Ltmp23, $1  }
0x304: {  	_ =	sdelay $0x3  }
0x305: {  	s13 =	simm.s32 $0x3658;
	p1 =	por $0x0, $0x0  }
0x306: {  	v1 =	vld.msk @!p1 [tilespmem:s13+$0x0], $0x1;
	_ =	sdelay $0x4  }
0x307: {  	(v2sf) =	vpush @!p1 v1, $0x0;
	_ =	sdelay $0xd  }
0x308: {  	p3 =	sne.s32 s4, $0x1  }
.Ltmp24:
0x309: {  	s0 =	spop @!p1 (v2sf);
	(pc) =	sbr.rel @!p3 .LBB2_29-.Ltmp24, $4  }
0x30a: {  	p2 =	seq.s32 @!p1 s12, s0  }
0x30b: {  	s14 =	simm.s32 $0x0;
	p2 =	por !p2, p1  }
0x30c: {  	s0 =	simm.s32 $0xFFFFFFFF;
	s14 =	simm.s32 @p2 $0xFFFFFFFF  }
0x30d: {  	s15 =	simm.s32 $0x1;
	s14 =	smov.u32 @p1 s0  }
.LBB2_28:
0x30e: {  	s0 =	smov.u32 s14;
	p1 =	sne.s32 s14, $0xFFFFFFFF  }
0x30f: {  	s13 =	sadd.s32 $0x1, s13;
	s14 =	smov.u32 s15;
	s15 =	sadd.s32 $0x1, s15  }
0x310: {  	p2 =	sne.s32 s4, s15;
	v1 =	vld.msk @!p1 [tilespmem:s13+$0x0], $0x1;
	_ =	sdelay $0x4  }
0x311: {  	(v2sf) =	vpush @!p1 v1, $0x0;
	_ =	sdelay $0xe  }
.Ltmp25:
0x312: {  	s1 =	spop @!p1 (v2sf);
	(pc) =	sbr.rel @p2 .LBB2_28-.Ltmp25, $4  }
0x313: {  	p3 =	seq.s32 @!p1 s12, s1  }
0x314: {  	p3 =	por !p3, p1  }
0x315: {  	s14 =	simm.s32 @p3 $0xFFFFFFFF  }
0x316: {  	s14 =	smov.u32 @p1 s0  }
.LBB2_29:
0x317: {  	p1 =	sne.s32 s14, $0xFFFFFFFF  }
.Ltmp26:
0x318: {  	_ = 	snop;
	(pc) =	sbr.rel @!p1 .LBB2_30-.Ltmp26, $1  }
0x319: {  	_ =	sdelay $0x3  }
0x31a: {  	s0 =	sshll.u32 s11, $0x4  }
0x31b: {  	s0 =	sand.u32 $0x3FFFFFF0, s0  }
0x31c: {  	v0 =	vld [tilespmem:s0+$0x3678]  }
.Ltmp27:
0x31d: {  	_ = 	snop;
	(pc) =	sbr.rel .LBB2_32-.Ltmp27, $4  }
0x31e: {  	_ = 	snop  }
0x31f: {  	s31 =	sshll.u32 s14, $0x6  }
0x320: {  	s0 =	sshra.s32 s31, $0x2  }
0x321: {  	[tilespmem:s0+$0x3678] =	vst.add.f32.msk $0xffff, v0  }
.LBB2_33:
0x322: {  	s0 =	simm.s32 $0x6;
	p1 =	seq.s32 s4, $0x0  }
0x323: {  	[sflag:s0] =	ssyncpa.u1 $0x1;
	v0 =	vimm.s32 @p1 $0xFFFFFFFF  }
0x324: {  	s9 =	sadd.s32 $0xFFFFFFFF, s4;
	[tilespmem:$0x3878] =	vst @p1 v0  }
0x325: {  	v0 =	vld.msk @!p1 [tilespmem:s9+$0x3658], $0x1;
	_ =	sdelay $0x1  }
0x326: {  	v1 =	vld.msk @!p1 [tilespmem:$0x3658], $0x1;
	_ =	sdelay $0x2  }
0x327: {  	p2 =	seq.s32 @!p1 s9, $0x0;
	v0 =	vbroadcast @!p1 v0, $0x0  }
0x328: {  	vm0 =	vmmov @!p1 $0x1;
	p2 =	por !p2, p1  }
0x329: {  	v1 =	vnsel @!p1 vm0, $0xFFFFFFFF, v1;
	vm0 =	vcmask @!p1 $0x308;
	v0 =	vpsel !p2, $0xFFFFFFFF, v0  }
0x32a: {  	p2 =	sne.s32 @!p1 s8, s7;
	v0 =	vsel @!p1 vm0, v1, v0  }
0x32b: {  	s0 =	simm.s32 @!p1 $0x3678;
	s1 =	simm.s32 @!p1 $0x0;
	p3 =	por !p2, p1;
	[tilespmem:$0x3878] =	vst @!p1 v0  }
0x32c: {  	[spmem:s1] =	stream.linear.scatter @!p1 [tilespmem:s0], [sflag:$0x1], $0x10, $0x38;
	[tilespmem:$0x1F0F8] =	vst v63  }
0x32d: {  	s0 =	sshll.u32 @!p3 s9, $0x6  }
0x32e: {  	s0 =	sshra.s32 @!p3 s0, $0x2  }
0x32f: {  	s1 =	simm.s32 @!p3 $0x10;
	s0 =	sadd.s32 @!p3 $0x3678, s0  }
0x330: {  	[spmem:s1] =	stream.linear.scatter @!p3 [tilespmem:s0], [sflag:$0x1], $0x10, $0x38;
	[tilespmem:$0x1F0F8] =	vst v63  }
0x331: {  	s0 =	simm.s32 @!p3 $0x1  }
0x332: {  	_ =	swait.ge @!p3 [sflag:s0], $0x20  }
0x333: {  	p1 =	por p2, p1;
	[sflag:s0] =	ssyncset.done @!p3 $0x0  }
0x334: {  	[sflag:s0] =	ssyncadd.s32 @!p3 $0xFFFFFFE0;
	s0 =	simm.s32 @!p1 $0x1  }
0x335: {  	_ =	swait.ge @!p1 [sflag:s0], $0x10  }
0x336: {  	s29 =	simm.s32 $0x3878;
	[sflag:s0] =	ssyncset.done @!p1 $0x0  }
0x337: {  	s30 =	simm.s32 $0x200;
	s31 =	simm.s32 $0x1;
	[sflag:s0] =	ssyncadd.s32 @!p1 $0xFFFFFFF0  }
0x338: {  	[spmem:s30] =	stream.linear.scatter [tilespmem:s29], [sflag:$0x1], $0x10, $0x38;
	[tilespmem:$0x1F0F8] =	vst v63  }
0x339: {  	_ =	swait.ge [sflag:s31], $0x10  }
0x33a: {  	[sflag:s31] =	ssyncset.done $0x0  }
0x33b: {  	p1 =	seq.s32 s17, $0x0;
	s8 =	rddreg [dreg:$0x2];
	[sflag:s31] =	ssyncadd.s32 $0xFFFFFFF0  }
0x33c: {  	s1 =	sshll.u32 @p1 s8, $0xE;
	s7 =	rddreg [dreg:$0x3]  }
0x33d: {  	s0 =	sadd.s32 @p1 $0x15C3C, s1;
	s1 =	sshll.u32 @p1 s7, $0x11  }
0x33e: {  	_ =	sfence.stream.spmem;
	s0 =	sor.u32 @p1 s1, s0  }
0x33f: {  	[sflag:s0] =	ssyncadd.remote.s32 @p1 $0x1;
	s0 =	simm.s32 @p1 $0x4  }
0x340: {  	s2 =	simm.s32 @!p1 $0x3C;
	s1 =	sand.u32 $0xFFFFFFFE, s8;
	_ =	swait.ge @p1 [sflag:s0], $0x6  }
0x341: {  	s5 =	simm.s32 @!p1 $0x0;
	s1 =	sadd.s32 @!p1 $0x4, s1;
	[sflag:s0] =	ssyncset.done @p1 $0x0  }
0x342: {  	s6 =	simm.s32 @!p1 $0x20;
	[sflag:s0] =	ssyncadd.s32 @p1 $0xFFFFFFFA;
	s0 =	sshll.u32 @!p1 s1, $0x1A  }
0x343: {  	s1 =	sshll.u32 @!p1 s1, $0xD;
	s0 =	sor.u32 @!p1 s0, s7;
	_ =	swait.eq @!p1 [sflag:s2], $0x1  }
0x344: {  	s1 =	sor.u32 @!p1 $0x1C04, s1;
	s2 =	simm.s32 @!p1 $0x1C03;
	s0 =	sor.u32 @!p1 $0x80004000, s0  }
0x345: {  	[spmem:s6], [sflag:s1] =	dma.general @!p1 [spmem:s5], [sflag:s2], length:$0x4, [dreg:$0x0], stride_count:$0x0, ici_dest:s0, dma_misc:DstOpCode:WRITE  }
0x346: {  	p2 =	slt.s32 s9, $0x2;
	s5 =	simm.s32 @!p1 $0x40;
	s6 =	simm.s32 @!p1 $0x42  }
0x347: {  	[spmem:s6], [sflag:s1] =	dma.general @!p1 [spmem:s5], [sflag:s2], length:$0x2, [dreg:$0x0], stride_count:$0x0, ici_dest:s0, dma_misc:DstOpCode:WRITE  }
.Ltmp28:
0x348: {  	s0 =	simm.s32 @!p1 $0x3;
	(pc) =	sbr.rel @p2 .LBB2_37-.Ltmp28, $4  }
0x349: {  	s1 =	sshll.u32 @!p1 s8, $0xE;
	_ =	swait.ge @!p1 [sflag:s0], $0x6  }
0x34a: {  	s2 =	sshll.u32 @!p1 s7, $0x11;
	s1 =	sadd.s32 @!p1 $0x11C3C, s1;
	[sflag:s0] =	ssyncset.done @!p1 $0x0  }
0x34b: {  	[sflag:s0] =	ssyncadd.s32 @!p1 $0xFFFFFFFA;
	s0 =	sor.u32 @!p1 s2, s1  }
0x34c: {  	[sflag:s0] =	ssyncadd.remote.s32 @!p1 $0xFFFFFFFF;
	s0 =	simm.s32 $0x0  }
0x34d: {  	s0 =	simm.s32 $0x3659  }
0x34e: {  	v0 =	vld.msk [tilespmem:s0+$0x0], $0x1;
	_ =	sdelay $0x4  }
0x34f: {  	(v2sf) =	vpush v0, $0x0;
	_ =	sdelay $0xd  }
0x350: {  	s2 =	sadd.s32 $0xFFFFFFFE, s4  }
0x351: {  	s2 =	sadd.s32 $0xFFFFFFFF, s2;
	s0 =	spop (v2sf)  }
0x352: {  	p2 =	sne.s32 s2, $0x0;
	p1 =	sgt.u32 s0, $0x4E1FF  }
.Ltmp29:
0x353: {  	s4 =	sand.u32 @!p1 $0x7FFF8, s0;
	(pc) =	sbr.rel @!p2 .LBB2_36-.Ltmp29, $4  }
0x354: {  	s1 =	simm.s32 $0x3688;
	s0 =	sand.u32 @!p1 $0x7, s0;
	s4 =	sadd.s32 @!p1 s3, s4  }
0x355: {  	[hbm4b:s4+s0] =	stream.linear.scatter @!p1 [tilespmem:s1], [sflag:$0x5], $0x5, $0x38;
	[tilespmem:$0x1F0F8] =	vst v63  }
0x356: {  	s0 =	simm.s32 $0x0  }
0x357: {  	s7 =	simm.s32 $0x365A;
	s4 =	simm.s32 $0x0;
	s0 =	simm.s32 @!p1 $0x14  }
.LBB2_35:
0x358: {  	v0 =	vld.msk [tilespmem:s7+$0x0], $0x1;
	s2 =	sadd.s32 $0xFFFFFFFF, s2;
	s4 =	sadd.s32 s4, s0  }
0x359: {  	p1 =	sne.s32 s2, $0x0;
	_ =	sdelay $0x3  }
0x35a: {  	(v2sf) =	vpush v0, $0x0;
	_ =	sdelay $0xe  }
.Ltmp30:
0x35b: {  	s5 =	spop (v2sf);
	(pc) =	sbr.rel @p1 .LBB2_35-.Ltmp30, $4  }
0x35c: {  	s0 =	simm.s32 $0x0;
	p2 =	sgt.u32 s5, $0x4E1FF  }
0x35d: {  	s1 =	sadd.s32 $0x10, s1;
	s0 =	simm.s32 @!p2 $0x14;
	s6 =	sand.u32 @!p2 $0x7FFF8, s5  }
0x35e: {  	s7 =	sadd.s32 $0x1, s7;
	s5 =	sand.u32 @!p2 $0x7, s5;
	s6 =	sadd.s32 @!p2 s3, s6  }
0x35f: {  	[hbm4b:s6+s5] =	stream.linear.scatter @!p2 [tilespmem:s1], [sflag:$0x5], $0x5, $0x38;
	[tilespmem:$0x1F0F8] =	vst v63  }
.LBB2_36:
0x360: {  	s0 =	sadd.s32 s4, s0  }
0x361: {  	s0 =	sshrl.u32 s0, $0x2  }
.LBB2_37:
0x362: {  	s1 =	simm.s32 $0x5  }
0x363: {  	_ =	swait.ge [sflag:s1], s0  }
0x364: {  	s31 =	ssub.s32 $0x0, s0;
	[sflag:s1] =	ssyncset.done $0x0  }
0x365: {  	[sflag:s1] =	ssyncadd.s32 s31  }
0x366: {  	[sflag:s1] =	ssyncpa.u1 $0x1  }
.LBB2_38:
0x367: {  	s0 =	sor.u32 s17, s16  }
0x368: {  	p1 =	sne.s32 s0, $0x0  }
.Ltmp31:
0x369: {  	_ = 	snop;
	(pc) =	sbr.rel @p1 .LBB2_53-.Ltmp31, $3  }
0x36a: {  	_ =	sdelay $0x1  }
0x36b: {  	[bflag:$0x0] =	sbarrier.arrive $0xFFFF  }
0x36c: {  	_ =	sfence  }
0x36d: {  	s0 =	simm.s32 $0x7  }
0x36e: {  	s1 =	simm.s32 $0x200;
	s2 =	simm.s32 $0x3658;
	[sflag:s0] =	ssyncpa.u1 $0x0  }
0x36f: {  	[tilespmem:s2], [sflag:$0x7] =	stream.linear.gather [spmem:s1], $0x20, $0x38;
	[tilespmem:$0x1F0F8] =	vst v63  }
0x370: {  	s30 =	simm.s32 $0x3678;
	s1 =	simm.s32 $0x0  }
0x371: {  	[tilespmem:s30], [sflag:$0x7] =	stream.linear.gather [spmem:s1], $0x200, $0x38;
	[tilespmem:$0x1F0F8] =	vst v63  }
.Ltmp32:
0x372: {  	_ = 	snop;
	(pc) =	sbr.rel .LBB2_40-.Ltmp32, $4  }
0x373: {  	_ =	swait.ge [sflag:s0], $0x220  }
0x374: {  	[sflag:s0] =	ssyncset.done $0x0  }
0x375: {  	s31 =	simm.s32 $0x8;
	[sflag:s0] =	ssyncadd.s32 $0xFFFFFDE0  }
0x376: {  	s2 =	simm.s32 $0x0;
	[sflag:s31] =	ssyncpa.u1 $0x0  }
.LBB2_45:
0x377: {  	p1 =	slt.u32 s4, $0x4E200  }
0x378: {  	s0 =	sand.u32 @p1 $0x7FFF8, s4  }
0x379: {  	s4 =	sand.u32 @p1 $0x7, s4;
	s5 =	simm.s32 @p1 $0x3638;
	s0 =	sadd.s32 @p1 s3, s0  }
0x37a: {  	[tilespmem:s5], [sflag:$0x8] =	stream.linear.gather @p1 [hbm4b:s0+s4], $0x5, $0x38;
	[tilespmem:$0x1F0F8] =	vst v63  }
0x37b: {  	s0 =	simm.s32 @p1 $0x8  }
0x37c: {  	_ =	swait.ge @p1 [sflag:s0], $0x5  }
0x37d: {  	[sflag:s0] =	ssyncset.done @p1 $0x0  }
0x37e: {  	[sflag:s0] =	ssyncadd.s32 @p1 $0xFFFFFFFB  }
0x37f: {  	v1 =	vld @p1 [tilespmem:$0x3638];
	_ =	sdelay $0x2  }
0x380: {  	s0 =	sshll.u32 @p1 s2, $0x6  }
0x381: {  	s5 =	sshll.u32 @!p1 s2, $0x6;
	s4 =	sshrl.u32 @p1 s0, $0x2  }
0x382: {  	s5 =	smov.u32 @p1 s0;
	[tilespmem:s4+$0x3678] =	vst.add.f32.msk @p1 $0xffff, v1  }
0x383: {  	s0 =	sshrl.u32 s5, $0x2;
	[tilespmem:s1+$0x3658] =	vst.msk $0x1, v0  }
0x384: {  	v0 =	vld [tilespmem:s0+$0x3678];
	_ =	sdelay $0x2  }
0x385: {  	s31 =	sshll.u32 s1, $0x6  }
0x386: {  	s0 =	sshra.s32 s31, $0x2  }
0x387: {  	s1 =	sadd.s32 $0x1, s1;
	[tilespmem:s0+$0x3678] =	vst v0  }
.LBB2_47:
0x388: {  	s2 =	sadd.s32 $0x1, s2  }
0x389: {  	p1 =	sne.s32 s2, $0x20  }
.Ltmp33:
0x38a: {  	_ = 	snop;
	(pc) =	sbr.rel @!p1 .LBB2_48-.Ltmp33, $1  }
0x38b: {  	_ =	sdelay $0x3  }
.LBB2_40:
0x38c: {  	v0 =	vld.msk [tilespmem:s2+$0x3658], $0x1;
	_ =	sdelay $0x4  }
0x38d: {  	(v2sf) =	vpush v0, $0x0;
	_ =	sdelay $0xe  }
0x38e: {  	s4 =	spop (v2sf)  }
0x38f: {  	p1 =	seq.s32 s4, $0xFFFFFFFF  }
.Ltmp34:
0x390: {  	_ = 	snop;
	(pc) =	sbr.rel @p1 .LBB2_47-.Ltmp34, $1  }
0x391: {  	_ =	sdelay $0x3  }
0x392: {  	p1 =	slt.s32 s1, $0x1  }
.Ltmp35:
0x393: {  	_ = 	snop;
	(pc) =	sbr.rel @p1 .LBB2_45-.Ltmp35, $1  }
0x394: {  	_ =	sdelay $0x3  }
0x395: {  	s5 =	simm.s32 $0x3658;
	p1 =	por $0x0, $0x0  }
0x396: {  	v1 =	vld.msk @!p1 [tilespmem:s5+$0x0], $0x1;
	_ =	sdelay $0x4  }
0x397: {  	(v2sf) =	vpush @!p1 v1, $0x0;
	_ =	sdelay $0xd  }
0x398: {  	p3 =	sne.s32 s1, $0x1  }
.Ltmp36:
0x399: {  	s0 =	spop @!p1 (v2sf);
	(pc) =	sbr.rel @!p3 .LBB2_44-.Ltmp36, $4  }
0x39a: {  	p2 =	seq.s32 @!p1 s4, s0  }
0x39b: {  	s6 =	simm.s32 $0x0;
	p2 =	por !p2, p1  }
0x39c: {  	s0 =	simm.s32 $0xFFFFFFFF;
	s6 =	simm.s32 @p2 $0xFFFFFFFF  }
0x39d: {  	s7 =	simm.s32 $0x1;
	s6 =	smov.u32 @p1 s0  }
.LBB2_43:
0x39e: {  	s0 =	smov.u32 s6;
	p1 =	sne.s32 s6, $0xFFFFFFFF  }
0x39f: {  	s5 =	sadd.s32 $0x1, s5;
	s6 =	smov.u32 s7;
	s7 =	sadd.s32 $0x1, s7  }
0x3a0: {  	p2 =	sne.s32 s1, s7;
	v1 =	vld.msk @!p1 [tilespmem:s5+$0x0], $0x1;
	_ =	sdelay $0x4  }
0x3a1: {  	(v2sf) =	vpush @!p1 v1, $0x0;
	_ =	sdelay $0xe  }
.Ltmp37:
0x3a2: {  	s8 =	spop @!p1 (v2sf);
	(pc) =	sbr.rel @p2 .LBB2_43-.Ltmp37, $4  }
0x3a3: {  	p3 =	seq.s32 @!p1 s4, s8  }
0x3a4: {  	p3 =	por !p3, p1  }
0x3a5: {  	s6 =	simm.s32 @p3 $0xFFFFFFFF  }
0x3a6: {  	s6 =	smov.u32 @p1 s0  }
.LBB2_44:
0x3a7: {  	p1 =	sne.s32 s6, $0xFFFFFFFF  }
.Ltmp38:
0x3a8: {  	_ = 	snop;
	(pc) =	sbr.rel @!p1 .LBB2_45-.Ltmp38, $1  }
0x3a9: {  	_ =	sdelay $0x3  }
0x3aa: {  	s0 =	sshll.u32 s2, $0x4  }
0x3ab: {  	s0 =	sand.u32 $0x3FFFFFF0, s0  }
0x3ac: {  	v0 =	vld [tilespmem:s0+$0x3678]  }
.Ltmp39:
0x3ad: {  	_ = 	snop;
	(pc) =	sbr.rel .LBB2_47-.Ltmp39, $4  }
0x3ae: {  	_ = 	snop  }
0x3af: {  	s31 =	sshll.u32 s6, $0x6  }
0x3b0: {  	s0 =	sshra.s32 s31, $0x2  }
0x3b1: {  	[tilespmem:s0+$0x3678] =	vst.add.f32.msk $0xffff, v0  }
.LBB2_48:
0x3b2: {  	p1 =	slt.s32 s1, $0x1  }
.Ltmp40:
0x3b3: {  	_ = 	snop;
	(pc) =	sbr.rel @p1 .LBB2_52-.Ltmp40, $3  }
0x3b4: {  	_ =	sdelay $0x1  }
0x3b5: {  	s0 =	simm.s32 $0x8  }
0x3b6: {  	s2 =	simm.s32 $0x0;
	[sflag:s0] =	ssyncpa.u1 $0x1  }
0x3b7: {  	s0 =	simm.s32 $0x3658  }
0x3b8: {  	v0 =	vld.msk [tilespmem:s0+$0x0], $0x1;
	_ =	sdelay $0x4  }
0x3b9: {  	(v2sf) =	vpush v0, $0x0;
	_ =	sdelay $0xe  }
0x3ba: {  	s1 =	sadd.s32 $0xFFFFFFFF, s1;
	s0 =	spop (v2sf)  }
0x3bb: {  	p2 =	sne.s32 s1, $0x0;
	p1 =	sgt.u32 s0, $0x4E1FF  }
.Ltmp41:
0x3bc: {  	s5 =	sand.u32 @!p1 $0x7FFF8, s0;
	(pc) =	sbr.rel @!p2 .LBB2_51-.Ltmp41, $4  }
0x3bd: {  	s4 =	simm.s32 $0x3678;
	s0 =	sand.u32 @!p1 $0x7, s0;
	s5 =	sadd.s32 @!p1 s3, s5  }
0x3be: {  	[hbm4b:s5+s0] =	stream.linear.scatter @!p1 [tilespmem:s4], [sflag:$0x7], $0x5, $0x38;
	[tilespmem:$0x1F0F8] =	vst v63  }
0x3bf: {  	s0 =	simm.s32 $0x0  }
0x3c0: {  	s5 =	simm.s32 $0x3659;
	s0 =	simm.s32 @!p1 $0x14  }
.LBB2_50:
0x3c1: {  	v0 =	vld.msk [tilespmem:s5+$0x0], $0x1;
	s1 =	sadd.s32 $0xFFFFFFFF, s1;
	s2 =	sadd.s32 s2, s0  }
0x3c2: {  	p1 =	sne.s32 s1, $0x0;
	_ =	sdelay $0x3  }
0x3c3: {  	(v2sf) =	vpush v0, $0x0;
	_ =	sdelay $0xe  }
.Ltmp42:
0x3c4: {  	s6 =	spop (v2sf);
	(pc) =	sbr.rel @p1 .LBB2_50-.Ltmp42, $4  }
0x3c5: {  	s0 =	simm.s32 $0x0;
	p2 =	sgt.u32 s6, $0x4E1FF  }
0x3c6: {  	s4 =	sadd.s32 $0x10, s4;
	s0 =	simm.s32 @!p2 $0x14;
	s7 =	sand.u32 @!p2 $0x7FFF8, s6  }
0x3c7: {  	s5 =	sadd.s32 $0x1, s5;
	s6 =	sand.u32 @!p2 $0x7, s6;
	s7 =	sadd.s32 @!p2 s3, s7  }
0x3c8: {  	[hbm4b:s7+s6] =	stream.linear.scatter @!p2 [tilespmem:s4], [sflag:$0x7], $0x5, $0x38;
	[tilespmem:$0x1F0F8] =	vst v63  }
.LBB2_51:
0x3c9: {  	s0 =	sadd.s32 s2, s0  }
0x3ca: {  	s2 =	sshrl.u32 s0, $0x2  }
.LBB2_52:
0x3cb: {  	s0 =	simm.s32 $0x7  }
0x3cc: {  	_ =	swait.ge [sflag:s0], s2  }
0x3cd: {  	s1 =	ssub.s32 $0x0, s2;
	[sflag:s0] =	ssyncset.done $0x0  }
0x3ce: {  	[sflag:s0] =	ssyncadd.s32 s1  }
0x3cf: {  	[sflag:s0] =	ssyncpa.u1 $0x1  }
.LBB2_53:
0x3d0: {  	_ =	sfence;
	s0 =	simm.s32 $0x1  }
0x3d1: {  	[sflag:s0] =	ssyncpa.u1 $0x1  }
0x3d2: {  	_ =	strace $0x90000050  }
0x3d3: {  	[bflag:$0x2] =	sbarrier.arrive $0xFFFF  }
0x3d4: {  	s0 =	rddreg [dreg:$0x4]  }
0x3d5: {  	s0 =	sadd.s32 @!p0 $0x100000, s0  }
0x3d6: {  	[sflag:s0] =	ssyncadd.tile.s32 @!p0 $0x1;
	_ =	shalt  }
.Lfunc_end2:
_tile_overlayer_lowered:
.L_overlay_start_2:
0x3d7: {  	(tag) =	ssettag $0x2  }
0x3d8: {  	s0 =	rddreg [dreg:$0x0];
	s2 =	stileid.u32  }
0x3d9: {  	s1 =	rddreg [dreg:$0x1];
	p0 =	sne.s32 s2, $0x0  }
0x3da: {  	s3 =	rddreg [dreg:$0x2];
	[bflag:$0x3] =	sbarrier.arrive $0xFFFF;
	s2 =	simm.s32 @!p0 $0x1C01  }
0x3db: {  	[timem:s3], [sflag:s2] =	dma.local @!p0 [hbm:s0], s1  }
0x3dc: {  	s0 =	simm.s32 @!p0 $0x1  }
0x3dd: {  	_ =	swait.ge @!p0 [sflag:s0], s1  }
0x3de: {  	s1 =	ssub.s32 @!p0 $0x0, s1;
	[sflag:s0] =	ssyncset.done @!p0 $0x0  }
0x3df: {  	[sflag:s0] =	ssyncadd.s32 @!p0 s1  }
0x3e0: {  	[bflag:$0x3] =	sbarrier.arrive $0xFFFF  }
0x3e1: {  	_ =	shalt  }

</sc_bundles>
